<compile_context>
chip_gen: v7x
topology: tpu7x:2x2x1
jax: 0.10.2.dev20260603
libtpu: 0.0.44.dev20260713+nightly
codegen_flags: <defaults>
</compile_context>

<pallas_src>
import functools

import jax
import jax.numpy as jnp
from jax import lax
from jax.experimental import pallas as pl
from jax.experimental.pallas import tpu as pltpu
from jax.experimental.pallas import tpu_sc as plsc

N = 10000
D = 128
H = 256
E = 320000

NP = 10240
EP = 331776
EB = 162
BL = 128

HALF = 5008
AROWS = 5120
JUNK = 5016
ZR = 320

RB = 512
GRID = NP // RB
FN = float(N)

_mesh = plsc.VectorSubcoreMesh(core_axis_name="c", subcore_axis_name="s")




@functools.partial(
    pl.kernel,
    out_type=jax.ShapeDtypeStruct((NP, 128), jnp.float32),
    mesh=_mesh,
    scratch_types=[
        pltpu.VMEM((EB, BL), jnp.int32),
        pltpu.VMEM((BL, 128), jnp.float32),
        pltpu.VMEM_SHARED((AROWS, 128), jnp.float32),
        pltpu.SemaphoreType.DMA,
        pltpu.SemaphoreType.DMA,
        pltpu.SemaphoreType.DMA,
        pltpu.SemaphoreType.DMA,
    ],
)
def _deg_kernel(dstr_hbm, ones_hbm, zeros_hbm, out_hbm,
                dst_v, ones_v, acc, s0, s1, s2, s3):
    sems = (s0, s1, s2, s3)
    cid = lax.axis_index("c")
    sid = lax.axis_index("s")
    wid = cid * 16 + sid
    pltpu.sync_copy(zeros_hbm, acc.at[pl.ds(sid * ZR, ZR)])
    pltpu.sync_copy(dstr_hbm.at[wid], dst_v)
    pltpu.sync_copy(ones_hbm, ones_v)
    plsc.subcore_barrier()

    @pl.loop(0, EB // 4)
    def _(g):
        for b in range(4):
            pltpu.async_copy(ones_v, acc.at[dst_v.at[4 * g + b]], sems[b],
                             add=True)
        for b in range(4):
            pltpu.make_async_copy(ones_v, acc.at[dst_v.at[4 * g + b]],
                                  sems[b]).wait()

    @pl.loop(0, EB - 4 * (EB // 4))
    def _(j):
        pltpu.sync_copy(ones_v, acc.at[dst_v.at[4 * (EB // 4) + j]], add=True)

    plsc.subcore_barrier()

    @pl.when(sid == 0)
    def _():
        pltpu.sync_copy(acc.at[pl.ds(0, HALF)],
                        out_hbm.at[pl.ds(cid * HALF, HALF)])


NB = 2
NG = EB // NB


def _stream_pass(tab_hbm, src_v, dst_v, rows, gsem, acc):
    rows_a, rows_b = rows
    sem_a, sem_b = gsem
    pltpu.async_copy(tab_hbm.at[src_v.at[0]], rows_a, sem_a)

    @pl.loop(0, EB // 2 - 1)
    def _(i):
        j = 2 * i
        gb = pltpu.async_copy(tab_hbm.at[src_v.at[j + 1]], rows_b, sem_b)
        pltpu.make_async_copy(tab_hbm.at[src_v.at[j]], rows_a, sem_a).wait()
        pltpu.sync_copy(rows_a, acc.at[dst_v.at[j]], add=True)
        pltpu.async_copy(tab_hbm.at[src_v.at[j + 2]], rows_a, sem_a)
        gb.wait()
        pltpu.sync_copy(rows_b, acc.at[dst_v.at[j + 1]], add=True)

    gb = pltpu.async_copy(tab_hbm.at[src_v.at[EB - 1]], rows_b, sem_b)
    pltpu.make_async_copy(tab_hbm.at[src_v.at[EB - 2]], rows_a, sem_a).wait()
    pltpu.sync_copy(rows_a, acc.at[dst_v.at[EB - 2]], add=True)
    gb.wait()
    pltpu.sync_copy(rows_b, acc.at[dst_v.at[EB - 1]], add=True)




@functools.partial(
    pl.kernel,
    out_type=jax.ShapeDtypeStruct((NP, 128), jnp.float32),
    mesh=_mesh,
    scratch_types=(
        [pltpu.VMEM((EB, BL), jnp.int32),
         pltpu.VMEM((EB, BL), jnp.int32)]
        + [pltpu.VMEM((BL, 128), jnp.float32)] * NB
        + [pltpu.SemaphoreType.DMA] * NB
        + [pltpu.VMEM_SHARED((AROWS, 128), jnp.float32)]
    ),
)
def _agg_kernel(tab_hbm, src_hbm, dstr_hbm, zeros_hbm, out_hbm,
                src_v, dst_v, r0, r1,
                g0, g1, acc):
    rows = (r0, r1)
    gsem = (g0, g1)
    cid = lax.axis_index("c")
    sid = lax.axis_index("s")
    wid = cid * 16 + sid
    pltpu.sync_copy(zeros_hbm, acc.at[pl.ds(sid * ZR, ZR)])
    pltpu.sync_copy(src_hbm.at[sid], src_v)
    pltpu.sync_copy(dstr_hbm.at[wid], dst_v)
    plsc.subcore_barrier()
    _stream_pass(tab_hbm, src_v, dst_v, rows, gsem, acc)
    plsc.subcore_barrier()

    @pl.when(sid == 0)
    def _():
        pltpu.sync_copy(acc.at[pl.ds(0, HALF)],
                        out_hbm.at[pl.ds(cid * HALF, HALF)])


@functools.partial(
    pl.kernel,
    out_type=[jax.ShapeDtypeStruct((NP, 128), jnp.float32),
              jax.ShapeDtypeStruct((NP, 128), jnp.float32)],
    mesh=_mesh,
    scratch_types=(
        [pltpu.VMEM((EB, BL), jnp.int32),
         pltpu.VMEM((EB, BL), jnp.int32)]
        + [pltpu.VMEM((BL, 128), jnp.float32)] * NB
        + [pltpu.SemaphoreType.DMA] * NB
        + [pltpu.VMEM_SHARED((AROWS, 128), jnp.float32)]
    ),
)
def _agg2_kernel(taba_hbm, tabb_hbm, src_hbm, dstr_hbm, zeros_hbm,
                 outa_hbm, outb_hbm,
                 src_v, dst_v, r0, r1,
                 g0, g1, acc):
    rows = (r0, r1)
    gsem = (g0, g1)
    cid = lax.axis_index("c")
    sid = lax.axis_index("s")
    wid = cid * 16 + sid
    pltpu.sync_copy(src_hbm.at[sid], src_v)
    pltpu.sync_copy(dstr_hbm.at[wid], dst_v)

    for tab_hbm, out_hbm in ((taba_hbm, outa_hbm), (tabb_hbm, outb_hbm)):
        pltpu.sync_copy(zeros_hbm, acc.at[pl.ds(sid * ZR, ZR)])
        plsc.subcore_barrier()
        _stream_pass(tab_hbm, src_v, dst_v, rows, gsem, acc)
        plsc.subcore_barrier()

        @pl.when(sid == 0)
        def _():
            pltpu.sync_copy(acc.at[pl.ds(0, HALF)],
                            out_hbm.at[pl.ds(cid * HALF, HALF)])

        plsc.subcore_barrier()


def _remap_body(d_ref, d0_ref, d1_ref):
    d = d_ref[...]
    d0_ref[...] = jnp.where(d < HALF, d, JUNK)
    d1_ref[...] = jnp.where(d >= HALF, d - HALF, JUNK)


def _remap_call(dst2d):
    return pl.pallas_call(
        _remap_body,
        grid=(27,),
        in_specs=[pl.BlockSpec((96, 128), lambda i: (i, 0))],
        out_specs=[pl.BlockSpec((96, 128), lambda i: (i, 0)),
                   pl.BlockSpec((96, 128), lambda i: (i, 0))],
        out_shape=[jax.ShapeDtypeStruct((EP // 128, 128), jnp.int32),
                   jax.ShapeDtypeStruct((EP // 128, 128), jnp.int32)],
    )(dst2d)


def _scale_body(x_ref, deg_ref, xs_ref, dinvb_ref):
    deg = jnp.maximum(deg_ref[...], 0.0) + 1.0
    dinvb = 1.0 / jnp.sqrt(deg)
    dinvb_ref[...] = dinvb
    xs_ref[...] = x_ref[...] * dinvb


def _scale_call(x_pad, degp):
    return pl.pallas_call(
        _scale_body,
        grid=(GRID,),
        in_specs=[
            pl.BlockSpec((RB, 128), lambda i: (i, 0)),
            pl.BlockSpec((RB, 128), lambda i: (i, 0)),
        ],
        out_specs=[
            pl.BlockSpec((RB, 128), lambda i: (i, 0)),
            pl.BlockSpec((RB, 128), lambda i: (i, 0)),
        ],
        out_shape=[
            jax.ShapeDtypeStruct((NP, 128), jnp.float32),
            jax.ShapeDtypeStruct((NP, 128), jnp.float32),
        ],
    )(x_pad, degp)


def _mm1_body(t_ref, xs_ref, dinvb_ref, w_ref, b_ref, y_ref, s_ref):
    i = pl.program_id(0)
    pre = dinvb_ref[...] * (t_ref[...] + xs_ref[...])
    y = jnp.dot(pre, w_ref[...], preferred_element_type=jnp.float32,
                precision=lax.Precision.HIGHEST) + b_ref[...]
    y_ref[...] = y
    rows = i * RB + lax.broadcasted_iota(jnp.int32, (RB, 1), 0)
    ym = jnp.where(rows < N, y, 0.0)

    @pl.when(i == 0)
    def _():
        s_ref[...] = jnp.zeros_like(s_ref)

    s_ref[...] += jnp.sum(ym, axis=0, keepdims=True)


def _mm1_call(t1, xs, dinvb, w1, b1):
    return pl.pallas_call(
        _mm1_body,
        grid=(GRID,),
        in_specs=[
            pl.BlockSpec((RB, 128), lambda i: (i, 0)),
            pl.BlockSpec((RB, 128), lambda i: (i, 0)),
            pl.BlockSpec((RB, 128), lambda i: (i, 0)),
            pl.BlockSpec((128, H), lambda i: (0, 0)),
            pl.BlockSpec((1, H), lambda i: (0, 0)),
        ],
        out_specs=[
            pl.BlockSpec((RB, H), lambda i: (i, 0)),
            pl.BlockSpec((1, H), lambda i: (0, 0)),
        ],
        out_shape=[
            jax.ShapeDtypeStruct((NP, H), jnp.float32),
            jax.ShapeDtypeStruct((1, H), jnp.float32),
        ],
    )(t1, xs, dinvb, w1, b1)


def _bn1_body(y_ref, s_ref, g_ref, be_ref, dinvb_ref, ha_ref, hb_ref, ssd_ref):
    i = pl.program_id(0)
    m = s_ref[...] / FN
    y = y_ref[...]
    rows = (i % GRID) * RB + lax.broadcasted_iota(jnp.int32, (RB, 1), 0)

    @pl.when(i == 0)
    def _():
        ssd_ref[...] = jnp.zeros_like(ssd_ref)

    @pl.when(i < GRID)
    def _():
        d = jnp.where(rows < N, y - m, 0.0)
        ssd_ref[...] += jnp.sum(d * d, axis=0, keepdims=True)

    @pl.when(i >= GRID)
    def _():
        v = ssd_ref[...] / FN
        inv = g_ref[...] / jnp.sqrt(v + 1e-5)
        h = (y - m) * inv + be_ref[...]
        h = jnp.maximum(h, 0.0)
        dinvb = dinvb_ref[...]
        ha_ref[...] = h[:, :128] * dinvb
        hb_ref[...] = h[:, 128:] * dinvb


def _bn1_call(y1, s1, g1, be1, dinvb):
    return pl.pallas_call(
        _bn1_body,
        grid=(2 * GRID,),
        in_specs=[
            pl.BlockSpec((RB, H), lambda i: (i % GRID, 0)),
            pl.BlockSpec((1, H), lambda i: (0, 0)),
            pl.BlockSpec((1, H), lambda i: (0, 0)),
            pl.BlockSpec((1, H), lambda i: (0, 0)),
            pl.BlockSpec((RB, 128), lambda i: (i % GRID, 0)),
        ],
        out_specs=[
            pl.BlockSpec((RB, 128), lambda i: (i % GRID, 0)),
            pl.BlockSpec((RB, 128), lambda i: (i % GRID, 0)),
        ],
        out_shape=[
            jax.ShapeDtypeStruct((NP, 128), jnp.float32),
            jax.ShapeDtypeStruct((NP, 128), jnp.float32),
        ],
        scratch_shapes=[pltpu.VMEM((1, H), jnp.float32)],
    )(y1, s1, g1, be1, dinvb)


def _mm2_body(ta_ref, tb_ref, ha_ref, hb_ref, dinvb_ref, w_ref, b_ref,
              y_ref, s_ref):
    i = pl.program_id(0)
    dinvb = dinvb_ref[...]
    prea = dinvb * (ta_ref[...] + ha_ref[...])
    preb = dinvb * (tb_ref[...] + hb_ref[...])
    y = (jnp.dot(prea, w_ref[:128, :], preferred_element_type=jnp.float32,
                precision=lax.Precision.HIGHEST)
         + jnp.dot(preb, w_ref[128:, :], preferred_element_type=jnp.float32,
                precision=lax.Precision.HIGHEST)
         + b_ref[...])
    y_ref[...] = y
    rows = i * RB + lax.broadcasted_iota(jnp.int32, (RB, 1), 0)
    ym = jnp.where(rows < N, y, 0.0)

    @pl.when(i == 0)
    def _():
        s_ref[...] = jnp.zeros_like(s_ref)

    s_ref[...] += jnp.sum(ym, axis=0, keepdims=True)


def _mm2_call(ta, tb, ha, hb, dinvb, w2, b2):
    return pl.pallas_call(
        _mm2_body,
        grid=(GRID,),
        in_specs=[
            pl.BlockSpec((RB, 128), lambda i: (i, 0)),
            pl.BlockSpec((RB, 128), lambda i: (i, 0)),
            pl.BlockSpec((RB, 128), lambda i: (i, 0)),
            pl.BlockSpec((RB, 128), lambda i: (i, 0)),
            pl.BlockSpec((RB, 128), lambda i: (i, 0)),
            pl.BlockSpec((H, H), lambda i: (0, 0)),
            pl.BlockSpec((1, H), lambda i: (0, 0)),
        ],
        out_specs=[
            pl.BlockSpec((RB, H), lambda i: (i, 0)),
            pl.BlockSpec((1, H), lambda i: (0, 0)),
        ],
        out_shape=[
            jax.ShapeDtypeStruct((NP, H), jnp.float32),
            jax.ShapeDtypeStruct((1, H), jnp.float32),
        ],
    )(ta, tb, ha, hb, dinvb, w2, b2)


def _head_body(y_ref, s_ref, g_ref, be_ref, w3_ref, b3_ref,
               w4_ref, b4_ref, cs_ref, o_ref, ssd_ref):
    i = pl.program_id(0)
    m = s_ref[...] / FN
    y = y_ref[...]
    rows = (i % GRID) * RB + lax.broadcasted_iota(jnp.int32, (RB, 1), 0)

    @pl.when(i == 0)
    def _():
        ssd_ref[...] = jnp.zeros_like(ssd_ref)
        cs_ref[...] = jnp.zeros_like(cs_ref)

    @pl.when(i < GRID)
    def _():
        d = jnp.where(rows < N, y - m, 0.0)
        ssd_ref[...] += jnp.sum(d * d, axis=0, keepdims=True)

    @pl.when(i >= GRID)
    def _():
        v = ssd_ref[...] / FN
        inv = g_ref[...] / jnp.sqrt(v + 1e-5)
        h = (y - m) * inv + be_ref[...]
        h = jnp.maximum(h, 0.0)
        h = jnp.where(rows < N, h, 0.0)
        cs_ref[...] += jnp.sum(h, axis=0, keepdims=True)

    @pl.when(i == 2 * GRID - 1)
    def _():
        p = cs_ref[...] / FN
        z = jnp.dot(p, w3_ref[...], preferred_element_type=jnp.float32,
                precision=lax.Precision.HIGHEST) + b3_ref[...]
        z = jnp.maximum(z, 0.0)
        o_ref[...] = jnp.dot(z, w4_ref[...], preferred_element_type=jnp.float32,
                precision=lax.Precision.HIGHEST) + b4_ref[...]


def _head_call(y2, s2, g2, be2, w3, b3, w4p, b4p):
    return pl.pallas_call(
        _head_body,
        grid=(2 * GRID,),
        in_specs=[
            pl.BlockSpec((RB, H), lambda i: (i % GRID, 0)),
            pl.BlockSpec((1, H), lambda i: (0, 0)),
            pl.BlockSpec((1, H), lambda i: (0, 0)),
            pl.BlockSpec((1, H), lambda i: (0, 0)),
            pl.BlockSpec((H, H), lambda i: (0, 0)),
            pl.BlockSpec((1, H), lambda i: (0, 0)),
            pl.BlockSpec((H, 128), lambda i: (0, 0)),
            pl.BlockSpec((1, 128), lambda i: (0, 0)),
        ],
        out_specs=[
            pl.BlockSpec((1, H), lambda i: (0, 0)),
            pl.BlockSpec((1, 128), lambda i: (0, 0)),
        ],
        out_shape=[
            jax.ShapeDtypeStruct((1, H), jnp.float32),
            jax.ShapeDtypeStruct((1, 128), jnp.float32),
        ],
        scratch_shapes=[pltpu.VMEM((1, H), jnp.float32)],
    )(y2, s2, g2, be2, w3, b3, w4p, b4p)


def kernel(x, edge_index, W1, b1, g1, be1, W2, b2, g2, be2, W3, b3, W4, b4):
    pad_e = EP - E
    src = jnp.concatenate([edge_index[0], jnp.full((pad_e,), N, jnp.int32)])
    dst = jnp.concatenate([edge_index[1], jnp.full((pad_e,), N, jnp.int32)])
    src = src.reshape(16, EB, BL)
    d0, d1 = _remap_call(dst.reshape(EP // 128, 128))
    dstr = jnp.concatenate([d0.reshape(16, EB, BL), d1.reshape(16, EB, BL)])

    x_pad = jnp.zeros((NP, 128), jnp.float32).at[:N].set(x)
    zeros_tab = jnp.zeros((ZR, 128), jnp.float32)
    ones128 = jnp.ones((BL, 128), jnp.float32)
    b1r = b1.reshape(1, H)
    b2r = b2.reshape(1, H)
    g1r = g1.reshape(1, H)
    g2r = g2.reshape(1, H)
    be1r = be1.reshape(1, H)
    be2r = be2.reshape(1, H)
    b3r = b3.reshape(1, H)
    w4p = jnp.zeros((H, 128), jnp.float32).at[:, 0:1].set(W4)
    b4p = jnp.broadcast_to(b4.reshape(1, 1), (1, 128))

    deg_tab = _deg_kernel(dstr, ones128, zeros_tab)
    xs, dinvb = _scale_call(x_pad, deg_tab)

    t1 = _agg_kernel(xs, src, dstr, zeros_tab)
    y1, s1 = _mm1_call(t1, xs, dinvb, W1, b1r)
    ha, hb = _bn1_call(y1, s1, g1r, be1r, dinvb)

    t2a, t2b = _agg2_kernel(ha, hb, src, dstr, zeros_tab)
    y2, s2 = _mm2_call(t2a, t2b, ha, hb, dinvb, W2, b2r)
    _, o = _head_call(y2, s2, g2r, be2r, W3, b3r, w4p, b4p)
    return o[0, 0:1]

# --- scband reference (transcript-rebuilt; emitter-appended) ---
"""Pipeline reference for scband-clause-gnn-59880434041167 (READ-ONLY COPY).

The authoritative reference and input builder live on the scoring server;
editing this copy changes nothing except your own understanding.
"""

import jax, jax.numpy as jnp
import numpy as np

N = 10000
E = 320000
D = 128
H = 256


def setup_inputs(seed: int = 0) -> dict:
    key = jax.random.key(seed)
    ks = jax.random.split(key, 12)
    inp = {}
    inp['x'] = jax.random.normal(ks[0], (N, D), dtype=jnp.float32)
    inp['edge_index'] = jax.random.randint(ks[1], (2, E), 0, N, dtype=jnp.int32)
    inp['W1'] = jax.random.normal(ks[2], (D, H), dtype=jnp.float32) / np.sqrt(D)
    inp['b1'] = jnp.zeros((H,), dtype=jnp.float32)
    inp['g1'] = jnp.ones((H,), dtype=jnp.float32)
    inp['be1'] = jnp.zeros((H,), dtype=jnp.float32)
    inp['W2'] = jax.random.normal(ks[3], (H, H), dtype=jnp.float32) / np.sqrt(H)
    inp['b2'] = jnp.zeros((H,), dtype=jnp.float32)
    inp['g2'] = jnp.ones((H,), dtype=jnp.float32)
    inp['be2'] = jnp.zeros((H,), dtype=jnp.float32)
    inp['W3'] = jax.random.normal(ks[4], (H, H), dtype=jnp.float32) / np.sqrt(H)
    inp['b3'] = jnp.zeros((H,), dtype=jnp.float32)
    inp['W4'] = jax.random.normal(ks[5], (H, 1), dtype=jnp.float32) / np.sqrt(H)
    inp['b4'] = jnp.zeros((1,), dtype=jnp.float32)
    return inp


def _gcn_conv(x, src, dst, W, b, n):
    # PyG GCNConv: linear transform, symmetric normalization with self-loops, scatter-add aggregation
    xw = x @ W
    ones = jnp.ones(src.shape[0], dtype=x.dtype)
    deg = jax.ops.segment_sum(ones, dst, num_segments=n)
    dinv = jnp.where(deg > 0, 1.0 / jnp.sqrt(deg), 0.0)
    norm = dinv[src] * dinv[dst]
    msg = xw[src] * norm[:, None]
    out = jax.ops.segment_sum(msg, dst, num_segments=n)
    return out + b


def _batchnorm(x, g, be, eps=1e-5):
    m = x.mean(axis=0)
    v = x.var(axis=0)
    return (x - m) / jnp.sqrt(v + eps) * g + be


def reference(x, edge_index, W1, b1, g1, be1, W2, b2, g2, be2, W3, b3, W4, b4):
    n = x.shape[0]
    loop = jnp.arange(n, dtype=edge_index.dtype)
    src = jnp.concatenate([edge_index[0], loop])
    dst = jnp.concatenate([edge_index[1], loop])
    h = _gcn_conv(x, src, dst, W1, b1, n)
    h = jax.nn.relu(_batchnorm(h, g1, be1))
    # dropout is identity at inference
    h = _gcn_conv(h, src, dst, W2, b2, n)
    h = jax.nn.relu(_batchnorm(h, g2, be2))
    h = h.mean(axis=0, keepdims=True)  # global mean pool, batch=None
    h = jax.nn.relu(h @ W3 + b3)
    h = h @ W4 + b4
    return h.squeeze(-1)

if __name__ == "__main__":
    import jax
    _d = setup_inputs()
    print(jax.jit(kernel)(*tuple(_d.values())))

</pallas_src>

<mosaic_0001>
#map = affine_map<(d0, d1) -> (0, 0)>
#map1 = affine_map<(d0, d1) -> (0, 0, 0)>
module attributes {stable_mosaic.version = 14 : i64} {
  func.func @_agg_kernel(%arg0: i32, %arg1: i32, %arg2: memref<10240x128xf32, #tpu.memory_space<hbm>>, %arg3: memref<16x162x128xi32, #tpu.memory_space<hbm>>, %arg4: memref<32x162x128xi32, #tpu.memory_space<hbm>>, %arg5: memref<320x128xf32, #tpu.memory_space<hbm>>, %arg6: memref<10240x128xf32, #tpu.memory_space<hbm>>, %arg7: memref<162x128xi32, #tpu.memory_space<vmem>>, %arg8: memref<162x128xi32, #tpu.memory_space<vmem>>, %arg9: memref<128x128xf32, #tpu.memory_space<vmem>>, %arg10: memref<128x128xf32, #tpu.memory_space<vmem>>, %arg11: memref<!tpu.dma_semaphore, #tpu.memory_space<semaphore_mem>>, %arg12: memref<!tpu.dma_semaphore, #tpu.memory_space<semaphore_mem>>, %arg13: memref<5120x128xf32, #tpu.memory_space<vmem_shared>>) attributes {dimension_semantics = [#tpu.dimension_semantics<core_parallel>, #tpu.dimension_semantics<subcore_parallel>], iteration_bounds = array<i64: 2, 16>, scalar_prefetch = 0 : i64, scratch_operands = 7 : i64, tpu.core_type = #tpu.core_type<sc_vector_subcore>, window_params = [{transform_indices = #map}, {transform_indices = #map1}, {transform_indices = #map1}, {transform_indices = #map}, {transform_indices = #map}]} {
    %mul3A = arith.constant 16 : i32
    %mul3A_0 = arith.muli %arg0, %mul3A : i32
    %add3A = arith.addi %mul3A_0, %arg1 : i32
    %mul3A_1 = arith.constant 320 : i32
    %mul3A_2 = arith.muli %arg1, %mul3A_1 : i32
    "tpu.region"() ({
      %run_scoped3A_37 = tpu.sem_alloc : memref<!tpu.dma_semaphore, #tpu.memory_space<semaphore_mem>>
      %dma_start3A_38 = arith.constant 0 : i32
      %dma_start3A_39 = tpu.memref_slice %arg13[%mul3A_2, %dma_start3A_38] : memref<5120x128xf32, #tpu.memory_space<vmem_shared>> -> memref<320x128xf32, #tpu.memory_space<vmem_shared>>
      tpu.enqueue_dma source(%arg5 : memref<320x128xf32, #tpu.memory_space<hbm>>) target(%dma_start3A_39 : memref<320x128xf32, #tpu.memory_space<vmem_shared>>) target_semaphore(%run_scoped3A_37 : memref<!tpu.dma_semaphore, #tpu.memory_space<semaphore_mem>>)
      %dma_wait3A_40 = arith.constant 0 : i32
      %dma_wait3A_41 = tpu.memref_slice %arg13[%mul3A_2, %dma_wait3A_40] : memref<5120x128xf32, #tpu.memory_space<vmem_shared>> -> memref<320x128xf32, #tpu.memory_space<vmem_shared>>
      tpu.wait_dma2 semaphore(%run_scoped3A_37 : memref<!tpu.dma_semaphore, #tpu.memory_space<semaphore_mem>>) src(%arg5 : memref<320x128xf32, #tpu.memory_space<hbm>>) dst(%dma_wait3A_41 : memref<320x128xf32, #tpu.memory_space<vmem_shared>>)
      tpu.yield
    }) : () -> ()
    "tpu.region"() ({
      %run_scoped3A_37 = tpu.sem_alloc : memref<!tpu.dma_semaphore, #tpu.memory_space<semaphore_mem>>
      %dma_start3A_38 = arith.constant 0 : i32
      %dma_start3A_39 = arith.constant 0 : i32
      %dma_start3A_40 = tpu.memref_slice %arg3[%arg1, %dma_start3A_38, %dma_start3A_39] : memref<16x162x128xi32, #tpu.memory_space<hbm>> -> memref<1x162x128xi32, #tpu.memory_space<hbm>>
      %dma_start3A_41 = tpu.memref_squeeze %dma_start3A_40 : memref<1x162x128xi32, #tpu.memory_space<hbm>> -> memref<162x128xi32, #tpu.memory_space<hbm>>
      %dma_start3A_42 = arith.constant 0 : i32
      %dma_start3A_43 = arith.constant 0 : i32
      %dma_start3A_44 = tpu.memref_slice %arg3[%arg1, %dma_start3A_42, %dma_start3A_43] : memref<16x162x128xi32, #tpu.memory_space<hbm>> -> memref<1x162x128xi32, #tpu.memory_space<hbm>>
      %dma_start3A_45 = tpu.memref_squeeze %dma_start3A_44 : memref<1x162x128xi32, #tpu.memory_space<hbm>> -> memref<162x128xi32, #tpu.memory_space<hbm>>
      tpu.enqueue_dma source(%dma_start3A_45 : memref<162x128xi32, #tpu.memory_space<hbm>>) target(%arg7 : memref<162x128xi32, #tpu.memory_space<vmem>>) target_semaphore(%run_scoped3A_37 : memref<!tpu.dma_semaphore, #tpu.memory_space<semaphore_mem>>)
      %dma_wait3A_46 = arith.constant 0 : i32
      %dma_wait3A_47 = arith.constant 0 : i32
      %dma_wait3A_48 = tpu.memref_slice %arg3[%arg1, %dma_wait3A_46, %dma_wait3A_47] : memref<16x162x128xi32, #tpu.memory_space<hbm>> -> memref<1x162x128xi32, #tpu.memory_space<hbm>>
      %dma_wait3A_49 = tpu.memref_squeeze %dma_wait3A_48 : memref<1x162x128xi32, #tpu.memory_space<hbm>> -> memref<162x128xi32, #tpu.memory_space<hbm>>
      %dma_wait3A_50 = arith.constant 0 : i32
      %dma_wait3A_51 = arith.constant 0 : i32
      %dma_wait3A_52 = tpu.memref_slice %arg3[%arg1, %dma_wait3A_50, %dma_wait3A_51] : memref<16x162x128xi32, #tpu.memory_space<hbm>> -> memref<1x162x128xi32, #tpu.memory_space<hbm>>
      %dma_wait3A_53 = tpu.memref_squeeze %dma_wait3A_52 : memref<1x162x128xi32, #tpu.memory_space<hbm>> -> memref<162x128xi32, #tpu.memory_space<hbm>>
      tpu.wait_dma2 semaphore(%run_scoped3A_37 : memref<!tpu.dma_semaphore, #tpu.memory_space<semaphore_mem>>) src(%dma_wait3A_53 : memref<162x128xi32, #tpu.memory_space<hbm>>) dst(%arg7 : memref<162x128xi32, #tpu.memory_space<vmem>>)
      tpu.yield
    }) : () -> ()
    "tpu.region"() ({
      %run_scoped3A_37 = tpu.sem_alloc : memref<!tpu.dma_semaphore, #tpu.memory_space<semaphore_mem>>
      %dma_start3A_38 = arith.constant 0 : i32
      %dma_start3A_39 = arith.constant 0 : i32
      %dma_start3A_40 = tpu.memref_slice %arg4[%add3A, %dma_start3A_38, %dma_start3A_39] : memref<32x162x128xi32, #tpu.memory_space<hbm>> -> memref<1x162x128xi32, #tpu.memory_space<hbm>>
      %dma_start3A_41 = tpu.memref_squeeze %dma_start3A_40 : memref<1x162x128xi32, #tpu.memory_space<hbm>> -> memref<162x128xi32, #tpu.memory_space<hbm>>
      %dma_start3A_42 = arith.constant 0 : i32
      %dma_start3A_43 = arith.constant 0 : i32
      %dma_start3A_44 = tpu.memref_slice %arg4[%add3A, %dma_start3A_42, %dma_start3A_43] : memref<32x162x128xi32, #tpu.memory_space<hbm>> -> memref<1x162x128xi32, #tpu.memory_space<hbm>>
      %dma_start3A_45 = tpu.memref_squeeze %dma_start3A_44 : memref<1x162x128xi32, #tpu.memory_space<hbm>> -> memref<162x128xi32, #tpu.memory_space<hbm>>
      tpu.enqueue_dma source(%dma_start3A_45 : memref<162x128xi32, #tpu.memory_space<hbm>>) target(%arg8 : memref<162x128xi32, #tpu.memory_space<vmem>>) target_semaphore(%run_scoped3A_37 : memref<!tpu.dma_semaphore, #tpu.memory_space<semaphore_mem>>)
      %dma_wait3A_46 = arith.constant 0 : i32
      %dma_wait3A_47 = arith.constant 0 : i32
      %dma_wait3A_48 = tpu.memref_slice %arg4[%add3A, %dma_wait3A_46, %dma_wait3A_47] : memref<32x162x128xi32, #tpu.memory_space<hbm>> -> memref<1x162x128xi32, #tpu.memory_space<hbm>>
      %dma_wait3A_49 = tpu.memref_squeeze %dma_wait3A_48 : memref<1x162x128xi32, #tpu.memory_space<hbm>> -> memref<162x128xi32, #tpu.memory_space<hbm>>
      %dma_wait3A_50 = arith.constant 0 : i32
      %dma_wait3A_51 = arith.constant 0 : i32
      %dma_wait3A_52 = tpu.memref_slice %arg4[%add3A, %dma_wait3A_50, %dma_wait3A_51] : memref<32x162x128xi32, #tpu.memory_space<hbm>> -> memref<1x162x128xi32, #tpu.memory_space<hbm>>
      %dma_wait3A_53 = tpu.memref_squeeze %dma_wait3A_52 : memref<1x162x128xi32, #tpu.memory_space<hbm>> -> memref<162x128xi32, #tpu.memory_space<hbm>>
      tpu.wait_dma2 semaphore(%run_scoped3A_37 : memref<!tpu.dma_semaphore, #tpu.memory_space<semaphore_mem>>) src(%dma_wait3A_53 : memref<162x128xi32, #tpu.memory_space<hbm>>) dst(%arg8 : memref<162x128xi32, #tpu.memory_space<vmem>>)
      tpu.yield
    }) : () -> ()
    %barrier3A = arith.constant 0 : index
    tpu.barrier barrier_id(%barrier3A)
    %dma_start3A = arith.constant 0 : i32
    %dma_start3A_3 = arith.constant 0 : i32
    %dma_start3A_4 = tpu.memref_slice %arg7[%dma_start3A, %dma_start3A_3] : memref<162x128xi32, #tpu.memory_space<vmem>> -> memref<1x128xi32, #tpu.memory_space<vmem>>
    %dma_start3A_5 = tpu.memref_squeeze %dma_start3A_4 : memref<1x128xi32, #tpu.memory_space<vmem>> -> memref<128xi32, #tpu.memory_space<vmem>>
    %dma_start3A_6 = arith.constant 0 : i32
    %dma_start3A_7 = arith.constant 0 : i32
    %dma_start3A_8 = tpu.memref_slice %arg2[%dma_start3A_6, %dma_start3A_7] : memref<10240x128xf32, #tpu.memory_space<hbm>> -> memref<10240x128xf32, #tpu.memory_space<hbm>>
    tpu.enqueue_indirect_dma source(%dma_start3A_8 : memref<10240x128xf32, #tpu.memory_space<hbm>>) target(%arg9 : memref<128x128xf32, #tpu.memory_space<vmem>>) offsets(%dma_start3A_5 : memref<128xi32, #tpu.memory_space<vmem>>) semaphore(%arg11 : memref<!tpu.dma_semaphore, #tpu.memory_space<semaphore_mem>>)
    %scan3A = arith.constant 0 : i32
    %scan3A_9 = arith.constant 80 : i32
    %scan3A_10 = arith.addi %scan3A, %scan3A_9 : i32
    %scan3A_11 = arith.constant 1 : i32
    scf.for %scan3A_37 = %scan3A to %scan3A_10 step %scan3A_11  : i32 {
      %mul3A_38 = arith.constant 1 : i32
      %mul3A_39 = arith.muli %scan3A_37, %mul3A_38 : i32
      %add3A_40 = arith.constant 0 : i32
      %add3A_41 = arith.addi %add3A_40, %mul3A_39 : i32
      %mul3A_42 = arith.constant 2 : i32
      %mul3A_43 = arith.muli %mul3A_42, %add3A_41 : i32
      %add3A_44 = arith.constant 1 : i32
      %add3A_45 = arith.addi %mul3A_43, %add3A_44 : i32
      %dma_start3A_46 = arith.constant 0 : i32
      %dma_start3A_47 = tpu.memref_slice %arg7[%add3A_45, %dma_start3A_46] : memref<162x128xi32, #tpu.memory_space<vmem>> -> memref<1x128xi32, #tpu.memory_space<vmem>>
      %dma_start3A_48 = tpu.memref_squeeze %dma_start3A_47 : memref<1x128xi32, #tpu.memory_space<vmem>> -> memref<128xi32, #tpu.memory_space<vmem>>
      %dma_start3A_49 = arith.constant 0 : i32
      %dma_start3A_50 = arith.constant 0 : i32
      %dma_start3A_51 = tpu.memref_slice %arg2[%dma_start3A_49, %dma_start3A_50] : memref<10240x128xf32, #tpu.memory_space<hbm>> -> memref<10240x128xf32, #tpu.memory_space<hbm>>
      tpu.enqueue_indirect_dma source(%dma_start3A_51 : memref<10240x128xf32, #tpu.memory_space<hbm>>) target(%arg10 : memref<128x128xf32, #tpu.memory_space<vmem>>) offsets(%dma_start3A_48 : memref<128xi32, #tpu.memory_space<vmem>>) semaphore(%arg12 : memref<!tpu.dma_semaphore, #tpu.memory_space<semaphore_mem>>)
      %dma_wait3A_52 = arith.constant 0 : i32
      %dma_wait3A_53 = tpu.memref_slice %arg7[%mul3A_43, %dma_wait3A_52] : memref<162x128xi32, #tpu.memory_space<vmem>> -> memref<1x128xi32, #tpu.memory_space<vmem>>
      %dma_wait3A_54 = tpu.memref_squeeze %dma_wait3A_53 : memref<1x128xi32, #tpu.memory_space<vmem>> -> memref<128xi32, #tpu.memory_space<vmem>>
      %dma_wait3A_55 = arith.constant 0 : i32
      %dma_wait3A_56 = arith.constant 0 : i32
      %dma_wait3A_57 = tpu.memref_slice %arg2[%dma_wait3A_55, %dma_wait3A_56] : memref<10240x128xf32, #tpu.memory_space<hbm>> -> memref<10240x128xf32, #tpu.memory_space<hbm>>
      tpu.wait_indirect_dma semaphore(%arg11 : memref<!tpu.dma_semaphore, #tpu.memory_space<semaphore_mem>>) src(%dma_wait3A_57 : memref<10240x128xf32, #tpu.memory_space<hbm>>) dst(%arg9 : memref<128x128xf32, #tpu.memory_space<vmem>>)
      "tpu.region"() ({
        %run_scoped3A_74 = tpu.sem_alloc : memref<!tpu.dma_semaphore, #tpu.memory_space<semaphore_mem>>
        %dma_start3A_75 = arith.constant 0 : i32
        %dma_start3A_76 = tpu.memref_slice %arg8[%mul3A_43, %dma_start3A_75] : memref<162x128xi32, #tpu.memory_space<vmem>> -> memref<1x128xi32, #tpu.memory_space<vmem>>
        %dma_start3A_77 = tpu.memref_squeeze %dma_start3A_76 : memref<1x128xi32, #tpu.memory_space<vmem>> -> memref<128xi32, #tpu.memory_space<vmem>>
        %dma_start3A_78 = arith.constant 0 : i32
        %dma_start3A_79 = arith.constant 0 : i32
        %dma_start3A_80 = tpu.memref_slice %arg13[%dma_start3A_78, %dma_start3A_79] : memref<5120x128xf32, #tpu.memory_space<vmem_shared>> -> memref<5120x128xf32, #tpu.memory_space<vmem_shared>>
        tpu.enqueue_indirect_dma source(%arg9 : memref<128x128xf32, #tpu.memory_space<vmem>>) target(%dma_start3A_80 : memref<5120x128xf32, #tpu.memory_space<vmem_shared>>) offsets(%dma_start3A_77 : memref<128xi32, #tpu.memory_space<vmem>>) semaphore(%run_scoped3A_74 : memref<!tpu.dma_semaphore, #tpu.memory_space<semaphore_mem>>) {add = true}
        %dma_wait3A_81 = arith.constant 0 : i32
        %dma_wait3A_82 = tpu.memref_slice %arg8[%mul3A_43, %dma_wait3A_81] : memref<162x128xi32, #tpu.memory_space<vmem>> -> memref<1x128xi32, #tpu.memory_space<vmem>>
        %dma_wait3A_83 = tpu.memref_squeeze %dma_wait3A_82 : memref<1x128xi32, #tpu.memory_space<vmem>> -> memref<128xi32, #tpu.memory_space<vmem>>
        %dma_wait3A_84 = arith.constant 0 : i32
        %dma_wait3A_85 = arith.constant 0 : i32
        %dma_wait3A_86 = tpu.memref_slice %arg13[%dma_wait3A_84, %dma_wait3A_85] : memref<5120x128xf32, #tpu.memory_space<vmem_shared>> -> memref<5120x128xf32, #tpu.memory_space<vmem_shared>>
        tpu.wait_indirect_dma semaphore(%run_scoped3A_74 : memref<!tpu.dma_semaphore, #tpu.memory_space<semaphore_mem>>) src(%arg9 : memref<128x128xf32, #tpu.memory_space<vmem>>) dst(%dma_wait3A_86 : memref<5120x128xf32, #tpu.memory_space<vmem_shared>>)
        tpu.yield
      }) : () -> ()
      %add3A_58 = arith.constant 2 : i32
      %add3A_59 = arith.addi %mul3A_43, %add3A_58 : i32
      %dma_start3A_60 = arith.constant 0 : i32
      %dma_start3A_61 = tpu.memref_slice %arg7[%add3A_59, %dma_start3A_60] : memref<162x128xi32, #tpu.memory_space<vmem>> -> memref<1x128xi32, #tpu.memory_space<vmem>>
      %dma_start3A_62 = tpu.memref_squeeze %dma_start3A_61 : memref<1x128xi32, #tpu.memory_space<vmem>> -> memref<128xi32, #tpu.memory_space<vmem>>
      %dma_start3A_63 = arith.constant 0 : i32
      %dma_start3A_64 = arith.constant 0 : i32
      %dma_start3A_65 = tpu.memref_slice %arg2[%dma_start3A_63, %dma_start3A_64] : memref<10240x128xf32, #tpu.memory_space<hbm>> -> memref<10240x128xf32, #tpu.memory_space<hbm>>
      tpu.enqueue_indirect_dma source(%dma_start3A_65 : memref<10240x128xf32, #tpu.memory_space<hbm>>) target(%arg9 : memref<128x128xf32, #tpu.memory_space<vmem>>) offsets(%dma_start3A_62 : memref<128xi32, #tpu.memory_space<vmem>>) semaphore(%arg11 : memref<!tpu.dma_semaphore, #tpu.memory_space<semaphore_mem>>)
      %dma_wait3A_66 = arith.constant 0 : i32
      %dma_wait3A_67 = tpu.memref_slice %arg7[%add3A_45, %dma_wait3A_66] : memref<162x128xi32, #tpu.memory_space<vmem>> -> memref<1x128xi32, #tpu.memory_space<vmem>>
      %dma_wait3A_68 = tpu.memref_squeeze %dma_wait3A_67 : memref<1x128xi32, #tpu.memory_space<vmem>> -> memref<128xi32, #tpu.memory_space<vmem>>
      %dma_wait3A_69 = arith.constant 0 : i32
      %dma_wait3A_70 = arith.constant 0 : i32
      %dma_wait3A_71 = tpu.memref_slice %arg2[%dma_wait3A_69, %dma_wait3A_70] : memref<10240x128xf32, #tpu.memory_space<hbm>> -> memref<10240x128xf32, #tpu.memory_space<hbm>>
      tpu.wait_indirect_dma semaphore(%arg12 : memref<!tpu.dma_semaphore, #tpu.memory_space<semaphore_mem>>) src(%dma_wait3A_71 : memref<10240x128xf32, #tpu.memory_space<hbm>>) dst(%arg10 : memref<128x128xf32, #tpu.memory_space<vmem>>)
      %add3A_72 = arith.constant 1 : i32
      %add3A_73 = arith.addi %mul3A_43, %add3A_72 : i32
      "tpu.region"() ({
        %run_scoped3A_74 = tpu.sem_alloc : memref<!tpu.dma_semaphore, #tpu.memory_space<semaphore_mem>>
        %dma_start3A_75 = arith.constant 0 : i32
        %dma_start3A_76 = tpu.memref_slice %arg8[%add3A_73, %dma_start3A_75] : memref<162x128xi32, #tpu.memory_space<vmem>> -> memref<1x128xi32, #tpu.memory_space<vmem>>
        %dma_start3A_77 = tpu.memref_squeeze %dma_start3A_76 : memref<1x128xi32, #tpu.memory_space<vmem>> -> memref<128xi32, #tpu.memory_space<vmem>>
        %dma_start3A_78 = arith.constant 0 : i32
        %dma_start3A_79 = arith.constant 0 : i32
        %dma_start3A_80 = tpu.memref_slice %arg13[%dma_start3A_78, %dma_start3A_79] : memref<5120x128xf32, #tpu.memory_space<vmem_shared>> -> memref<5120x128xf32, #tpu.memory_space<vmem_shared>>
        tpu.enqueue_indirect_dma source(%arg10 : memref<128x128xf32, #tpu.memory_space<vmem>>) target(%dma_start3A_80 : memref<5120x128xf32, #tpu.memory_space<vmem_shared>>) offsets(%dma_start3A_77 : memref<128xi32, #tpu.memory_space<vmem>>) semaphore(%run_scoped3A_74 : memref<!tpu.dma_semaphore, #tpu.memory_space<semaphore_mem>>) {add = true}
        %dma_wait3A_81 = arith.constant 0 : i32
        %dma_wait3A_82 = tpu.memref_slice %arg8[%add3A_73, %dma_wait3A_81] : memref<162x128xi32, #tpu.memory_space<vmem>> -> memref<1x128xi32, #tpu.memory_space<vmem>>
        %dma_wait3A_83 = tpu.memref_squeeze %dma_wait3A_82 : memref<1x128xi32, #tpu.memory_space<vmem>> -> memref<128xi32, #tpu.memory_space<vmem>>
        %dma_wait3A_84 = arith.constant 0 : i32
        %dma_wait3A_85 = arith.constant 0 : i32
        %dma_wait3A_86 = tpu.memref_slice %arg13[%dma_wait3A_84, %dma_wait3A_85] : memref<5120x128xf32, #tpu.memory_space<vmem_shared>> -> memref<5120x128xf32, #tpu.memory_space<vmem_shared>>
        tpu.wait_indirect_dma semaphore(%run_scoped3A_74 : memref<!tpu.dma_semaphore, #tpu.memory_space<semaphore_mem>>) src(%arg10 : memref<128x128xf32, #tpu.memory_space<vmem>>) dst(%dma_wait3A_86 : memref<5120x128xf32, #tpu.memory_space<vmem_shared>>)
        tpu.yield
      }) : () -> ()
    }
    %scan3A_12 = arith.constant 80 : i32
    %dma_start3A_13 = arith.constant 161 : i32
    %dma_start3A_14 = arith.constant 0 : i32
    %dma_start3A_15 = tpu.memref_slice %arg7[%dma_start3A_13, %dma_start3A_14] : memref<162x128xi32, #tpu.memory_space<vmem>> -> memref<1x128xi32, #tpu.memory_space<vmem>>
    %dma_start3A_16 = tpu.memref_squeeze %dma_start3A_15 : memref<1x128xi32, #tpu.memory_space<vmem>> -> memref<128xi32, #tpu.memory_space<vmem>>
    %dma_start3A_17 = arith.constant 0 : i32
    %dma_start3A_18 = arith.constant 0 : i32
    %dma_start3A_19 = tpu.memref_slice %arg2[%dma_start3A_17, %dma_start3A_18] : memref<10240x128xf32, #tpu.memory_space<hbm>> -> memref<10240x128xf32, #tpu.memory_space<hbm>>
    tpu.enqueue_indirect_dma source(%dma_start3A_19 : memref<10240x128xf32, #tpu.memory_space<hbm>>) target(%arg10 : memref<128x128xf32, #tpu.memory_space<vmem>>) offsets(%dma_start3A_16 : memref<128xi32, #tpu.memory_space<vmem>>) semaphore(%arg12 : memref<!tpu.dma_semaphore, #tpu.memory_space<semaphore_mem>>)
    %dma_wait3A = arith.constant 160 : i32
    %dma_wait3A_20 = arith.constant 0 : i32
    %dma_wait3A_21 = tpu.memref_slice %arg7[%dma_wait3A, %dma_wait3A_20] : memref<162x128xi32, #tpu.memory_space<vmem>> -> memref<1x128xi32, #tpu.memory_space<vmem>>
    %dma_wait3A_22 = tpu.memref_squeeze %dma_wait3A_21 : memref<1x128xi32, #tpu.memory_space<vmem>> -> memref<128xi32, #tpu.memory_space<vmem>>
    %dma_wait3A_23 = arith.constant 0 : i32
    %dma_wait3A_24 = arith.constant 0 : i32
    %dma_wait3A_25 = tpu.memref_slice %arg2[%dma_wait3A_23, %dma_wait3A_24] : memref<10240x128xf32, #tpu.memory_space<hbm>> -> memref<10240x128xf32, #tpu.memory_space<hbm>>
    tpu.wait_indirect_dma semaphore(%arg11 : memref<!tpu.dma_semaphore, #tpu.memory_space<semaphore_mem>>) src(%dma_wait3A_25 : memref<10240x128xf32, #tpu.memory_space<hbm>>) dst(%arg9 : memref<128x128xf32, #tpu.memory_space<vmem>>)
    %run_scoped3A = arith.constant 160 : i32
    "tpu.region"() ({
      %run_scoped3A_37 = tpu.sem_alloc : memref<!tpu.dma_semaphore, #tpu.memory_space<semaphore_mem>>
      %dma_start3A_38 = arith.constant 0 : i32
      %dma_start3A_39 = tpu.memref_slice %arg8[%run_scoped3A, %dma_start3A_38] : memref<162x128xi32, #tpu.memory_space<vmem>> -> memref<1x128xi32, #tpu.memory_space<vmem>>
      %dma_start3A_40 = tpu.memref_squeeze %dma_start3A_39 : memref<1x128xi32, #tpu.memory_space<vmem>> -> memref<128xi32, #tpu.memory_space<vmem>>
      %dma_start3A_41 = arith.constant 0 : i32
      %dma_start3A_42 = arith.constant 0 : i32
      %dma_start3A_43 = tpu.memref_slice %arg13[%dma_start3A_41, %dma_start3A_42] : memref<5120x128xf32, #tpu.memory_space<vmem_shared>> -> memref<5120x128xf32, #tpu.memory_space<vmem_shared>>
      tpu.enqueue_indirect_dma source(%arg9 : memref<128x128xf32, #tpu.memory_space<vmem>>) target(%dma_start3A_43 : memref<5120x128xf32, #tpu.memory_space<vmem_shared>>) offsets(%dma_start3A_40 : memref<128xi32, #tpu.memory_space<vmem>>) semaphore(%run_scoped3A_37 : memref<!tpu.dma_semaphore, #tpu.memory_space<semaphore_mem>>) {add = true}
      %dma_wait3A_44 = arith.constant 0 : i32
      %dma_wait3A_45 = tpu.memref_slice %arg8[%run_scoped3A, %dma_wait3A_44] : memref<162x128xi32, #tpu.memory_space<vmem>> -> memref<1x128xi32, #tpu.memory_space<vmem>>
      %dma_wait3A_46 = tpu.memref_squeeze %dma_wait3A_45 : memref<1x128xi32, #tpu.memory_space<vmem>> -> memref<128xi32, #tpu.memory_space<vmem>>
      %dma_wait3A_47 = arith.constant 0 : i32
      %dma_wait3A_48 = arith.constant 0 : i32
      %dma_wait3A_49 = tpu.memref_slice %arg13[%dma_wait3A_47, %dma_wait3A_48] : memref<5120x128xf32, #tpu.memory_space<vmem_shared>> -> memref<5120x128xf32, #tpu.memory_space<vmem_shared>>
      tpu.wait_indirect_dma semaphore(%run_scoped3A_37 : memref<!tpu.dma_semaphore, #tpu.memory_space<semaphore_mem>>) src(%arg9 : memref<128x128xf32, #tpu.memory_space<vmem>>) dst(%dma_wait3A_49 : memref<5120x128xf32, #tpu.memory_space<vmem_shared>>)
      tpu.yield
    }) : () -> ()
    %dma_wait3A_26 = arith.constant 161 : i32
    %dma_wait3A_27 = arith.constant 0 : i32
    %dma_wait3A_28 = tpu.memref_slice %arg7[%dma_wait3A_26, %dma_wait3A_27] : memref<162x128xi32, #tpu.memory_space<vmem>> -> memref<1x128xi32, #tpu.memory_space<vmem>>
    %dma_wait3A_29 = tpu.memref_squeeze %dma_wait3A_28 : memref<1x128xi32, #tpu.memory_space<vmem>> -> memref<128xi32, #tpu.memory_space<vmem>>
    %dma_wait3A_30 = arith.constant 0 : i32
    %dma_wait3A_31 = arith.constant 0 : i32
    %dma_wait3A_32 = tpu.memref_slice %arg2[%dma_wait3A_30, %dma_wait3A_31] : memref<10240x128xf32, #tpu.memory_space<hbm>> -> memref<10240x128xf32, #tpu.memory_space<hbm>>
    tpu.wait_indirect_dma semaphore(%arg12 : memref<!tpu.dma_semaphore, #tpu.memory_space<semaphore_mem>>) src(%dma_wait3A_32 : memref<10240x128xf32, #tpu.memory_space<hbm>>) dst(%arg10 : memref<128x128xf32, #tpu.memory_space<vmem>>)
    %run_scoped3A_33 = arith.constant 161 : i32
    "tpu.region"() ({
      %run_scoped3A_37 = tpu.sem_alloc : memref<!tpu.dma_semaphore, #tpu.memory_space<semaphore_mem>>
      %dma_start3A_38 = arith.constant 0 : i32
      %dma_start3A_39 = tpu.memref_slice %arg8[%run_scoped3A_33, %dma_start3A_38] : memref<162x128xi32, #tpu.memory_space<vmem>> -> memref<1x128xi32, #tpu.memory_space<vmem>>
      %dma_start3A_40 = tpu.memref_squeeze %dma_start3A_39 : memref<1x128xi32, #tpu.memory_space<vmem>> -> memref<128xi32, #tpu.memory_space<vmem>>
      %dma_start3A_41 = arith.constant 0 : i32
      %dma_start3A_42 = arith.constant 0 : i32
      %dma_start3A_43 = tpu.memref_slice %arg13[%dma_start3A_41, %dma_start3A_42] : memref<5120x128xf32, #tpu.memory_space<vmem_shared>> -> memref<5120x128xf32, #tpu.memory_space<vmem_shared>>
      tpu.enqueue_indirect_dma source(%arg10 : memref<128x128xf32, #tpu.memory_space<vmem>>) target(%dma_start3A_43 : memref<5120x128xf32, #tpu.memory_space<vmem_shared>>) offsets(%dma_start3A_40 : memref<128xi32, #tpu.memory_space<vmem>>) semaphore(%run_scoped3A_37 : memref<!tpu.dma_semaphore, #tpu.memory_space<semaphore_mem>>) {add = true}
      %dma_wait3A_44 = arith.constant 0 : i32
      %dma_wait3A_45 = tpu.memref_slice %arg8[%run_scoped3A_33, %dma_wait3A_44] : memref<162x128xi32, #tpu.memory_space<vmem>> -> memref<1x128xi32, #tpu.memory_space<vmem>>
      %dma_wait3A_46 = tpu.memref_squeeze %dma_wait3A_45 : memref<1x128xi32, #tpu.memory_space<vmem>> -> memref<128xi32, #tpu.memory_space<vmem>>
      %dma_wait3A_47 = arith.constant 0 : i32
      %dma_wait3A_48 = arith.constant 0 : i32
      %dma_wait3A_49 = tpu.memref_slice %arg13[%dma_wait3A_47, %dma_wait3A_48] : memref<5120x128xf32, #tpu.memory_space<vmem_shared>> -> memref<5120x128xf32, #tpu.memory_space<vmem_shared>>
      tpu.wait_indirect_dma semaphore(%run_scoped3A_37 : memref<!tpu.dma_semaphore, #tpu.memory_space<semaphore_mem>>) src(%arg10 : memref<128x128xf32, #tpu.memory_space<vmem>>) dst(%dma_wait3A_49 : memref<5120x128xf32, #tpu.memory_space<vmem_shared>>)
      tpu.yield
    }) : () -> ()
    %barrier3A_34 = arith.constant 0 : index
    tpu.barrier barrier_id(%barrier3A_34)
    %eq3A = arith.constant 0 : i32
    %eq3A_35 = arith.cmpi eq, %arg1, %eq3A : i32
    %convert_element_type3A = arith.extui %eq3A_35 : i1 to i32
    %cond3A = arith.constant 0 : i32
    %cond3A_36 = arith.cmpi ne, %convert_element_type3A, %cond3A : i32
    scf.if %cond3A_36 {
      %mul3A_37 = arith.constant 5008 : i32
      %mul3A_38 = arith.muli %arg0, %mul3A_37 : i32
      "tpu.region"() ({
        %run_scoped3A_39 = tpu.sem_alloc : memref<!tpu.dma_semaphore, #tpu.memory_space<semaphore_mem>>
        %dma_start3A_40 = arith.constant 0 : i32
        %dma_start3A_41 = tpu.memref_slice %arg6[%mul3A_38, %dma_start3A_40] : memref<10240x128xf32, #tpu.memory_space<hbm>> -> memref<5008x128xf32, #tpu.memory_space<hbm>>
        %dma_start3A_42 = arith.constant 0 : i32
        %dma_start3A_43 = arith.constant 0 : i32
        %dma_start3A_44 = tpu.memref_slice %arg13[%dma_start3A_42, %dma_start3A_43] : memref<5120x128xf32, #tpu.memory_space<vmem_shared>> -> memref<5008x128xf32, #tpu.memory_space<vmem_shared>>
        tpu.enqueue_dma source(%dma_start3A_44 : memref<5008x128xf32, #tpu.memory_space<vmem_shared>>) target(%dma_start3A_41 : memref<5008x128xf32, #tpu.memory_space<hbm>>) target_semaphore(%run_scoped3A_39 : memref<!tpu.dma_semaphore, #tpu.memory_space<semaphore_mem>>)
        %dma_wait3A_45 = arith.constant 0 : i32
        %dma_wait3A_46 = tpu.memref_slice %arg6[%mul3A_38, %dma_wait3A_45] : memref<10240x128xf32, #tpu.memory_space<hbm>> -> memref<5008x128xf32, #tpu.memory_space<hbm>>
        %dma_wait3A_47 = arith.constant 0 : i32
        %dma_wait3A_48 = arith.constant 0 : i32
        %dma_wait3A_49 = tpu.memref_slice %arg13[%dma_wait3A_47, %dma_wait3A_48] : memref<5120x128xf32, #tpu.memory_space<vmem_shared>> -> memref<5008x128xf32, #tpu.memory_space<vmem_shared>>
        tpu.wait_dma2 semaphore(%run_scoped3A_39 : memref<!tpu.dma_semaphore, #tpu.memory_space<semaphore_mem>>) src(%dma_wait3A_49 : memref<5008x128xf32, #tpu.memory_space<vmem_shared>>) dst(%dma_wait3A_46 : memref<5008x128xf32, #tpu.memory_space<hbm>>)
        tpu.yield
      }) : () -> ()
    } else {
    }
    return
  }
}

#map = affine_map<(d0, d1) -> (0, 0, 0)>
#map1 = affine_map<(d0, d1) -> (0, 0)>
module attributes {stable_mosaic.version = 14 : i64} {
  func.func @_deg_kernel(%arg0: i32, %arg1: i32, %arg2: memref<32x162x128xi32, #tpu.memory_space<hbm>>, %arg3: memref<128x128xf32, #tpu.memory_space<hbm>>, %arg4: memref<320x128xf32, #tpu.memory_space<hbm>>, %arg5: memref<10240x128xf32, #tpu.memory_space<hbm>>, %arg6: memref<162x128xi32, #tpu.memory_space<vmem>>, %arg7: memref<128x128xf32, #tpu.memory_space<vmem>>, %arg8: memref<5120x128xf32, #tpu.memory_space<vmem_shared>>, %arg9: memref<!tpu.dma_semaphore, #tpu.memory_space<semaphore_mem>>, %arg10: memref<!tpu.dma_semaphore, #tpu.memory_space<semaphore_mem>>, %arg11: memref<!tpu.dma_semaphore, #tpu.memory_space<semaphore_mem>>, %arg12: memref<!tpu.dma_semaphore, #tpu.memory_space<semaphore_mem>>) attributes {dimension_semantics = [#tpu.dimension_semantics<core_parallel>, #tpu.dimension_semantics<subcore_parallel>], iteration_bounds = array<i64: 2, 16>, scalar_prefetch = 0 : i64, scratch_operands = 7 : i64, tpu.core_type = #tpu.core_type<sc_vector_subcore>, window_params = [{transform_indices = #map}, {transform_indices = #map1}, {transform_indices = #map1}, {transform_indices = #map1}]} {
    %mul3A = arith.constant 16 : i32
    %mul3A_0 = arith.muli %arg0, %mul3A : i32
    %add3A = arith.addi %mul3A_0, %arg1 : i32
    %mul3A_1 = arith.constant 320 : i32
    %mul3A_2 = arith.muli %arg1, %mul3A_1 : i32
    "tpu.region"() ({
      %run_scoped3A = tpu.sem_alloc : memref<!tpu.dma_semaphore, #tpu.memory_space<semaphore_mem>>
      %dma_start3A = arith.constant 0 : i32
      %dma_start3A_15 = tpu.memref_slice %arg8[%mul3A_2, %dma_start3A] : memref<5120x128xf32, #tpu.memory_space<vmem_shared>> -> memref<320x128xf32, #tpu.memory_space<vmem_shared>>
      tpu.enqueue_dma source(%arg4 : memref<320x128xf32, #tpu.memory_space<hbm>>) target(%dma_start3A_15 : memref<320x128xf32, #tpu.memory_space<vmem_shared>>) target_semaphore(%run_scoped3A : memref<!tpu.dma_semaphore, #tpu.memory_space<semaphore_mem>>)
      %dma_wait3A = arith.constant 0 : i32
      %dma_wait3A_16 = tpu.memref_slice %arg8[%mul3A_2, %dma_wait3A] : memref<5120x128xf32, #tpu.memory_space<vmem_shared>> -> memref<320x128xf32, #tpu.memory_space<vmem_shared>>
      tpu.wait_dma2 semaphore(%run_scoped3A : memref<!tpu.dma_semaphore, #tpu.memory_space<semaphore_mem>>) src(%arg4 : memref<320x128xf32, #tpu.memory_space<hbm>>) dst(%dma_wait3A_16 : memref<320x128xf32, #tpu.memory_space<vmem_shared>>)
      tpu.yield
    }) : () -> ()
    "tpu.region"() ({
      %run_scoped3A = tpu.sem_alloc : memref<!tpu.dma_semaphore, #tpu.memory_space<semaphore_mem>>
      %dma_start3A = arith.constant 0 : i32
      %dma_start3A_15 = arith.constant 0 : i32
      %dma_start3A_16 = tpu.memref_slice %arg2[%add3A, %dma_start3A, %dma_start3A_15] : memref<32x162x128xi32, #tpu.memory_space<hbm>> -> memref<1x162x128xi32, #tpu.memory_space<hbm>>
      %dma_start3A_17 = tpu.memref_squeeze %dma_start3A_16 : memref<1x162x128xi32, #tpu.memory_space<hbm>> -> memref<162x128xi32, #tpu.memory_space<hbm>>
      %dma_start3A_18 = arith.constant 0 : i32
      %dma_start3A_19 = arith.constant 0 : i32
      %dma_start3A_20 = tpu.memref_slice %arg2[%add3A, %dma_start3A_18, %dma_start3A_19] : memref<32x162x128xi32, #tpu.memory_space<hbm>> -> memref<1x162x128xi32, #tpu.memory_space<hbm>>
      %dma_start3A_21 = tpu.memref_squeeze %dma_start3A_20 : memref<1x162x128xi32, #tpu.memory_space<hbm>> -> memref<162x128xi32, #tpu.memory_space<hbm>>
      tpu.enqueue_dma source(%dma_start3A_21 : memref<162x128xi32, #tpu.memory_space<hbm>>) target(%arg6 : memref<162x128xi32, #tpu.memory_space<vmem>>) target_semaphore(%run_scoped3A : memref<!tpu.dma_semaphore, #tpu.memory_space<semaphore_mem>>)
      %dma_wait3A = arith.constant 0 : i32
      %dma_wait3A_22 = arith.constant 0 : i32
      %dma_wait3A_23 = tpu.memref_slice %arg2[%add3A, %dma_wait3A, %dma_wait3A_22] : memref<32x162x128xi32, #tpu.memory_space<hbm>> -> memref<1x162x128xi32, #tpu.memory_space<hbm>>
      %dma_wait3A_24 = tpu.memref_squeeze %dma_wait3A_23 : memref<1x162x128xi32, #tpu.memory_space<hbm>> -> memref<162x128xi32, #tpu.memory_space<hbm>>
      %dma_wait3A_25 = arith.constant 0 : i32
      %dma_wait3A_26 = arith.constant 0 : i32
      %dma_wait3A_27 = tpu.memref_slice %arg2[%add3A, %dma_wait3A_25, %dma_wait3A_26] : memref<32x162x128xi32, #tpu.memory_space<hbm>> -> memref<1x162x128xi32, #tpu.memory_space<hbm>>
      %dma_wait3A_28 = tpu.memref_squeeze %dma_wait3A_27 : memref<1x162x128xi32, #tpu.memory_space<hbm>> -> memref<162x128xi32, #tpu.memory_space<hbm>>
      tpu.wait_dma2 semaphore(%run_scoped3A : memref<!tpu.dma_semaphore, #tpu.memory_space<semaphore_mem>>) src(%dma_wait3A_28 : memref<162x128xi32, #tpu.memory_space<hbm>>) dst(%arg6 : memref<162x128xi32, #tpu.memory_space<vmem>>)
      tpu.yield
    }) : () -> ()
    "tpu.region"() ({
      %run_scoped3A = tpu.sem_alloc : memref<!tpu.dma_semaphore, #tpu.memory_space<semaphore_mem>>
      tpu.enqueue_dma source(%arg3 : memref<128x128xf32, #tpu.memory_space<hbm>>) target(%arg7 : memref<128x128xf32, #tpu.memory_space<vmem>>) target_semaphore(%run_scoped3A : memref<!tpu.dma_semaphore, #tpu.memory_space<semaphore_mem>>)
      tpu.wait_dma2 semaphore(%run_scoped3A : memref<!tpu.dma_semaphore, #tpu.memory_space<semaphore_mem>>) src(%arg3 : memref<128x128xf32, #tpu.memory_space<hbm>>) dst(%arg7 : memref<128x128xf32, #tpu.memory_space<vmem>>)
      tpu.yield
    }) : () -> ()
    %barrier3A = arith.constant 0 : index
    tpu.barrier barrier_id(%barrier3A)
    %scan3A = arith.constant 0 : i32
    %scan3A_3 = arith.constant 40 : i32
    %scan3A_4 = arith.addi %scan3A, %scan3A_3 : i32
    %scan3A_5 = arith.constant 1 : i32
    scf.for %scan3A_15 = %scan3A to %scan3A_4 step %scan3A_5  : i32 {
      %mul3A_16 = arith.constant 1 : i32
      %mul3A_17 = arith.muli %scan3A_15, %mul3A_16 : i32
      %add3A_18 = arith.constant 0 : i32
      %add3A_19 = arith.addi %add3A_18, %mul3A_17 : i32
      %mul3A_20 = arith.constant 4 : i32
      %mul3A_21 = arith.muli %mul3A_20, %add3A_19 : i32
      %add3A_22 = arith.constant 0 : i32
      %add3A_23 = arith.addi %mul3A_21, %add3A_22 : i32
      %dma_start3A = arith.constant 0 : i32
      %dma_start3A_24 = tpu.memref_slice %arg6[%add3A_23, %dma_start3A] : memref<162x128xi32, #tpu.memory_space<vmem>> -> memref<1x128xi32, #tpu.memory_space<vmem>>
      %dma_start3A_25 = tpu.memref_squeeze %dma_start3A_24 : memref<1x128xi32, #tpu.memory_space<vmem>> -> memref<128xi32, #tpu.memory_space<vmem>>
      %dma_start3A_26 = arith.constant 0 : i32
      %dma_start3A_27 = arith.constant 0 : i32
      %dma_start3A_28 = tpu.memref_slice %arg8[%dma_start3A_26, %dma_start3A_27] : memref<5120x128xf32, #tpu.memory_space<vmem_shared>> -> memref<5120x128xf32, #tpu.memory_space<vmem_shared>>
      tpu.enqueue_indirect_dma source(%arg7 : memref<128x128xf32, #tpu.memory_space<vmem>>) target(%dma_start3A_28 : memref<5120x128xf32, #tpu.memory_space<vmem_shared>>) offsets(%dma_start3A_25 : memref<128xi32, #tpu.memory_space<vmem>>) semaphore(%arg9 : memref<!tpu.dma_semaphore, #tpu.memory_space<semaphore_mem>>) {add = true}
      %mul3A_29 = arith.constant 4 : i32
      %mul3A_30 = arith.muli %mul3A_29, %add3A_19 : i32
      %add3A_31 = arith.constant 1 : i32
      %add3A_32 = arith.addi %mul3A_30, %add3A_31 : i32
      %dma_start3A_33 = arith.constant 0 : i32
      %dma_start3A_34 = tpu.memref_slice %arg6[%add3A_32, %dma_start3A_33] : memref<162x128xi32, #tpu.memory_space<vmem>> -> memref<1x128xi32, #tpu.memory_space<vmem>>
      %dma_start3A_35 = tpu.memref_squeeze %dma_start3A_34 : memref<1x128xi32, #tpu.memory_space<vmem>> -> memref<128xi32, #tpu.memory_space<vmem>>
      %dma_start3A_36 = arith.constant 0 : i32
      %dma_start3A_37 = arith.constant 0 : i32
      %dma_start3A_38 = tpu.memref_slice %arg8[%dma_start3A_36, %dma_start3A_37] : memref<5120x128xf32, #tpu.memory_space<vmem_shared>> -> memref<5120x128xf32, #tpu.memory_space<vmem_shared>>
      tpu.enqueue_indirect_dma source(%arg7 : memref<128x128xf32, #tpu.memory_space<vmem>>) target(%dma_start3A_38 : memref<5120x128xf32, #tpu.memory_space<vmem_shared>>) offsets(%dma_start3A_35 : memref<128xi32, #tpu.memory_space<vmem>>) semaphore(%arg10 : memref<!tpu.dma_semaphore, #tpu.memory_space<semaphore_mem>>) {add = true}
      %mul3A_39 = arith.constant 4 : i32
      %mul3A_40 = arith.muli %mul3A_39, %add3A_19 : i32
      %add3A_41 = arith.constant 2 : i32
      %add3A_42 = arith.addi %mul3A_40, %add3A_41 : i32
      %dma_start3A_43 = arith.constant 0 : i32
      %dma_start3A_44 = tpu.memref_slice %arg6[%add3A_42, %dma_start3A_43] : memref<162x128xi32, #tpu.memory_space<vmem>> -> memref<1x128xi32, #tpu.memory_space<vmem>>
      %dma_start3A_45 = tpu.memref_squeeze %dma_start3A_44 : memref<1x128xi32, #tpu.memory_space<vmem>> -> memref<128xi32, #tpu.memory_space<vmem>>
      %dma_start3A_46 = arith.constant 0 : i32
      %dma_start3A_47 = arith.constant 0 : i32
      %dma_start3A_48 = tpu.memref_slice %arg8[%dma_start3A_46, %dma_start3A_47] : memref<5120x128xf32, #tpu.memory_space<vmem_shared>> -> memref<5120x128xf32, #tpu.memory_space<vmem_shared>>
      tpu.enqueue_indirect_dma source(%arg7 : memref<128x128xf32, #tpu.memory_space<vmem>>) target(%dma_start3A_48 : memref<5120x128xf32, #tpu.memory_space<vmem_shared>>) offsets(%dma_start3A_45 : memref<128xi32, #tpu.memory_space<vmem>>) semaphore(%arg11 : memref<!tpu.dma_semaphore, #tpu.memory_space<semaphore_mem>>) {add = true}
      %mul3A_49 = arith.constant 4 : i32
      %mul3A_50 = arith.muli %mul3A_49, %add3A_19 : i32
      %add3A_51 = arith.constant 3 : i32
      %add3A_52 = arith.addi %mul3A_50, %add3A_51 : i32
      %dma_start3A_53 = arith.constant 0 : i32
      %dma_start3A_54 = tpu.memref_slice %arg6[%add3A_52, %dma_start3A_53] : memref<162x128xi32, #tpu.memory_space<vmem>> -> memref<1x128xi32, #tpu.memory_space<vmem>>
      %dma_start3A_55 = tpu.memref_squeeze %dma_start3A_54 : memref<1x128xi32, #tpu.memory_space<vmem>> -> memref<128xi32, #tpu.memory_space<vmem>>
      %dma_start3A_56 = arith.constant 0 : i32
      %dma_start3A_57 = arith.constant 0 : i32
      %dma_start3A_58 = tpu.memref_slice %arg8[%dma_start3A_56, %dma_start3A_57] : memref<5120x128xf32, #tpu.memory_space<vmem_shared>> -> memref<5120x128xf32, #tpu.memory_space<vmem_shared>>
      tpu.enqueue_indirect_dma source(%arg7 : memref<128x128xf32, #tpu.memory_space<vmem>>) target(%dma_start3A_58 : memref<5120x128xf32, #tpu.memory_space<vmem_shared>>) offsets(%dma_start3A_55 : memref<128xi32, #tpu.memory_space<vmem>>) semaphore(%arg12 : memref<!tpu.dma_semaphore, #tpu.memory_space<semaphore_mem>>) {add = true}
      %mul3A_59 = arith.constant 4 : i32
      %mul3A_60 = arith.muli %mul3A_59, %add3A_19 : i32
      %add3A_61 = arith.constant 0 : i32
      %add3A_62 = arith.addi %mul3A_60, %add3A_61 : i32
      %dma_wait3A = arith.constant 0 : i32
      %dma_wait3A_63 = tpu.memref_slice %arg6[%add3A_62, %dma_wait3A] : memref<162x128xi32, #tpu.memory_space<vmem>> -> memref<1x128xi32, #tpu.memory_space<vmem>>
      %dma_wait3A_64 = tpu.memref_squeeze %dma_wait3A_63 : memref<1x128xi32, #tpu.memory_space<vmem>> -> memref<128xi32, #tpu.memory_space<vmem>>
      %dma_wait3A_65 = arith.constant 0 : i32
      %dma_wait3A_66 = arith.constant 0 : i32
      %dma_wait3A_67 = tpu.memref_slice %arg8[%dma_wait3A_65, %dma_wait3A_66] : memref<5120x128xf32, #tpu.memory_space<vmem_shared>> -> memref<5120x128xf32, #tpu.memory_space<vmem_shared>>
      tpu.wait_indirect_dma semaphore(%arg9 : memref<!tpu.dma_semaphore, #tpu.memory_space<semaphore_mem>>) src(%arg7 : memref<128x128xf32, #tpu.memory_space<vmem>>) dst(%dma_wait3A_67 : memref<5120x128xf32, #tpu.memory_space<vmem_shared>>)
      %mul3A_68 = arith.constant 4 : i32
      %mul3A_69 = arith.muli %mul3A_68, %add3A_19 : i32
      %add3A_70 = arith.constant 1 : i32
      %add3A_71 = arith.addi %mul3A_69, %add3A_70 : i32
      %dma_wait3A_72 = arith.constant 0 : i32
      %dma_wait3A_73 = tpu.memref_slice %arg6[%add3A_71, %dma_wait3A_72] : memref<162x128xi32, #tpu.memory_space<vmem>> -> memref<1x128xi32, #tpu.memory_space<vmem>>
      %dma_wait3A_74 = tpu.memref_squeeze %dma_wait3A_73 : memref<1x128xi32, #tpu.memory_space<vmem>> -> memref<128xi32, #tpu.memory_space<vmem>>
      %dma_wait3A_75 = arith.constant 0 : i32
      %dma_wait3A_76 = arith.constant 0 : i32
      %dma_wait3A_77 = tpu.memref_slice %arg8[%dma_wait3A_75, %dma_wait3A_76] : memref<5120x128xf32, #tpu.memory_space<vmem_shared>> -> memref<5120x128xf32, #tpu.memory_space<vmem_shared>>
      tpu.wait_indirect_dma semaphore(%arg10 : memref<!tpu.dma_semaphore, #tpu.memory_space<semaphore_mem>>) src(%arg7 : memref<128x128xf32, #tpu.memory_space<vmem>>) dst(%dma_wait3A_77 : memref<5120x128xf32, #tpu.memory_space<vmem_shared>>)
      %mul3A_78 = arith.constant 4 : i32
      %mul3A_79 = arith.muli %mul3A_78, %add3A_19 : i32
      %add3A_80 = arith.constant 2 : i32
      %add3A_81 = arith.addi %mul3A_79, %add3A_80 : i32
      %dma_wait3A_82 = arith.constant 0 : i32
      %dma_wait3A_83 = tpu.memref_slice %arg6[%add3A_81, %dma_wait3A_82] : memref<162x128xi32, #tpu.memory_space<vmem>> -> memref<1x128xi32, #tpu.memory_space<vmem>>
      %dma_wait3A_84 = tpu.memref_squeeze %dma_wait3A_83 : memref<1x128xi32, #tpu.memory_space<vmem>> -> memref<128xi32, #tpu.memory_space<vmem>>
      %dma_wait3A_85 = arith.constant 0 : i32
      %dma_wait3A_86 = arith.constant 0 : i32
      %dma_wait3A_87 = tpu.memref_slice %arg8[%dma_wait3A_85, %dma_wait3A_86] : memref<5120x128xf32, #tpu.memory_space<vmem_shared>> -> memref<5120x128xf32, #tpu.memory_space<vmem_shared>>
      tpu.wait_indirect_dma semaphore(%arg11 : memref<!tpu.dma_semaphore, #tpu.memory_space<semaphore_mem>>) src(%arg7 : memref<128x128xf32, #tpu.memory_space<vmem>>) dst(%dma_wait3A_87 : memref<5120x128xf32, #tpu.memory_space<vmem_shared>>)
      %mul3A_88 = arith.constant 4 : i32
      %mul3A_89 = arith.muli %mul3A_88, %add3A_19 : i32
      %add3A_90 = arith.constant 3 : i32
      %add3A_91 = arith.addi %mul3A_89, %add3A_90 : i32
      %dma_wait3A_92 = arith.constant 0 : i32
      %dma_wait3A_93 = tpu.memref_slice %arg6[%add3A_91, %dma_wait3A_92] : memref<162x128xi32, #tpu.memory_space<vmem>> -> memref<1x128xi32, #tpu.memory_space<vmem>>
      %dma_wait3A_94 = tpu.memref_squeeze %dma_wait3A_93 : memref<1x128xi32, #tpu.memory_space<vmem>> -> memref<128xi32, #tpu.memory_space<vmem>>
      %dma_wait3A_95 = arith.constant 0 : i32
      %dma_wait3A_96 = arith.constant 0 : i32
      %dma_wait3A_97 = tpu.memref_slice %arg8[%dma_wait3A_95, %dma_wait3A_96] : memref<5120x128xf32, #tpu.memory_space<vmem_shared>> -> memref<5120x128xf32, #tpu.memory_space<vmem_shared>>
      tpu.wait_indirect_dma semaphore(%arg12 : memref<!tpu.dma_semaphore, #tpu.memory_space<semaphore_mem>>) src(%arg7 : memref<128x128xf32, #tpu.memory_space<vmem>>) dst(%dma_wait3A_97 : memref<5120x128xf32, #tpu.memory_space<vmem_shared>>)
    }
    %scan3A_6 = arith.constant 40 : i32
    %scan3A_7 = arith.constant 0 : i32
    %scan3A_8 = arith.constant 2 : i32
    %scan3A_9 = arith.addi %scan3A_7, %scan3A_8 : i32
    %scan3A_10 = arith.constant 1 : i32
    scf.for %scan3A_15 = %scan3A_7 to %scan3A_9 step %scan3A_10  : i32 {
      %mul3A_16 = arith.constant 1 : i32
      %mul3A_17 = arith.muli %scan3A_15, %mul3A_16 : i32
      %add3A_18 = arith.constant 0 : i32
      %add3A_19 = arith.addi %add3A_18, %mul3A_17 : i32
      %add3A_20 = arith.constant 160 : i32
      %add3A_21 = arith.addi %add3A_20, %add3A_19 : i32
      "tpu.region"() ({
        %run_scoped3A = tpu.sem_alloc : memref<!tpu.dma_semaphore, #tpu.memory_space<semaphore_mem>>
        %dma_start3A = arith.constant 0 : i32
        %dma_start3A_22 = tpu.memref_slice %arg6[%add3A_21, %dma_start3A] : memref<162x128xi32, #tpu.memory_space<vmem>> -> memref<1x128xi32, #tpu.memory_space<vmem>>
        %dma_start3A_23 = tpu.memref_squeeze %dma_start3A_22 : memref<1x128xi32, #tpu.memory_space<vmem>> -> memref<128xi32, #tpu.memory_space<vmem>>
        %dma_start3A_24 = arith.constant 0 : i32
        %dma_start3A_25 = arith.constant 0 : i32
        %dma_start3A_26 = tpu.memref_slice %arg8[%dma_start3A_24, %dma_start3A_25] : memref<5120x128xf32, #tpu.memory_space<vmem_shared>> -> memref<5120x128xf32, #tpu.memory_space<vmem_shared>>
        tpu.enqueue_indirect_dma source(%arg7 : memref<128x128xf32, #tpu.memory_space<vmem>>) target(%dma_start3A_26 : memref<5120x128xf32, #tpu.memory_space<vmem_shared>>) offsets(%dma_start3A_23 : memref<128xi32, #tpu.memory_space<vmem>>) semaphore(%run_scoped3A : memref<!tpu.dma_semaphore, #tpu.memory_space<semaphore_mem>>) {add = true}
        %dma_wait3A = arith.constant 0 : i32
        %dma_wait3A_27 = tpu.memref_slice %arg6[%add3A_21, %dma_wait3A] : memref<162x128xi32, #tpu.memory_space<vmem>> -> memref<1x128xi32, #tpu.memory_space<vmem>>
        %dma_wait3A_28 = tpu.memref_squeeze %dma_wait3A_27 : memref<1x128xi32, #tpu.memory_space<vmem>> -> memref<128xi32, #tpu.memory_space<vmem>>
        %dma_wait3A_29 = arith.constant 0 : i32
        %dma_wait3A_30 = arith.constant 0 : i32
        %dma_wait3A_31 = tpu.memref_slice %arg8[%dma_wait3A_29, %dma_wait3A_30] : memref<5120x128xf32, #tpu.memory_space<vmem_shared>> -> memref<5120x128xf32, #tpu.memory_space<vmem_shared>>
        tpu.wait_indirect_dma semaphore(%run_scoped3A : memref<!tpu.dma_semaphore, #tpu.memory_space<semaphore_mem>>) src(%arg7 : memref<128x128xf32, #tpu.memory_space<vmem>>) dst(%dma_wait3A_31 : memref<5120x128xf32, #tpu.memory_space<vmem_shared>>)
        tpu.yield
      }) : () -> ()
    }
    %scan3A_11 = arith.constant 2 : i32
    %barrier3A_12 = arith.constant 0 : index
    tpu.barrier barrier_id(%barrier3A_12)
    %eq3A = arith.constant 0 : i32
    %eq3A_13 = arith.cmpi eq, %arg1, %eq3A : i32
    %convert_element_type3A = arith.extui %eq3A_13 : i1 to i32
    %cond3A = arith.constant 0 : i32
    %cond3A_14 = arith.cmpi ne, %convert_element_type3A, %cond3A : i32
    scf.if %cond3A_14 {
      %mul3A_15 = arith.constant 5008 : i32
      %mul3A_16 = arith.muli %arg0, %mul3A_15 : i32
      "tpu.region"() ({
        %run_scoped3A = tpu.sem_alloc : memref<!tpu.dma_semaphore, #tpu.memory_space<semaphore_mem>>
        %dma_start3A = arith.constant 0 : i32
        %dma_start3A_17 = tpu.memref_slice %arg5[%mul3A_16, %dma_start3A] : memref<10240x128xf32, #tpu.memory_space<hbm>> -> memref<5008x128xf32, #tpu.memory_space<hbm>>
        %dma_start3A_18 = arith.constant 0 : i32
        %dma_start3A_19 = arith.constant 0 : i32
        %dma_start3A_20 = tpu.memref_slice %arg8[%dma_start3A_18, %dma_start3A_19] : memref<5120x128xf32, #tpu.memory_space<vmem_shared>> -> memref<5008x128xf32, #tpu.memory_space<vmem_shared>>
        tpu.enqueue_dma source(%dma_start3A_20 : memref<5008x128xf32, #tpu.memory_space<vmem_shared>>) target(%dma_start3A_17 : memref<5008x128xf32, #tpu.memory_space<hbm>>) target_semaphore(%run_scoped3A : memref<!tpu.dma_semaphore, #tpu.memory_space<semaphore_mem>>)
        %dma_wait3A = arith.constant 0 : i32
        %dma_wait3A_21 = tpu.memref_slice %arg5[%mul3A_16, %dma_wait3A] : memref<10240x128xf32, #tpu.memory_space<hbm>> -> memref<5008x128xf32, #tpu.memory_space<hbm>>
        %dma_wait3A_22 = arith.constant 0 : i32
        %dma_wait3A_23 = arith.constant 0 : i32
        %dma_wait3A_24 = tpu.memref_slice %arg8[%dma_wait3A_22, %dma_wait3A_23] : memref<5120x128xf32, #tpu.memory_space<vmem_shared>> -> memref<5008x128xf32, #tpu.memory_space<vmem_shared>>
        tpu.wait_dma2 semaphore(%run_scoped3A : memref<!tpu.dma_semaphore, #tpu.memory_space<semaphore_mem>>) src(%dma_wait3A_24 : memref<5008x128xf32, #tpu.memory_space<vmem_shared>>) dst(%dma_wait3A_21 : memref<5008x128xf32, #tpu.memory_space<hbm>>)
        tpu.yield
      }) : () -> ()
    } else {
    }
    return
  }
}

#map = affine_map<(d0, d1) -> (0, 0)>
#map1 = affine_map<(d0, d1) -> (0, 0, 0)>
module attributes {stable_mosaic.version = 14 : i64} {
  func.func @_agg2_kernel(%arg0: i32, %arg1: i32, %arg2: memref<10240x128xf32, #tpu.memory_space<hbm>>, %arg3: memref<10240x128xf32, #tpu.memory_space<hbm>>, %arg4: memref<16x162x128xi32, #tpu.memory_space<hbm>>, %arg5: memref<32x162x128xi32, #tpu.memory_space<hbm>>, %arg6: memref<320x128xf32, #tpu.memory_space<hbm>>, %arg7: memref<10240x128xf32, #tpu.memory_space<hbm>>, %arg8: memref<10240x128xf32, #tpu.memory_space<hbm>>, %arg9: memref<162x128xi32, #tpu.memory_space<vmem>>, %arg10: memref<162x128xi32, #tpu.memory_space<vmem>>, %arg11: memref<128x128xf32, #tpu.memory_space<vmem>>, %arg12: memref<128x128xf32, #tpu.memory_space<vmem>>, %arg13: memref<!tpu.dma_semaphore, #tpu.memory_space<semaphore_mem>>, %arg14: memref<!tpu.dma_semaphore, #tpu.memory_space<semaphore_mem>>, %arg15: memref<5120x128xf32, #tpu.memory_space<vmem_shared>>) attributes {dimension_semantics = [#tpu.dimension_semantics<core_parallel>, #tpu.dimension_semantics<subcore_parallel>], iteration_bounds = array<i64: 2, 16>, scalar_prefetch = 0 : i64, scratch_operands = 7 : i64, tpu.core_type = #tpu.core_type<sc_vector_subcore>, window_params = [{transform_indices = #map}, {transform_indices = #map}, {transform_indices = #map1}, {transform_indices = #map1}, {transform_indices = #map}, {transform_indices = #map}, {transform_indices = #map}]} {
    %mul3A = arith.constant 16 : i32
    %mul3A_0 = arith.muli %arg0, %mul3A : i32
    %add3A = arith.addi %mul3A_0, %arg1 : i32
    "tpu.region"() ({
      %run_scoped3A_83 = tpu.sem_alloc : memref<!tpu.dma_semaphore, #tpu.memory_space<semaphore_mem>>
      %dma_start3A_84 = arith.constant 0 : i32
      %dma_start3A_85 = arith.constant 0 : i32
      %dma_start3A_86 = tpu.memref_slice %arg4[%arg1, %dma_start3A_84, %dma_start3A_85] : memref<16x162x128xi32, #tpu.memory_space<hbm>> -> memref<1x162x128xi32, #tpu.memory_space<hbm>>
      %dma_start3A_87 = tpu.memref_squeeze %dma_start3A_86 : memref<1x162x128xi32, #tpu.memory_space<hbm>> -> memref<162x128xi32, #tpu.memory_space<hbm>>
      %dma_start3A_88 = arith.constant 0 : i32
      %dma_start3A_89 = arith.constant 0 : i32
      %dma_start3A_90 = tpu.memref_slice %arg4[%arg1, %dma_start3A_88, %dma_start3A_89] : memref<16x162x128xi32, #tpu.memory_space<hbm>> -> memref<1x162x128xi32, #tpu.memory_space<hbm>>
      %dma_start3A_91 = tpu.memref_squeeze %dma_start3A_90 : memref<1x162x128xi32, #tpu.memory_space<hbm>> -> memref<162x128xi32, #tpu.memory_space<hbm>>
      tpu.enqueue_dma source(%dma_start3A_91 : memref<162x128xi32, #tpu.memory_space<hbm>>) target(%arg9 : memref<162x128xi32, #tpu.memory_space<vmem>>) target_semaphore(%run_scoped3A_83 : memref<!tpu.dma_semaphore, #tpu.memory_space<semaphore_mem>>)
      %dma_wait3A_92 = arith.constant 0 : i32
      %dma_wait3A_93 = arith.constant 0 : i32
      %dma_wait3A_94 = tpu.memref_slice %arg4[%arg1, %dma_wait3A_92, %dma_wait3A_93] : memref<16x162x128xi32, #tpu.memory_space<hbm>> -> memref<1x162x128xi32, #tpu.memory_space<hbm>>
      %dma_wait3A_95 = tpu.memref_squeeze %dma_wait3A_94 : memref<1x162x128xi32, #tpu.memory_space<hbm>> -> memref<162x128xi32, #tpu.memory_space<hbm>>
      %dma_wait3A_96 = arith.constant 0 : i32
      %dma_wait3A_97 = arith.constant 0 : i32
      %dma_wait3A_98 = tpu.memref_slice %arg4[%arg1, %dma_wait3A_96, %dma_wait3A_97] : memref<16x162x128xi32, #tpu.memory_space<hbm>> -> memref<1x162x128xi32, #tpu.memory_space<hbm>>
      %dma_wait3A_99 = tpu.memref_squeeze %dma_wait3A_98 : memref<1x162x128xi32, #tpu.memory_space<hbm>> -> memref<162x128xi32, #tpu.memory_space<hbm>>
      tpu.wait_dma2 semaphore(%run_scoped3A_83 : memref<!tpu.dma_semaphore, #tpu.memory_space<semaphore_mem>>) src(%dma_wait3A_99 : memref<162x128xi32, #tpu.memory_space<hbm>>) dst(%arg9 : memref<162x128xi32, #tpu.memory_space<vmem>>)
      tpu.yield
    }) : () -> ()
    "tpu.region"() ({
      %run_scoped3A_83 = tpu.sem_alloc : memref<!tpu.dma_semaphore, #tpu.memory_space<semaphore_mem>>
      %dma_start3A_84 = arith.constant 0 : i32
      %dma_start3A_85 = arith.constant 0 : i32
      %dma_start3A_86 = tpu.memref_slice %arg5[%add3A, %dma_start3A_84, %dma_start3A_85] : memref<32x162x128xi32, #tpu.memory_space<hbm>> -> memref<1x162x128xi32, #tpu.memory_space<hbm>>
      %dma_start3A_87 = tpu.memref_squeeze %dma_start3A_86 : memref<1x162x128xi32, #tpu.memory_space<hbm>> -> memref<162x128xi32, #tpu.memory_space<hbm>>
      %dma_start3A_88 = arith.constant 0 : i32
      %dma_start3A_89 = arith.constant 0 : i32
      %dma_start3A_90 = tpu.memref_slice %arg5[%add3A, %dma_start3A_88, %dma_start3A_89] : memref<32x162x128xi32, #tpu.memory_space<hbm>> -> memref<1x162x128xi32, #tpu.memory_space<hbm>>
      %dma_start3A_91 = tpu.memref_squeeze %dma_start3A_90 : memref<1x162x128xi32, #tpu.memory_space<hbm>> -> memref<162x128xi32, #tpu.memory_space<hbm>>
      tpu.enqueue_dma source(%dma_start3A_91 : memref<162x128xi32, #tpu.memory_space<hbm>>) target(%arg10 : memref<162x128xi32, #tpu.memory_space<vmem>>) target_semaphore(%run_scoped3A_83 : memref<!tpu.dma_semaphore, #tpu.memory_space<semaphore_mem>>)
      %dma_wait3A_92 = arith.constant 0 : i32
      %dma_wait3A_93 = arith.constant 0 : i32
      %dma_wait3A_94 = tpu.memref_slice %arg5[%add3A, %dma_wait3A_92, %dma_wait3A_93] : memref<32x162x128xi32, #tpu.memory_space<hbm>> -> memref<1x162x128xi32, #tpu.memory_space<hbm>>
      %dma_wait3A_95 = tpu.memref_squeeze %dma_wait3A_94 : memref<1x162x128xi32, #tpu.memory_space<hbm>> -> memref<162x128xi32, #tpu.memory_space<hbm>>
      %dma_wait3A_96 = arith.constant 0 : i32
      %dma_wait3A_97 = arith.constant 0 : i32
      %dma_wait3A_98 = tpu.memref_slice %arg5[%add3A, %dma_wait3A_96, %dma_wait3A_97] : memref<32x162x128xi32, #tpu.memory_space<hbm>> -> memref<1x162x128xi32, #tpu.memory_space<hbm>>
      %dma_wait3A_99 = tpu.memref_squeeze %dma_wait3A_98 : memref<1x162x128xi32, #tpu.memory_space<hbm>> -> memref<162x128xi32, #tpu.memory_space<hbm>>
      tpu.wait_dma2 semaphore(%run_scoped3A_83 : memref<!tpu.dma_semaphore, #tpu.memory_space<semaphore_mem>>) src(%dma_wait3A_99 : memref<162x128xi32, #tpu.memory_space<hbm>>) dst(%arg10 : memref<162x128xi32, #tpu.memory_space<vmem>>)
      tpu.yield
    }) : () -> ()
    %mul3A_1 = arith.constant 320 : i32
    %mul3A_2 = arith.muli %arg1, %mul3A_1 : i32
    "tpu.region"() ({
      %run_scoped3A_83 = tpu.sem_alloc : memref<!tpu.dma_semaphore, #tpu.memory_space<semaphore_mem>>
      %dma_start3A_84 = arith.constant 0 : i32
      %dma_start3A_85 = tpu.memref_slice %arg15[%mul3A_2, %dma_start3A_84] : memref<5120x128xf32, #tpu.memory_space<vmem_shared>> -> memref<320x128xf32, #tpu.memory_space<vmem_shared>>
      tpu.enqueue_dma source(%arg6 : memref<320x128xf32, #tpu.memory_space<hbm>>) target(%dma_start3A_85 : memref<320x128xf32, #tpu.memory_space<vmem_shared>>) target_semaphore(%run_scoped3A_83 : memref<!tpu.dma_semaphore, #tpu.memory_space<semaphore_mem>>)
      %dma_wait3A_86 = arith.constant 0 : i32
      %dma_wait3A_87 = tpu.memref_slice %arg15[%mul3A_2, %dma_wait3A_86] : memref<5120x128xf32, #tpu.memory_space<vmem_shared>> -> memref<320x128xf32, #tpu.memory_space<vmem_shared>>
      tpu.wait_dma2 semaphore(%run_scoped3A_83 : memref<!tpu.dma_semaphore, #tpu.memory_space<semaphore_mem>>) src(%arg6 : memref<320x128xf32, #tpu.memory_space<hbm>>) dst(%dma_wait3A_87 : memref<320x128xf32, #tpu.memory_space<vmem_shared>>)
      tpu.yield
    }) : () -> ()
    %barrier3A = arith.constant 0 : index
    tpu.barrier barrier_id(%barrier3A)
    %dma_start3A = arith.constant 0 : i32
    %dma_start3A_3 = arith.constant 0 : i32
    %dma_start3A_4 = tpu.memref_slice %arg9[%dma_start3A, %dma_start3A_3] : memref<162x128xi32, #tpu.memory_space<vmem>> -> memref<1x128xi32, #tpu.memory_space<vmem>>
    %dma_start3A_5 = tpu.memref_squeeze %dma_start3A_4 : memref<1x128xi32, #tpu.memory_space<vmem>> -> memref<128xi32, #tpu.memory_space<vmem>>
    %dma_start3A_6 = arith.constant 0 : i32
    %dma_start3A_7 = arith.constant 0 : i32
    %dma_start3A_8 = tpu.memref_slice %arg2[%dma_start3A_6, %dma_start3A_7] : memref<10240x128xf32, #tpu.memory_space<hbm>> -> memref<10240x128xf32, #tpu.memory_space<hbm>>
    tpu.enqueue_indirect_dma source(%dma_start3A_8 : memref<10240x128xf32, #tpu.memory_space<hbm>>) target(%arg11 : memref<128x128xf32, #tpu.memory_space<vmem>>) offsets(%dma_start3A_5 : memref<128xi32, #tpu.memory_space<vmem>>) semaphore(%arg13 : memref<!tpu.dma_semaphore, #tpu.memory_space<semaphore_mem>>)
    %scan3A = arith.constant 0 : i32
    %scan3A_9 = arith.constant 80 : i32
    %scan3A_10 = arith.addi %scan3A, %scan3A_9 : i32
    %scan3A_11 = arith.constant 1 : i32
    scf.for %scan3A_83 = %scan3A to %scan3A_10 step %scan3A_11  : i32 {
      %mul3A_84 = arith.constant 1 : i32
      %mul3A_85 = arith.muli %scan3A_83, %mul3A_84 : i32
      %add3A_86 = arith.constant 0 : i32
      %add3A_87 = arith.addi %add3A_86, %mul3A_85 : i32
      %mul3A_88 = arith.constant 2 : i32
      %mul3A_89 = arith.muli %mul3A_88, %add3A_87 : i32
      %add3A_90 = arith.constant 1 : i32
      %add3A_91 = arith.addi %mul3A_89, %add3A_90 : i32
      %dma_start3A_92 = arith.constant 0 : i32
      %dma_start3A_93 = tpu.memref_slice %arg9[%add3A_91, %dma_start3A_92] : memref<162x128xi32, #tpu.memory_space<vmem>> -> memref<1x128xi32, #tpu.memory_space<vmem>>
      %dma_start3A_94 = tpu.memref_squeeze %dma_start3A_93 : memref<1x128xi32, #tpu.memory_space<vmem>> -> memref<128xi32, #tpu.memory_space<vmem>>
      %dma_start3A_95 = arith.constant 0 : i32
      %dma_start3A_96 = arith.constant 0 : i32
      %dma_start3A_97 = tpu.memref_slice %arg2[%dma_start3A_95, %dma_start3A_96] : memref<10240x128xf32, #tpu.memory_space<hbm>> -> memref<10240x128xf32, #tpu.memory_space<hbm>>
      tpu.enqueue_indirect_dma source(%dma_start3A_97 : memref<10240x128xf32, #tpu.memory_space<hbm>>) target(%arg12 : memref<128x128xf32, #tpu.memory_space<vmem>>) offsets(%dma_start3A_94 : memref<128xi32, #tpu.memory_space<vmem>>) semaphore(%arg14 : memref<!tpu.dma_semaphore, #tpu.memory_space<semaphore_mem>>)
      %dma_wait3A_98 = arith.constant 0 : i32
      %dma_wait3A_99 = tpu.memref_slice %arg9[%mul3A_89, %dma_wait3A_98] : memref<162x128xi32, #tpu.memory_space<vmem>> -> memref<1x128xi32, #tpu.memory_space<vmem>>
      %dma_wait3A_100 = tpu.memref_squeeze %dma_wait3A_99 : memref<1x128xi32, #tpu.memory_space<vmem>> -> memref<128xi32, #tpu.memory_space<vmem>>
      %dma_wait3A_101 = arith.constant 0 : i32
      %dma_wait3A_102 = arith.constant 0 : i32
      %dma_wait3A_103 = tpu.memref_slice %arg2[%dma_wait3A_101, %dma_wait3A_102] : memref<10240x128xf32, #tpu.memory_space<hbm>> -> memref<10240x128xf32, #tpu.memory_space<hbm>>
      tpu.wait_indirect_dma semaphore(%arg13 : memref<!tpu.dma_semaphore, #tpu.memory_space<semaphore_mem>>) src(%dma_wait3A_103 : memref<10240x128xf32, #tpu.memory_space<hbm>>) dst(%arg11 : memref<128x128xf32, #tpu.memory_space<vmem>>)
      "tpu.region"() ({
        %run_scoped3A_120 = tpu.sem_alloc : memref<!tpu.dma_semaphore, #tpu.memory_space<semaphore_mem>>
        %dma_start3A_121 = arith.constant 0 : i32
        %dma_start3A_122 = tpu.memref_slice %arg10[%mul3A_89, %dma_start3A_121] : memref<162x128xi32, #tpu.memory_space<vmem>> -> memref<1x128xi32, #tpu.memory_space<vmem>>
        %dma_start3A_123 = tpu.memref_squeeze %dma_start3A_122 : memref<1x128xi32, #tpu.memory_space<vmem>> -> memref<128xi32, #tpu.memory_space<vmem>>
        %dma_start3A_124 = arith.constant 0 : i32
        %dma_start3A_125 = arith.constant 0 : i32
        %dma_start3A_126 = tpu.memref_slice %arg15[%dma_start3A_124, %dma_start3A_125] : memref<5120x128xf32, #tpu.memory_space<vmem_shared>> -> memref<5120x128xf32, #tpu.memory_space<vmem_shared>>
        tpu.enqueue_indirect_dma source(%arg11 : memref<128x128xf32, #tpu.memory_space<vmem>>) target(%dma_start3A_126 : memref<5120x128xf32, #tpu.memory_space<vmem_shared>>) offsets(%dma_start3A_123 : memref<128xi32, #tpu.memory_space<vmem>>) semaphore(%run_scoped3A_120 : memref<!tpu.dma_semaphore, #tpu.memory_space<semaphore_mem>>) {add = true}
        %dma_wait3A_127 = arith.constant 0 : i32
        %dma_wait3A_128 = tpu.memref_slice %arg10[%mul3A_89, %dma_wait3A_127] : memref<162x128xi32, #tpu.memory_space<vmem>> -> memref<1x128xi32, #tpu.memory_space<vmem>>
        %dma_wait3A_129 = tpu.memref_squeeze %dma_wait3A_128 : memref<1x128xi32, #tpu.memory_space<vmem>> -> memref<128xi32, #tpu.memory_space<vmem>>
        %dma_wait3A_130 = arith.constant 0 : i32
        %dma_wait3A_131 = arith.constant 0 : i32
        %dma_wait3A_132 = tpu.memref_slice %arg15[%dma_wait3A_130, %dma_wait3A_131] : memref<5120x128xf32, #tpu.memory_space<vmem_shared>> -> memref<5120x128xf32, #tpu.memory_space<vmem_shared>>
        tpu.wait_indirect_dma semaphore(%run_scoped3A_120 : memref<!tpu.dma_semaphore, #tpu.memory_space<semaphore_mem>>) src(%arg11 : memref<128x128xf32, #tpu.memory_space<vmem>>) dst(%dma_wait3A_132 : memref<5120x128xf32, #tpu.memory_space<vmem_shared>>)
        tpu.yield
      }) : () -> ()
      %add3A_104 = arith.constant 2 : i32
      %add3A_105 = arith.addi %mul3A_89, %add3A_104 : i32
      %dma_start3A_106 = arith.constant 0 : i32
      %dma_start3A_107 = tpu.memref_slice %arg9[%add3A_105, %dma_start3A_106] : memref<162x128xi32, #tpu.memory_space<vmem>> -> memref<1x128xi32, #tpu.memory_space<vmem>>
      %dma_start3A_108 = tpu.memref_squeeze %dma_start3A_107 : memref<1x128xi32, #tpu.memory_space<vmem>> -> memref<128xi32, #tpu.memory_space<vmem>>
      %dma_start3A_109 = arith.constant 0 : i32
      %dma_start3A_110 = arith.constant 0 : i32
      %dma_start3A_111 = tpu.memref_slice %arg2[%dma_start3A_109, %dma_start3A_110] : memref<10240x128xf32, #tpu.memory_space<hbm>> -> memref<10240x128xf32, #tpu.memory_space<hbm>>
      tpu.enqueue_indirect_dma source(%dma_start3A_111 : memref<10240x128xf32, #tpu.memory_space<hbm>>) target(%arg11 : memref<128x128xf32, #tpu.memory_space<vmem>>) offsets(%dma_start3A_108 : memref<128xi32, #tpu.memory_space<vmem>>) semaphore(%arg13 : memref<!tpu.dma_semaphore, #tpu.memory_space<semaphore_mem>>)
      %dma_wait3A_112 = arith.constant 0 : i32
      %dma_wait3A_113 = tpu.memref_slice %arg9[%add3A_91, %dma_wait3A_112] : memref<162x128xi32, #tpu.memory_space<vmem>> -> memref<1x128xi32, #tpu.memory_space<vmem>>
      %dma_wait3A_114 = tpu.memref_squeeze %dma_wait3A_113 : memref<1x128xi32, #tpu.memory_space<vmem>> -> memref<128xi32, #tpu.memory_space<vmem>>
      %dma_wait3A_115 = arith.constant 0 : i32
      %dma_wait3A_116 = arith.constant 0 : i32
      %dma_wait3A_117 = tpu.memref_slice %arg2[%dma_wait3A_115, %dma_wait3A_116] : memref<10240x128xf32, #tpu.memory_space<hbm>> -> memref<10240x128xf32, #tpu.memory_space<hbm>>
      tpu.wait_indirect_dma semaphore(%arg14 : memref<!tpu.dma_semaphore, #tpu.memory_space<semaphore_mem>>) src(%dma_wait3A_117 : memref<10240x128xf32, #tpu.memory_space<hbm>>) dst(%arg12 : memref<128x128xf32, #tpu.memory_space<vmem>>)
      %add3A_118 = arith.constant 1 : i32
      %add3A_119 = arith.addi %mul3A_89, %add3A_118 : i32
      "tpu.region"() ({
        %run_scoped3A_120 = tpu.sem_alloc : memref<!tpu.dma_semaphore, #tpu.memory_space<semaphore_mem>>
        %dma_start3A_121 = arith.constant 0 : i32
        %dma_start3A_122 = tpu.memref_slice %arg10[%add3A_119, %dma_start3A_121] : memref<162x128xi32, #tpu.memory_space<vmem>> -> memref<1x128xi32, #tpu.memory_space<vmem>>
        %dma_start3A_123 = tpu.memref_squeeze %dma_start3A_122 : memref<1x128xi32, #tpu.memory_space<vmem>> -> memref<128xi32, #tpu.memory_space<vmem>>
        %dma_start3A_124 = arith.constant 0 : i32
        %dma_start3A_125 = arith.constant 0 : i32
        %dma_start3A_126 = tpu.memref_slice %arg15[%dma_start3A_124, %dma_start3A_125] : memref<5120x128xf32, #tpu.memory_space<vmem_shared>> -> memref<5120x128xf32, #tpu.memory_space<vmem_shared>>
        tpu.enqueue_indirect_dma source(%arg12 : memref<128x128xf32, #tpu.memory_space<vmem>>) target(%dma_start3A_126 : memref<5120x128xf32, #tpu.memory_space<vmem_shared>>) offsets(%dma_start3A_123 : memref<128xi32, #tpu.memory_space<vmem>>) semaphore(%run_scoped3A_120 : memref<!tpu.dma_semaphore, #tpu.memory_space<semaphore_mem>>) {add = true}
        %dma_wait3A_127 = arith.constant 0 : i32
        %dma_wait3A_128 = tpu.memref_slice %arg10[%add3A_119, %dma_wait3A_127] : memref<162x128xi32, #tpu.memory_space<vmem>> -> memref<1x128xi32, #tpu.memory_space<vmem>>
        %dma_wait3A_129 = tpu.memref_squeeze %dma_wait3A_128 : memref<1x128xi32, #tpu.memory_space<vmem>> -> memref<128xi32, #tpu.memory_space<vmem>>
        %dma_wait3A_130 = arith.constant 0 : i32
        %dma_wait3A_131 = arith.constant 0 : i32
        %dma_wait3A_132 = tpu.memref_slice %arg15[%dma_wait3A_130, %dma_wait3A_131] : memref<5120x128xf32, #tpu.memory_space<vmem_shared>> -> memref<5120x128xf32, #tpu.memory_space<vmem_shared>>
        tpu.wait_indirect_dma semaphore(%run_scoped3A_120 : memref<!tpu.dma_semaphore, #tpu.memory_space<semaphore_mem>>) src(%arg12 : memref<128x128xf32, #tpu.memory_space<vmem>>) dst(%dma_wait3A_132 : memref<5120x128xf32, #tpu.memory_space<vmem_shared>>)
        tpu.yield
      }) : () -> ()
    }
    %scan3A_12 = arith.constant 80 : i32
    %dma_start3A_13 = arith.constant 161 : i32
    %dma_start3A_14 = arith.constant 0 : i32
    %dma_start3A_15 = tpu.memref_slice %arg9[%dma_start3A_13, %dma_start3A_14] : memref<162x128xi32, #tpu.memory_space<vmem>> -> memref<1x128xi32, #tpu.memory_space<vmem>>
    %dma_start3A_16 = tpu.memref_squeeze %dma_start3A_15 : memref<1x128xi32, #tpu.memory_space<vmem>> -> memref<128xi32, #tpu.memory_space<vmem>>
    %dma_start3A_17 = arith.constant 0 : i32
    %dma_start3A_18 = arith.constant 0 : i32
    %dma_start3A_19 = tpu.memref_slice %arg2[%dma_start3A_17, %dma_start3A_18] : memref<10240x128xf32, #tpu.memory_space<hbm>> -> memref<10240x128xf32, #tpu.memory_space<hbm>>
    tpu.enqueue_indirect_dma source(%dma_start3A_19 : memref<10240x128xf32, #tpu.memory_space<hbm>>) target(%arg12 : memref<128x128xf32, #tpu.memory_space<vmem>>) offsets(%dma_start3A_16 : memref<128xi32, #tpu.memory_space<vmem>>) semaphore(%arg14 : memref<!tpu.dma_semaphore, #tpu.memory_space<semaphore_mem>>)
    %dma_wait3A = arith.constant 160 : i32
    %dma_wait3A_20 = arith.constant 0 : i32
    %dma_wait3A_21 = tpu.memref_slice %arg9[%dma_wait3A, %dma_wait3A_20] : memref<162x128xi32, #tpu.memory_space<vmem>> -> memref<1x128xi32, #tpu.memory_space<vmem>>
    %dma_wait3A_22 = tpu.memref_squeeze %dma_wait3A_21 : memref<1x128xi32, #tpu.memory_space<vmem>> -> memref<128xi32, #tpu.memory_space<vmem>>
    %dma_wait3A_23 = arith.constant 0 : i32
    %dma_wait3A_24 = arith.constant 0 : i32
    %dma_wait3A_25 = tpu.memref_slice %arg2[%dma_wait3A_23, %dma_wait3A_24] : memref<10240x128xf32, #tpu.memory_space<hbm>> -> memref<10240x128xf32, #tpu.memory_space<hbm>>
    tpu.wait_indirect_dma semaphore(%arg13 : memref<!tpu.dma_semaphore, #tpu.memory_space<semaphore_mem>>) src(%dma_wait3A_25 : memref<10240x128xf32, #tpu.memory_space<hbm>>) dst(%arg11 : memref<128x128xf32, #tpu.memory_space<vmem>>)
    %run_scoped3A = arith.constant 160 : i32
    "tpu.region"() ({
      %run_scoped3A_83 = tpu.sem_alloc : memref<!tpu.dma_semaphore, #tpu.memory_space<semaphore_mem>>
      %dma_start3A_84 = arith.constant 0 : i32
      %dma_start3A_85 = tpu.memref_slice %arg10[%run_scoped3A, %dma_start3A_84] : memref<162x128xi32, #tpu.memory_space<vmem>> -> memref<1x128xi32, #tpu.memory_space<vmem>>
      %dma_start3A_86 = tpu.memref_squeeze %dma_start3A_85 : memref<1x128xi32, #tpu.memory_space<vmem>> -> memref<128xi32, #tpu.memory_space<vmem>>
      %dma_start3A_87 = arith.constant 0 : i32
      %dma_start3A_88 = arith.constant 0 : i32
      %dma_start3A_89 = tpu.memref_slice %arg15[%dma_start3A_87, %dma_start3A_88] : memref<5120x128xf32, #tpu.memory_space<vmem_shared>> -> memref<5120x128xf32, #tpu.memory_space<vmem_shared>>
      tpu.enqueue_indirect_dma source(%arg11 : memref<128x128xf32, #tpu.memory_space<vmem>>) target(%dma_start3A_89 : memref<5120x128xf32, #tpu.memory_space<vmem_shared>>) offsets(%dma_start3A_86 : memref<128xi32, #tpu.memory_space<vmem>>) semaphore(%run_scoped3A_83 : memref<!tpu.dma_semaphore, #tpu.memory_space<semaphore_mem>>) {add = true}
      %dma_wait3A_90 = arith.constant 0 : i32
      %dma_wait3A_91 = tpu.memref_slice %arg10[%run_scoped3A, %dma_wait3A_90] : memref<162x128xi32, #tpu.memory_space<vmem>> -> memref<1x128xi32, #tpu.memory_space<vmem>>
      %dma_wait3A_92 = tpu.memref_squeeze %dma_wait3A_91 : memref<1x128xi32, #tpu.memory_space<vmem>> -> memref<128xi32, #tpu.memory_space<vmem>>
      %dma_wait3A_93 = arith.constant 0 : i32
      %dma_wait3A_94 = arith.constant 0 : i32
      %dma_wait3A_95 = tpu.memref_slice %arg15[%dma_wait3A_93, %dma_wait3A_94] : memref<5120x128xf32, #tpu.memory_space<vmem_shared>> -> memref<5120x128xf32, #tpu.memory_space<vmem_shared>>
      tpu.wait_indirect_dma semaphore(%run_scoped3A_83 : memref<!tpu.dma_semaphore, #tpu.memory_space<semaphore_mem>>) src(%arg11 : memref<128x128xf32, #tpu.memory_space<vmem>>) dst(%dma_wait3A_95 : memref<5120x128xf32, #tpu.memory_space<vmem_shared>>)
      tpu.yield
    }) : () -> ()
    %dma_wait3A_26 = arith.constant 161 : i32
    %dma_wait3A_27 = arith.constant 0 : i32
    %dma_wait3A_28 = tpu.memref_slice %arg9[%dma_wait3A_26, %dma_wait3A_27] : memref<162x128xi32, #tpu.memory_space<vmem>> -> memref<1x128xi32, #tpu.memory_space<vmem>>
    %dma_wait3A_29 = tpu.memref_squeeze %dma_wait3A_28 : memref<1x128xi32, #tpu.memory_space<vmem>> -> memref<128xi32, #tpu.memory_space<vmem>>
    %dma_wait3A_30 = arith.constant 0 : i32
    %dma_wait3A_31 = arith.constant 0 : i32
    %dma_wait3A_32 = tpu.memref_slice %arg2[%dma_wait3A_30, %dma_wait3A_31] : memref<10240x128xf32, #tpu.memory_space<hbm>> -> memref<10240x128xf32, #tpu.memory_space<hbm>>
    tpu.wait_indirect_dma semaphore(%arg14 : memref<!tpu.dma_semaphore, #tpu.memory_space<semaphore_mem>>) src(%dma_wait3A_32 : memref<10240x128xf32, #tpu.memory_space<hbm>>) dst(%arg12 : memref<128x128xf32, #tpu.memory_space<vmem>>)
    %run_scoped3A_33 = arith.constant 161 : i32
    "tpu.region"() ({
      %run_scoped3A_83 = tpu.sem_alloc : memref<!tpu.dma_semaphore, #tpu.memory_space<semaphore_mem>>
      %dma_start3A_84 = arith.constant 0 : i32
      %dma_start3A_85 = tpu.memref_slice %arg10[%run_scoped3A_33, %dma_start3A_84] : memref<162x128xi32, #tpu.memory_space<vmem>> -> memref<1x128xi32, #tpu.memory_space<vmem>>
      %dma_start3A_86 = tpu.memref_squeeze %dma_start3A_85 : memref<1x128xi32, #tpu.memory_space<vmem>> -> memref<128xi32, #tpu.memory_space<vmem>>
      %dma_start3A_87 = arith.constant 0 : i32
      %dma_start3A_88 = arith.constant 0 : i32
      %dma_start3A_89 = tpu.memref_slice %arg15[%dma_start3A_87, %dma_start3A_88] : memref<5120x128xf32, #tpu.memory_space<vmem_shared>> -> memref<5120x128xf32, #tpu.memory_space<vmem_shared>>
      tpu.enqueue_indirect_dma source(%arg12 : memref<128x128xf32, #tpu.memory_space<vmem>>) target(%dma_start3A_89 : memref<5120x128xf32, #tpu.memory_space<vmem_shared>>) offsets(%dma_start3A_86 : memref<128xi32, #tpu.memory_space<vmem>>) semaphore(%run_scoped3A_83 : memref<!tpu.dma_semaphore, #tpu.memory_space<semaphore_mem>>) {add = true}
      %dma_wait3A_90 = arith.constant 0 : i32
      %dma_wait3A_91 = tpu.memref_slice %arg10[%run_scoped3A_33, %dma_wait3A_90] : memref<162x128xi32, #tpu.memory_space<vmem>> -> memref<1x128xi32, #tpu.memory_space<vmem>>
      %dma_wait3A_92 = tpu.memref_squeeze %dma_wait3A_91 : memref<1x128xi32, #tpu.memory_space<vmem>> -> memref<128xi32, #tpu.memory_space<vmem>>
      %dma_wait3A_93 = arith.constant 0 : i32
      %dma_wait3A_94 = arith.constant 0 : i32
      %dma_wait3A_95 = tpu.memref_slice %arg15[%dma_wait3A_93, %dma_wait3A_94] : memref<5120x128xf32, #tpu.memory_space<vmem_shared>> -> memref<5120x128xf32, #tpu.memory_space<vmem_shared>>
      tpu.wait_indirect_dma semaphore(%run_scoped3A_83 : memref<!tpu.dma_semaphore, #tpu.memory_space<semaphore_mem>>) src(%arg12 : memref<128x128xf32, #tpu.memory_space<vmem>>) dst(%dma_wait3A_95 : memref<5120x128xf32, #tpu.memory_space<vmem_shared>>)
      tpu.yield
    }) : () -> ()
    %barrier3A_34 = arith.constant 0 : index
    tpu.barrier barrier_id(%barrier3A_34)
    %eq3A = arith.constant 0 : i32
    %eq3A_35 = arith.cmpi eq, %arg1, %eq3A : i32
    %convert_element_type3A = arith.extui %eq3A_35 : i1 to i32
    %cond3A = arith.constant 0 : i32
    %cond3A_36 = arith.cmpi ne, %convert_element_type3A, %cond3A : i32
    scf.if %cond3A_36 {
      %mul3A_83 = arith.constant 5008 : i32
      %mul3A_84 = arith.muli %arg0, %mul3A_83 : i32
      "tpu.region"() ({
        %run_scoped3A_85 = tpu.sem_alloc : memref<!tpu.dma_semaphore, #tpu.memory_space<semaphore_mem>>
        %dma_start3A_86 = arith.constant 0 : i32
        %dma_start3A_87 = tpu.memref_slice %arg7[%mul3A_84, %dma_start3A_86] : memref<10240x128xf32, #tpu.memory_space<hbm>> -> memref<5008x128xf32, #tpu.memory_space<hbm>>
        %dma_start3A_88 = arith.constant 0 : i32
        %dma_start3A_89 = arith.constant 0 : i32
        %dma_start3A_90 = tpu.memref_slice %arg15[%dma_start3A_88, %dma_start3A_89] : memref<5120x128xf32, #tpu.memory_space<vmem_shared>> -> memref<5008x128xf32, #tpu.memory_space<vmem_shared>>
        tpu.enqueue_dma source(%dma_start3A_90 : memref<5008x128xf32, #tpu.memory_space<vmem_shared>>) target(%dma_start3A_87 : memref<5008x128xf32, #tpu.memory_space<hbm>>) target_semaphore(%run_scoped3A_85 : memref<!tpu.dma_semaphore, #tpu.memory_space<semaphore_mem>>)
        %dma_wait3A_91 = arith.constant 0 : i32
        %dma_wait3A_92 = tpu.memref_slice %arg7[%mul3A_84, %dma_wait3A_91] : memref<10240x128xf32, #tpu.memory_space<hbm>> -> memref<5008x128xf32, #tpu.memory_space<hbm>>
        %dma_wait3A_93 = arith.constant 0 : i32
        %dma_wait3A_94 = arith.constant 0 : i32
        %dma_wait3A_95 = tpu.memref_slice %arg15[%dma_wait3A_93, %dma_wait3A_94] : memref<5120x128xf32, #tpu.memory_space<vmem_shared>> -> memref<5008x128xf32, #tpu.memory_space<vmem_shared>>
        tpu.wait_dma2 semaphore(%run_scoped3A_85 : memref<!tpu.dma_semaphore, #tpu.memory_space<semaphore_mem>>) src(%dma_wait3A_95 : memref<5008x128xf32, #tpu.memory_space<vmem_shared>>) dst(%dma_wait3A_92 : memref<5008x128xf32, #tpu.memory_space<hbm>>)
        tpu.yield
      }) : () -> ()
    } else {
    }
    %barrier3A_37 = arith.constant 0 : index
    tpu.barrier barrier_id(%barrier3A_37)
    %mul3A_38 = arith.constant 320 : i32
    %mul3A_39 = arith.muli %arg1, %mul3A_38 : i32
    "tpu.region"() ({
      %run_scoped3A_83 = tpu.sem_alloc : memref<!tpu.dma_semaphore, #tpu.memory_space<semaphore_mem>>
      %dma_start3A_84 = arith.constant 0 : i32
      %dma_start3A_85 = tpu.memref_slice %arg15[%mul3A_39, %dma_start3A_84] : memref<5120x128xf32, #tpu.memory_space<vmem_shared>> -> memref<320x128xf32, #tpu.memory_space<vmem_shared>>
      tpu.enqueue_dma source(%arg6 : memref<320x128xf32, #tpu.memory_space<hbm>>) target(%dma_start3A_85 : memref<320x128xf32, #tpu.memory_space<vmem_shared>>) target_semaphore(%run_scoped3A_83 : memref<!tpu.dma_semaphore, #tpu.memory_space<semaphore_mem>>)
      %dma_wait3A_86 = arith.constant 0 : i32
      %dma_wait3A_87 = tpu.memref_slice %arg15[%mul3A_39, %dma_wait3A_86] : memref<5120x128xf32, #tpu.memory_space<vmem_shared>> -> memref<320x128xf32, #tpu.memory_space<vmem_shared>>
      tpu.wait_dma2 semaphore(%run_scoped3A_83 : memref<!tpu.dma_semaphore, #tpu.memory_space<semaphore_mem>>) src(%arg6 : memref<320x128xf32, #tpu.memory_space<hbm>>) dst(%dma_wait3A_87 : memref<320x128xf32, #tpu.memory_space<vmem_shared>>)
      tpu.yield
    }) : () -> ()
    %barrier3A_40 = arith.constant 0 : index
    tpu.barrier barrier_id(%barrier3A_40)
    %dma_start3A_41 = arith.constant 0 : i32
    %dma_start3A_42 = arith.constant 0 : i32
    %dma_start3A_43 = tpu.memref_slice %arg9[%dma_start3A_41, %dma_start3A_42] : memref<162x128xi32, #tpu.memory_space<vmem>> -> memref<1x128xi32, #tpu.memory_space<vmem>>
    %dma_start3A_44 = tpu.memref_squeeze %dma_start3A_43 : memref<1x128xi32, #tpu.memory_space<vmem>> -> memref<128xi32, #tpu.memory_space<vmem>>
    %dma_start3A_45 = arith.constant 0 : i32
    %dma_start3A_46 = arith.constant 0 : i32
    %dma_start3A_47 = tpu.memref_slice %arg3[%dma_start3A_45, %dma_start3A_46] : memref<10240x128xf32, #tpu.memory_space<hbm>> -> memref<10240x128xf32, #tpu.memory_space<hbm>>
    tpu.enqueue_indirect_dma source(%dma_start3A_47 : memref<10240x128xf32, #tpu.memory_space<hbm>>) target(%arg11 : memref<128x128xf32, #tpu.memory_space<vmem>>) offsets(%dma_start3A_44 : memref<128xi32, #tpu.memory_space<vmem>>) semaphore(%arg13 : memref<!tpu.dma_semaphore, #tpu.memory_space<semaphore_mem>>)
    %scan3A_48 = arith.constant 0 : i32
    %scan3A_49 = arith.constant 80 : i32
    %scan3A_50 = arith.addi %scan3A_48, %scan3A_49 : i32
    %scan3A_51 = arith.constant 1 : i32
    scf.for %scan3A_83 = %scan3A_48 to %scan3A_50 step %scan3A_51  : i32 {
      %mul3A_84 = arith.constant 1 : i32
      %mul3A_85 = arith.muli %scan3A_83, %mul3A_84 : i32
      %add3A_86 = arith.constant 0 : i32
      %add3A_87 = arith.addi %add3A_86, %mul3A_85 : i32
      %mul3A_88 = arith.constant 2 : i32
      %mul3A_89 = arith.muli %mul3A_88, %add3A_87 : i32
      %add3A_90 = arith.constant 1 : i32
      %add3A_91 = arith.addi %mul3A_89, %add3A_90 : i32
      %dma_start3A_92 = arith.constant 0 : i32
      %dma_start3A_93 = tpu.memref_slice %arg9[%add3A_91, %dma_start3A_92] : memref<162x128xi32, #tpu.memory_space<vmem>> -> memref<1x128xi32, #tpu.memory_space<vmem>>
      %dma_start3A_94 = tpu.memref_squeeze %dma_start3A_93 : memref<1x128xi32, #tpu.memory_space<vmem>> -> memref<128xi32, #tpu.memory_space<vmem>>
      %dma_start3A_95 = arith.constant 0 : i32
      %dma_start3A_96 = arith.constant 0 : i32
      %dma_start3A_97 = tpu.memref_slice %arg3[%dma_start3A_95, %dma_start3A_96] : memref<10240x128xf32, #tpu.memory_space<hbm>> -> memref<10240x128xf32, #tpu.memory_space<hbm>>
      tpu.enqueue_indirect_dma source(%dma_start3A_97 : memref<10240x128xf32, #tpu.memory_space<hbm>>) target(%arg12 : memref<128x128xf32, #tpu.memory_space<vmem>>) offsets(%dma_start3A_94 : memref<128xi32, #tpu.memory_space<vmem>>) semaphore(%arg14 : memref<!tpu.dma_semaphore, #tpu.memory_space<semaphore_mem>>)
      %dma_wait3A_98 = arith.constant 0 : i32
      %dma_wait3A_99 = tpu.memref_slice %arg9[%mul3A_89, %dma_wait3A_98] : memref<162x128xi32, #tpu.memory_space<vmem>> -> memref<1x128xi32, #tpu.memory_space<vmem>>
      %dma_wait3A_100 = tpu.memref_squeeze %dma_wait3A_99 : memref<1x128xi32, #tpu.memory_space<vmem>> -> memref<128xi32, #tpu.memory_space<vmem>>
      %dma_wait3A_101 = arith.constant 0 : i32
      %dma_wait3A_102 = arith.constant 0 : i32
      %dma_wait3A_103 = tpu.memref_slice %arg3[%dma_wait3A_101, %dma_wait3A_102] : memref<10240x128xf32, #tpu.memory_space<hbm>> -> memref<10240x128xf32, #tpu.memory_space<hbm>>
      tpu.wait_indirect_dma semaphore(%arg13 : memref<!tpu.dma_semaphore, #tpu.memory_space<semaphore_mem>>) src(%dma_wait3A_103 : memref<10240x128xf32, #tpu.memory_space<hbm>>) dst(%arg11 : memref<128x128xf32, #tpu.memory_space<vmem>>)
      "tpu.region"() ({
        %run_scoped3A_120 = tpu.sem_alloc : memref<!tpu.dma_semaphore, #tpu.memory_space<semaphore_mem>>
        %dma_start3A_121 = arith.constant 0 : i32
        %dma_start3A_122 = tpu.memref_slice %arg10[%mul3A_89, %dma_start3A_121] : memref<162x128xi32, #tpu.memory_space<vmem>> -> memref<1x128xi32, #tpu.memory_space<vmem>>
        %dma_start3A_123 = tpu.memref_squeeze %dma_start3A_122 : memref<1x128xi32, #tpu.memory_space<vmem>> -> memref<128xi32, #tpu.memory_space<vmem>>
        %dma_start3A_124 = arith.constant 0 : i32
        %dma_start3A_125 = arith.constant 0 : i32
        %dma_start3A_126 = tpu.memref_slice %arg15[%dma_start3A_124, %dma_start3A_125] : memref<5120x128xf32, #tpu.memory_space<vmem_shared>> -> memref<5120x128xf32, #tpu.memory_space<vmem_shared>>
        tpu.enqueue_indirect_dma source(%arg11 : memref<128x128xf32, #tpu.memory_space<vmem>>) target(%dma_start3A_126 : memref<5120x128xf32, #tpu.memory_space<vmem_shared>>) offsets(%dma_start3A_123 : memref<128xi32, #tpu.memory_space<vmem>>) semaphore(%run_scoped3A_120 : memref<!tpu.dma_semaphore, #tpu.memory_space<semaphore_mem>>) {add = true}
        %dma_wait3A_127 = arith.constant 0 : i32
        %dma_wait3A_128 = tpu.memref_slice %arg10[%mul3A_89, %dma_wait3A_127] : memref<162x128xi32, #tpu.memory_space<vmem>> -> memref<1x128xi32, #tpu.memory_space<vmem>>
        %dma_wait3A_129 = tpu.memref_squeeze %dma_wait3A_128 : memref<1x128xi32, #tpu.memory_space<vmem>> -> memref<128xi32, #tpu.memory_space<vmem>>
        %dma_wait3A_130 = arith.constant 0 : i32
        %dma_wait3A_131 = arith.constant 0 : i32
        %dma_wait3A_132 = tpu.memref_slice %arg15[%dma_wait3A_130, %dma_wait3A_131] : memref<5120x128xf32, #tpu.memory_space<vmem_shared>> -> memref<5120x128xf32, #tpu.memory_space<vmem_shared>>
        tpu.wait_indirect_dma semaphore(%run_scoped3A_120 : memref<!tpu.dma_semaphore, #tpu.memory_space<semaphore_mem>>) src(%arg11 : memref<128x128xf32, #tpu.memory_space<vmem>>) dst(%dma_wait3A_132 : memref<5120x128xf32, #tpu.memory_space<vmem_shared>>)
        tpu.yield
      }) : () -> ()
      %add3A_104 = arith.constant 2 : i32
      %add3A_105 = arith.addi %mul3A_89, %add3A_104 : i32
      %dma_start3A_106 = arith.constant 0 : i32
      %dma_start3A_107 = tpu.memref_slice %arg9[%add3A_105, %dma_start3A_106] : memref<162x128xi32, #tpu.memory_space<vmem>> -> memref<1x128xi32, #tpu.memory_space<vmem>>
      %dma_start3A_108 = tpu.memref_squeeze %dma_start3A_107 : memref<1x128xi32, #tpu.memory_space<vmem>> -> memref<128xi32, #tpu.memory_space<vmem>>
      %dma_start3A_109 = arith.constant 0 : i32
      %dma_start3A_110 = arith.constant 0 : i32
      %dma_start3A_111 = tpu.memref_slice %arg3[%dma_start3A_109, %dma_start3A_110] : memref<10240x128xf32, #tpu.memory_space<hbm>> -> memref<10240x128xf32, #tpu.memory_space<hbm>>
      tpu.enqueue_indirect_dma source(%dma_start3A_111 : memref<10240x128xf32, #tpu.memory_space<hbm>>) target(%arg11 : memref<128x128xf32, #tpu.memory_space<vmem>>) offsets(%dma_start3A_108 : memref<128xi32, #tpu.memory_space<vmem>>) semaphore(%arg13 : memref<!tpu.dma_semaphore, #tpu.memory_space<semaphore_mem>>)
      %dma_wait3A_112 = arith.constant 0 : i32
      %dma_wait3A_113 = tpu.memref_slice %arg9[%add3A_91, %dma_wait3A_112] : memref<162x128xi32, #tpu.memory_space<vmem>> -> memref<1x128xi32, #tpu.memory_space<vmem>>
      %dma_wait3A_114 = tpu.memref_squeeze %dma_wait3A_113 : memref<1x128xi32, #tpu.memory_space<vmem>> -> memref<128xi32, #tpu.memory_space<vmem>>
      %dma_wait3A_115 = arith.constant 0 : i32
      %dma_wait3A_116 = arith.constant 0 : i32
      %dma_wait3A_117 = tpu.memref_slice %arg3[%dma_wait3A_115, %dma_wait3A_116] : memref<10240x128xf32, #tpu.memory_space<hbm>> -> memref<10240x128xf32, #tpu.memory_space<hbm>>
      tpu.wait_indirect_dma semaphore(%arg14 : memref<!tpu.dma_semaphore, #tpu.memory_space<semaphore_mem>>) src(%dma_wait3A_117 : memref<10240x128xf32, #tpu.memory_space<hbm>>) dst(%arg12 : memref<128x128xf32, #tpu.memory_space<vmem>>)
      %add3A_118 = arith.constant 1 : i32
      %add3A_119 = arith.addi %mul3A_89, %add3A_118 : i32
      "tpu.region"() ({
        %run_scoped3A_120 = tpu.sem_alloc : memref<!tpu.dma_semaphore, #tpu.memory_space<semaphore_mem>>
        %dma_start3A_121 = arith.constant 0 : i32
        %dma_start3A_122 = tpu.memref_slice %arg10[%add3A_119, %dma_start3A_121] : memref<162x128xi32, #tpu.memory_space<vmem>> -> memref<1x128xi32, #tpu.memory_space<vmem>>
        %dma_start3A_123 = tpu.memref_squeeze %dma_start3A_122 : memref<1x128xi32, #tpu.memory_space<vmem>> -> memref<128xi32, #tpu.memory_space<vmem>>
        %dma_start3A_124 = arith.constant 0 : i32
        %dma_start3A_125 = arith.constant 0 : i32
        %dma_start3A_126 = tpu.memref_slice %arg15[%dma_start3A_124, %dma_start3A_125] : memref<5120x128xf32, #tpu.memory_space<vmem_shared>> -> memref<5120x128xf32, #tpu.memory_space<vmem_shared>>
        tpu.enqueue_indirect_dma source(%arg12 : memref<128x128xf32, #tpu.memory_space<vmem>>) target(%dma_start3A_126 : memref<5120x128xf32, #tpu.memory_space<vmem_shared>>) offsets(%dma_start3A_123 : memref<128xi32, #tpu.memory_space<vmem>>) semaphore(%run_scoped3A_120 : memref<!tpu.dma_semaphore, #tpu.memory_space<semaphore_mem>>) {add = true}
        %dma_wait3A_127 = arith.constant 0 : i32
        %dma_wait3A_128 = tpu.memref_slice %arg10[%add3A_119, %dma_wait3A_127] : memref<162x128xi32, #tpu.memory_space<vmem>> -> memref<1x128xi32, #tpu.memory_space<vmem>>
        %dma_wait3A_129 = tpu.memref_squeeze %dma_wait3A_128 : memref<1x128xi32, #tpu.memory_space<vmem>> -> memref<128xi32, #tpu.memory_space<vmem>>
        %dma_wait3A_130 = arith.constant 0 : i32
        %dma_wait3A_131 = arith.constant 0 : i32
        %dma_wait3A_132 = tpu.memref_slice %arg15[%dma_wait3A_130, %dma_wait3A_131] : memref<5120x128xf32, #tpu.memory_space<vmem_shared>> -> memref<5120x128xf32, #tpu.memory_space<vmem_shared>>
        tpu.wait_indirect_dma semaphore(%run_scoped3A_120 : memref<!tpu.dma_semaphore, #tpu.memory_space<semaphore_mem>>) src(%arg12 : memref<128x128xf32, #tpu.memory_space<vmem>>) dst(%dma_wait3A_132 : memref<5120x128xf32, #tpu.memory_space<vmem_shared>>)
        tpu.yield
      }) : () -> ()
    }
    %scan3A_52 = arith.constant 80 : i32
    %dma_start3A_53 = arith.constant 161 : i32
    %dma_start3A_54 = arith.constant 0 : i32
    %dma_start3A_55 = tpu.memref_slice %arg9[%dma_start3A_53, %dma_start3A_54] : memref<162x128xi32, #tpu.memory_space<vmem>> -> memref<1x128xi32, #tpu.memory_space<vmem>>
    %dma_start3A_56 = tpu.memref_squeeze %dma_start3A_55 : memref<1x128xi32, #tpu.memory_space<vmem>> -> memref<128xi32, #tpu.memory_space<vmem>>
    %dma_start3A_57 = arith.constant 0 : i32
    %dma_start3A_58 = arith.constant 0 : i32
    %dma_start3A_59 = tpu.memref_slice %arg3[%dma_start3A_57, %dma_start3A_58] : memref<10240x128xf32, #tpu.memory_space<hbm>> -> memref<10240x128xf32, #tpu.memory_space<hbm>>
    tpu.enqueue_indirect_dma source(%dma_start3A_59 : memref<10240x128xf32, #tpu.memory_space<hbm>>) target(%arg12 : memref<128x128xf32, #tpu.memory_space<vmem>>) offsets(%dma_start3A_56 : memref<128xi32, #tpu.memory_space<vmem>>) semaphore(%arg14 : memref<!tpu.dma_semaphore, #tpu.memory_space<semaphore_mem>>)
    %dma_wait3A_60 = arith.constant 160 : i32
    %dma_wait3A_61 = arith.constant 0 : i32
    %dma_wait3A_62 = tpu.memref_slice %arg9[%dma_wait3A_60, %dma_wait3A_61] : memref<162x128xi32, #tpu.memory_space<vmem>> -> memref<1x128xi32, #tpu.memory_space<vmem>>
    %dma_wait3A_63 = tpu.memref_squeeze %dma_wait3A_62 : memref<1x128xi32, #tpu.memory_space<vmem>> -> memref<128xi32, #tpu.memory_space<vmem>>
    %dma_wait3A_64 = arith.constant 0 : i32
    %dma_wait3A_65 = arith.constant 0 : i32
    %dma_wait3A_66 = tpu.memref_slice %arg3[%dma_wait3A_64, %dma_wait3A_65] : memref<10240x128xf32, #tpu.memory_space<hbm>> -> memref<10240x128xf32, #tpu.memory_space<hbm>>
    tpu.wait_indirect_dma semaphore(%arg13 : memref<!tpu.dma_semaphore, #tpu.memory_space<semaphore_mem>>) src(%dma_wait3A_66 : memref<10240x128xf32, #tpu.memory_space<hbm>>) dst(%arg11 : memref<128x128xf32, #tpu.memory_space<vmem>>)
    %run_scoped3A_67 = arith.constant 160 : i32
    "tpu.region"() ({
      %run_scoped3A_83 = tpu.sem_alloc : memref<!tpu.dma_semaphore, #tpu.memory_space<semaphore_mem>>
      %dma_start3A_84 = arith.constant 0 : i32
      %dma_start3A_85 = tpu.memref_slice %arg10[%run_scoped3A_67, %dma_start3A_84] : memref<162x128xi32, #tpu.memory_space<vmem>> -> memref<1x128xi32, #tpu.memory_space<vmem>>
      %dma_start3A_86 = tpu.memref_squeeze %dma_start3A_85 : memref<1x128xi32, #tpu.memory_space<vmem>> -> memref<128xi32, #tpu.memory_space<vmem>>
      %dma_start3A_87 = arith.constant 0 : i32
      %dma_start3A_88 = arith.constant 0 : i32
      %dma_start3A_89 = tpu.memref_slice %arg15[%dma_start3A_87, %dma_start3A_88] : memref<5120x128xf32, #tpu.memory_space<vmem_shared>> -> memref<5120x128xf32, #tpu.memory_space<vmem_shared>>
      tpu.enqueue_indirect_dma source(%arg11 : memref<128x128xf32, #tpu.memory_space<vmem>>) target(%dma_start3A_89 : memref<5120x128xf32, #tpu.memory_space<vmem_shared>>) offsets(%dma_start3A_86 : memref<128xi32, #tpu.memory_space<vmem>>) semaphore(%run_scoped3A_83 : memref<!tpu.dma_semaphore, #tpu.memory_space<semaphore_mem>>) {add = true}
      %dma_wait3A_90 = arith.constant 0 : i32
      %dma_wait3A_91 = tpu.memref_slice %arg10[%run_scoped3A_67, %dma_wait3A_90] : memref<162x128xi32, #tpu.memory_space<vmem>> -> memref<1x128xi32, #tpu.memory_space<vmem>>
      %dma_wait3A_92 = tpu.memref_squeeze %dma_wait3A_91 : memref<1x128xi32, #tpu.memory_space<vmem>> -> memref<128xi32, #tpu.memory_space<vmem>>
      %dma_wait3A_93 = arith.constant 0 : i32
      %dma_wait3A_94 = arith.constant 0 : i32
      %dma_wait3A_95 = tpu.memref_slice %arg15[%dma_wait3A_93, %dma_wait3A_94] : memref<5120x128xf32, #tpu.memory_space<vmem_shared>> -> memref<5120x128xf32, #tpu.memory_space<vmem_shared>>
      tpu.wait_indirect_dma semaphore(%run_scoped3A_83 : memref<!tpu.dma_semaphore, #tpu.memory_space<semaphore_mem>>) src(%arg11 : memref<128x128xf32, #tpu.memory_space<vmem>>) dst(%dma_wait3A_95 : memref<5120x128xf32, #tpu.memory_space<vmem_shared>>)
      tpu.yield
    }) : () -> ()
    %dma_wait3A_68 = arith.constant 161 : i32
    %dma_wait3A_69 = arith.constant 0 : i32
    %dma_wait3A_70 = tpu.memref_slice %arg9[%dma_wait3A_68, %dma_wait3A_69] : memref<162x128xi32, #tpu.memory_space<vmem>> -> memref<1x128xi32, #tpu.memory_space<vmem>>
    %dma_wait3A_71 = tpu.memref_squeeze %dma_wait3A_70 : memref<1x128xi32, #tpu.memory_space<vmem>> -> memref<128xi32, #tpu.memory_space<vmem>>
    %dma_wait3A_72 = arith.constant 0 : i32
    %dma_wait3A_73 = arith.constant 0 : i32
    %dma_wait3A_74 = tpu.memref_slice %arg3[%dma_wait3A_72, %dma_wait3A_73] : memref<10240x128xf32, #tpu.memory_space<hbm>> -> memref<10240x128xf32, #tpu.memory_space<hbm>>
    tpu.wait_indirect_dma semaphore(%arg14 : memref<!tpu.dma_semaphore, #tpu.memory_space<semaphore_mem>>) src(%dma_wait3A_74 : memref<10240x128xf32, #tpu.memory_space<hbm>>) dst(%arg12 : memref<128x128xf32, #tpu.memory_space<vmem>>)
    %run_scoped3A_75 = arith.constant 161 : i32
    "tpu.region"() ({
      %run_scoped3A_83 = tpu.sem_alloc : memref<!tpu.dma_semaphore, #tpu.memory_space<semaphore_mem>>
      %dma_start3A_84 = arith.constant 0 : i32
      %dma_start3A_85 = tpu.memref_slice %arg10[%run_scoped3A_75, %dma_start3A_84] : memref<162x128xi32, #tpu.memory_space<vmem>> -> memref<1x128xi32, #tpu.memory_space<vmem>>
      %dma_start3A_86 = tpu.memref_squeeze %dma_start3A_85 : memref<1x128xi32, #tpu.memory_space<vmem>> -> memref<128xi32, #tpu.memory_space<vmem>>
      %dma_start3A_87 = arith.constant 0 : i32
      %dma_start3A_88 = arith.constant 0 : i32
      %dma_start3A_89 = tpu.memref_slice %arg15[%dma_start3A_87, %dma_start3A_88] : memref<5120x128xf32, #tpu.memory_space<vmem_shared>> -> memref<5120x128xf32, #tpu.memory_space<vmem_shared>>
      tpu.enqueue_indirect_dma source(%arg12 : memref<128x128xf32, #tpu.memory_space<vmem>>) target(%dma_start3A_89 : memref<5120x128xf32, #tpu.memory_space<vmem_shared>>) offsets(%dma_start3A_86 : memref<128xi32, #tpu.memory_space<vmem>>) semaphore(%run_scoped3A_83 : memref<!tpu.dma_semaphore, #tpu.memory_space<semaphore_mem>>) {add = true}
      %dma_wait3A_90 = arith.constant 0 : i32
      %dma_wait3A_91 = tpu.memref_slice %arg10[%run_scoped3A_75, %dma_wait3A_90] : memref<162x128xi32, #tpu.memory_space<vmem>> -> memref<1x128xi32, #tpu.memory_space<vmem>>
      %dma_wait3A_92 = tpu.memref_squeeze %dma_wait3A_91 : memref<1x128xi32, #tpu.memory_space<vmem>> -> memref<128xi32, #tpu.memory_space<vmem>>
      %dma_wait3A_93 = arith.constant 0 : i32
      %dma_wait3A_94 = arith.constant 0 : i32
      %dma_wait3A_95 = tpu.memref_slice %arg15[%dma_wait3A_93, %dma_wait3A_94] : memref<5120x128xf32, #tpu.memory_space<vmem_shared>> -> memref<5120x128xf32, #tpu.memory_space<vmem_shared>>
      tpu.wait_indirect_dma semaphore(%run_scoped3A_83 : memref<!tpu.dma_semaphore, #tpu.memory_space<semaphore_mem>>) src(%arg12 : memref<128x128xf32, #tpu.memory_space<vmem>>) dst(%dma_wait3A_95 : memref<5120x128xf32, #tpu.memory_space<vmem_shared>>)
      tpu.yield
    }) : () -> ()
    %barrier3A_76 = arith.constant 0 : index
    tpu.barrier barrier_id(%barrier3A_76)
    %eq3A_77 = arith.constant 0 : i32
    %eq3A_78 = arith.cmpi eq, %arg1, %eq3A_77 : i32
    %convert_element_type3A_79 = arith.extui %eq3A_78 : i1 to i32
    %cond3A_80 = arith.constant 0 : i32
    %cond3A_81 = arith.cmpi ne, %convert_element_type3A_79, %cond3A_80 : i32
    scf.if %cond3A_81 {
      %mul3A_83 = arith.constant 5008 : i32
      %mul3A_84 = arith.muli %arg0, %mul3A_83 : i32
      "tpu.region"() ({
        %run_scoped3A_85 = tpu.sem_alloc : memref<!tpu.dma_semaphore, #tpu.memory_space<semaphore_mem>>
        %dma_start3A_86 = arith.constant 0 : i32
        %dma_start3A_87 = tpu.memref_slice %arg8[%mul3A_84, %dma_start3A_86] : memref<10240x128xf32, #tpu.memory_space<hbm>> -> memref<5008x128xf32, #tpu.memory_space<hbm>>
        %dma_start3A_88 = arith.constant 0 : i32
        %dma_start3A_89 = arith.constant 0 : i32
        %dma_start3A_90 = tpu.memref_slice %arg15[%dma_start3A_88, %dma_start3A_89] : memref<5120x128xf32, #tpu.memory_space<vmem_shared>> -> memref<5008x128xf32, #tpu.memory_space<vmem_shared>>
        tpu.enqueue_dma source(%dma_start3A_90 : memref<5008x128xf32, #tpu.memory_space<vmem_shared>>) target(%dma_start3A_87 : memref<5008x128xf32, #tpu.memory_space<hbm>>) target_semaphore(%run_scoped3A_85 : memref<!tpu.dma_semaphore, #tpu.memory_space<semaphore_mem>>)
        %dma_wait3A_91 = arith.constant 0 : i32
        %dma_wait3A_92 = tpu.memref_slice %arg8[%mul3A_84, %dma_wait3A_91] : memref<10240x128xf32, #tpu.memory_space<hbm>> -> memref<5008x128xf32, #tpu.memory_space<hbm>>
        %dma_wait3A_93 = arith.constant 0 : i32
        %dma_wait3A_94 = arith.constant 0 : i32
        %dma_wait3A_95 = tpu.memref_slice %arg15[%dma_wait3A_93, %dma_wait3A_94] : memref<5120x128xf32, #tpu.memory_space<vmem_shared>> -> memref<5008x128xf32, #tpu.memory_space<vmem_shared>>
        tpu.wait_dma2 semaphore(%run_scoped3A_85 : memref<!tpu.dma_semaphore, #tpu.memory_space<semaphore_mem>>) src(%dma_wait3A_95 : memref<5008x128xf32, #tpu.memory_space<vmem_shared>>) dst(%dma_wait3A_92 : memref<5008x128xf32, #tpu.memory_space<hbm>>)
        tpu.yield
      }) : () -> ()
    } else {
    }
    %barrier3A_82 = arith.constant 0 : index
    tpu.barrier barrier_id(%barrier3A_82)
    return
  }
}

module attributes {stable_mosaic.version = 14 : i64} {
  func.func @_remap_body(%arg0: i32, %arg1: memref<96x128xi32, #tpu.memory_space<vmem>>, %arg2: memref<96x128xi32, #tpu.memory_space<vmem>>, %arg3: memref<96x128xi32, #tpu.memory_space<vmem>>) attributes {dimension_semantics = [#tpu.dimension_semantics<arbitrary>], iteration_bounds = array<i64: 27>, scalar_prefetch = 0 : i64, scratch_operands = 0 : i64, tpu.core_type = #tpu.core_type<tc>, window_params = [{transform_indices = @transform_0, window_bounds = array<i64: 96, 128>}, {transform_indices = @transform_1, window_bounds = array<i64: 96, 128>}, {transform_indices = @transform_2, window_bounds = array<i64: 96, 128>}]} {
    %get3A = arith.constant 0 : index
    %get3A_0 = arith.constant 0 : index
    %get3A_1 = vector.load %arg1[%get3A, %get3A_0] : memref<96x128xi32, #tpu.memory_space<vmem>>, vector<96x128xi32>
    %lt3A = arith.constant 5008 : i32
    %lt3A_2 = vector.broadcast %lt3A : i32 to vector<96x128xi32>
    %lt3A_3 = arith.cmpi slt, %get3A_1, %lt3A_2 : vector<96x128xi32>
    %jit3A = arith.constant 5016 : i32
    %broadcast_in_dim3A = vector.broadcast %jit3A : i32 to vector<96x128xi32>
    %select_n3A = arith.select %lt3A_3, %get3A_1, %broadcast_in_dim3A : vector<96x128xi1>, vector<96x128xi32>
    %swap3A = arith.constant 0 : index
    %swap3A_4 = arith.constant 0 : index
    %swap3A_5 = vector.load %arg2[%swap3A, %swap3A_4] : memref<96x128xi32, #tpu.memory_space<vmem>>, vector<96x128xi32>
    tpu.vector_store %arg2[%swap3A, %swap3A_4], %select_n3A {strides = array<i32>} : memref<96x128xi32, #tpu.memory_space<vmem>>, vector<96x128xi32>,
    %ge3A = arith.constant 5008 : i32
    %ge3A_6 = vector.broadcast %ge3A : i32 to vector<96x128xi32>
    %ge3A_7 = arith.cmpi sge, %get3A_1, %ge3A_6 : vector<96x128xi32>
    %sub3A = arith.constant 5008 : i32
    %sub3A_8 = vector.broadcast %sub3A : i32 to vector<96x128xi32>
    %sub3A_9 = arith.subi %get3A_1, %sub3A_8 : vector<96x128xi32>
    %jit3A_10 = arith.constant 5016 : i32
    %broadcast_in_dim3A_11 = vector.broadcast %jit3A_10 : i32 to vector<96x128xi32>
    %select_n3A_12 = arith.select %ge3A_7, %sub3A_9, %broadcast_in_dim3A_11 : vector<96x128xi1>, vector<96x128xi32>
    %swap3A_13 = arith.constant 0 : index
    %swap3A_14 = arith.constant 0 : index
    %swap3A_15 = vector.load %arg3[%swap3A_13, %swap3A_14] : memref<96x128xi32, #tpu.memory_space<vmem>>, vector<96x128xi32>
    tpu.vector_store %arg3[%swap3A_13, %swap3A_14], %select_n3A_12 {strides = array<i32>} : memref<96x128xi32, #tpu.memory_space<vmem>>, vector<96x128xi32>,
    return
  }
  func.func @transform_0(%arg0: i32) -> (i32, i32) {
    %c0_i32 = arith.constant 0 : i32
    %c0_i32_0 = arith.constant 0 : i32
    return %arg0, %c0_i32 : i32, i32
  }
  func.func @transform_1(%arg0: i32) -> (i32, i32) {
    %c0_i32 = arith.constant 0 : i32
    %c0_i32_0 = arith.constant 0 : i32
    return %arg0, %c0_i32 : i32, i32
  }
  func.func @transform_2(%arg0: i32) -> (i32, i32) {
    %c0_i32 = arith.constant 0 : i32
    %c0_i32_0 = arith.constant 0 : i32
    return %arg0, %c0_i32 : i32, i32
  }
}

module attributes {stable_mosaic.version = 14 : i64} {
  func.func @_scale_body(%arg0: i32, %arg1: memref<512x128xf32, #tpu.memory_space<vmem>>, %arg2: memref<512x128xf32, #tpu.memory_space<vmem>>, %arg3: memref<512x128xf32, #tpu.memory_space<vmem>>, %arg4: memref<512x128xf32, #tpu.memory_space<vmem>>) attributes {dimension_semantics = [#tpu.dimension_semantics<arbitrary>], iteration_bounds = array<i64: 20>, scalar_prefetch = 0 : i64, scratch_operands = 0 : i64, tpu.core_type = #tpu.core_type<tc>, window_params = [{transform_indices = @transform_0, window_bounds = array<i64: 512, 128>}, {transform_indices = @transform_1, window_bounds = array<i64: 512, 128>}, {transform_indices = @transform_2, window_bounds = array<i64: 512, 128>}, {transform_indices = @transform_3, window_bounds = array<i64: 512, 128>}]} {
    %get3A = arith.constant 0 : index
    %get3A_0 = arith.constant 0 : index
    %get3A_1 = vector.load %arg2[%get3A, %get3A_0] : memref<512x128xf32, #tpu.memory_space<vmem>>, vector<512x128xf32>
    %max3A = arith.constant 0.000000e+00 : f32
    %max3A_2 = vector.broadcast %max3A : f32 to vector<512x128xf32>
    %max3A_3 = arith.maximumf %get3A_1, %max3A_2 : vector<512x128xf32>
    %add3A = arith.constant 1.000000e+00 : f32
    %add3A_4 = vector.broadcast %add3A : f32 to vector<512x128xf32>
    %add3A_5 = arith.addf %max3A_3, %add3A_4 : vector<512x128xf32>
    %sqrt3A = math.sqrt %add3A_5 : vector<512x128xf32>
    %div3A = arith.constant 1.000000e+00 : f32
    %div3A_6 = vector.broadcast %div3A : f32 to vector<512x128xf32>
    %div3A_7 = arith.divf %div3A_6, %sqrt3A : vector<512x128xf32>
    %swap3A = arith.constant 0 : index
    %swap3A_8 = arith.constant 0 : index
    %swap3A_9 = vector.load %arg4[%swap3A, %swap3A_8] : memref<512x128xf32, #tpu.memory_space<vmem>>, vector<512x128xf32>
    tpu.vector_store %arg4[%swap3A, %swap3A_8], %div3A_7 {strides = array<i32>} : memref<512x128xf32, #tpu.memory_space<vmem>>, vector<512x128xf32>,
    %get3A_10 = arith.constant 0 : index
    %get3A_11 = arith.constant 0 : index
    %get3A_12 = vector.load %arg1[%get3A_10, %get3A_11] : memref<512x128xf32, #tpu.memory_space<vmem>>, vector<512x128xf32>
    %mul3A = arith.mulf %get3A_12, %div3A_7 : vector<512x128xf32>
    %swap3A_13 = arith.constant 0 : index
    %swap3A_14 = arith.constant 0 : index
    %swap3A_15 = vector.load %arg3[%swap3A_13, %swap3A_14] : memref<512x128xf32, #tpu.memory_space<vmem>>, vector<512x128xf32>
    tpu.vector_store %arg3[%swap3A_13, %swap3A_14], %mul3A {strides = array<i32>} : memref<512x128xf32, #tpu.memory_space<vmem>>, vector<512x128xf32>,
    return
  }
  func.func @transform_0(%arg0: i32) -> (i32, i32) {
    %c0_i32 = arith.constant 0 : i32
    %c0_i32_0 = arith.constant 0 : i32
    return %arg0, %c0_i32 : i32, i32
  }
  func.func @transform_1(%arg0: i32) -> (i32, i32) {
    %c0_i32 = arith.constant 0 : i32
    %c0_i32_0 = arith.constant 0 : i32
    return %arg0, %c0_i32 : i32, i32
  }
  func.func @transform_2(%arg0: i32) -> (i32, i32) {
    %c0_i32 = arith.constant 0 : i32
    %c0_i32_0 = arith.constant 0 : i32
    return %arg0, %c0_i32 : i32, i32
  }
  func.func @transform_3(%arg0: i32) -> (i32, i32) {
    %c0_i32 = arith.constant 0 : i32
    %c0_i32_0 = arith.constant 0 : i32
    return %arg0, %c0_i32 : i32, i32
  }
}

module attributes {stable_mosaic.version = 14 : i64} {
  func.func @_mm1_body(%arg0: i32, %arg1: memref<512x128xf32, #tpu.memory_space<vmem>>, %arg2: memref<512x128xf32, #tpu.memory_space<vmem>>, %arg3: memref<512x128xf32, #tpu.memory_space<vmem>>, %arg4: memref<128x256xf32, #tpu.memory_space<vmem>>, %arg5: memref<1x256xf32, #tpu.memory_space<vmem>>, %arg6: memref<512x256xf32, #tpu.memory_space<vmem>>, %arg7: memref<1x256xf32, #tpu.memory_space<vmem>>) attributes {dimension_semantics = [#tpu.dimension_semantics<arbitrary>], iteration_bounds = array<i64: 20>, scalar_prefetch = 0 : i64, scratch_operands = 0 : i64, tpu.core_type = #tpu.core_type<tc>, window_params = [{transform_indices = @transform_0, window_bounds = array<i64: 512, 128>}, {transform_indices = @transform_1, window_bounds = array<i64: 512, 128>}, {transform_indices = @transform_2, window_bounds = array<i64: 512, 128>}, {pipeline_mode = #tpu.pipeline_mode<synchronous>, transform_indices = @transform_3, window_bounds = array<i64: 128, 256>}, {pipeline_mode = #tpu.pipeline_mode<synchronous>, transform_indices = @transform_4, window_bounds = array<i64: 1, 256>}, {transform_indices = @transform_5, window_bounds = array<i64: 512, 256>}, {pipeline_mode = #tpu.pipeline_mode<synchronous>, transform_indices = @transform_6, window_bounds = array<i64: 1, 256>}]} {
    %get3A = arith.constant 0 : index
    %get3A_0 = arith.constant 0 : index
    %get3A_1 = vector.load %arg3[%get3A, %get3A_0] : memref<512x128xf32, #tpu.memory_space<vmem>>, vector<512x128xf32>
    %get3A_2 = arith.constant 0 : index
    %get3A_3 = arith.constant 0 : index
    %get3A_4 = vector.load %arg1[%get3A_2, %get3A_3] : memref<512x128xf32, #tpu.memory_space<vmem>>, vector<512x128xf32>
    %get3A_5 = arith.constant 0 : index
    %get3A_6 = arith.constant 0 : index
    %get3A_7 = vector.load %arg2[%get3A_5, %get3A_6] : memref<512x128xf32, #tpu.memory_space<vmem>>, vector<512x128xf32>
    %add3A = arith.addf %get3A_4, %get3A_7 : vector<512x128xf32>
    %mul3A = arith.mulf %get3A_1, %add3A : vector<512x128xf32>
    %get3A_8 = arith.constant 0 : index
    %get3A_9 = arith.constant 0 : index
    %get3A_10 = vector.load %arg4[%get3A_8, %get3A_9] : memref<128x256xf32, #tpu.memory_space<vmem>>, vector<128x256xf32>
    %dot_general3A = arith.constant dense<0.000000e+00> : vector<512x256xf32>
    %dot_general3A_11 = tpu.matmul %mul3A, %get3A_10, %dot_general3A {dimension_numbers = #tpu.dot_dimension_numbers<[1], [0], [0], [1], [0, 0, 1, 1], [], []>, precision = #tpu.contract_precision<fp32>, transpose_lhs_hint = false} : vector<512x128xf32>, vector<128x256xf32>, vector<512x256xf32> -> vector<512x256xf32>
    %get3A_12 = arith.constant 0 : index
    %get3A_13 = arith.constant 0 : index
    %get3A_14 = vector.load %arg5[%get3A_12, %get3A_13] : memref<1x256xf32, #tpu.memory_space<vmem>>, vector<1x256xf32>
    %add3A_15 = vector.broadcast %get3A_14 : vector<1x256xf32> to vector<512x256xf32>
    %add3A_16 = arith.addf %dot_general3A_11, %add3A_15 : vector<512x256xf32>
    %swap3A = arith.constant 0 : index
    %swap3A_17 = arith.constant 0 : index
    %swap3A_18 = vector.load %arg6[%swap3A, %swap3A_17] : memref<512x256xf32, #tpu.memory_space<vmem>>, vector<512x256xf32>
    tpu.vector_store %arg6[%swap3A, %swap3A_17], %add3A_16 {strides = array<i32>} : memref<512x256xf32, #tpu.memory_space<vmem>>, vector<512x256xf32>,
    %mul3A_19 = arith.constant 512 : i32
    %mul3A_20 = arith.muli %arg0, %mul3A_19 : i32
    %iota3A = tpu.iota {dimensions = array<i32: 0>} : vector<512x1xi32>
    %add3A_21 = vector.broadcast %mul3A_20 : i32 to vector<512x1xi32>
    %add3A_22 = arith.addi %add3A_21, %iota3A : vector<512x1xi32>
    %lt3A = arith.constant 10000 : i32
    %lt3A_23 = vector.broadcast %lt3A : i32 to vector<512x1xi32>
    %lt3A_24 = arith.cmpi slt, %add3A_22, %lt3A_23 : vector<512x1xi32>
    %jit3A = arith.constant 0.000000e+00 : f32
    %broadcast_in_dim3A = vector.shape_cast %lt3A_24 : vector<512x1xi1> to vector<512x1xi1>
    %broadcast_in_dim3A_25 = vector.broadcast %broadcast_in_dim3A : vector<512x1xi1> to vector<512x256xi1>
    %broadcast_in_dim3A_26 = vector.broadcast %jit3A : f32 to vector<512x256xf32>
    %select_n3A = arith.select %broadcast_in_dim3A_25, %add3A_16, %broadcast_in_dim3A_26 : vector<512x256xi1>, vector<512x256xf32>
    %eq3A = arith.constant 0 : i32
    %eq3A_27 = arith.cmpi eq, %arg0, %eq3A : i32
    %convert_element_type3A = arith.extui %eq3A_27 : i1 to i32
    %cond3A = arith.constant 0 : i32
    %cond3A_28 = arith.cmpi ne, %convert_element_type3A, %cond3A : i32
    scf.if %cond3A_28 {
      %broadcast_in_dim3A_38 = arith.constant 0.000000e+00 : f32
      %broadcast_in_dim3A_39 = vector.broadcast %broadcast_in_dim3A_38 : f32 to vector<1x256xf32>
      %swap3A_40 = arith.constant 0 : index
      %swap3A_41 = arith.constant 0 : index
      %swap3A_42 = vector.load %arg7[%swap3A_40, %swap3A_41] : memref<1x256xf32, #tpu.memory_space<vmem>>, vector<1x256xf32>
      tpu.vector_store %arg7[%swap3A_40, %swap3A_41], %broadcast_in_dim3A_39 {strides = array<i32>} : memref<1x256xf32, #tpu.memory_space<vmem>>, vector<1x256xf32>,
    } else {
    }
    %get3A_29 = arith.constant 0 : index
    %get3A_30 = arith.constant 0 : index
    %get3A_31 = vector.load %arg7[%get3A_29, %get3A_30] : memref<1x256xf32, #tpu.memory_space<vmem>>, vector<1x256xf32>
    %reduce_sum3A = arith.constant dense<0.000000e+00> : vector<256xf32>
    %reduce_sum3A_32 = vector.multi_reduction <add>, %select_n3A, %reduce_sum3A [0] : vector<512x256xf32> to vector<256xf32>
    %broadcast_in_dim3A_33 = vector.shape_cast %reduce_sum3A_32 : vector<256xf32> to vector<1x256xf32>
    %add3A_34 = arith.addf %get3A_31, %broadcast_in_dim3A_33 : vector<1x256xf32>
    %swap3A_35 = arith.constant 0 : index
    %swap3A_36 = arith.constant 0 : index
    %swap3A_37 = vector.load %arg7[%swap3A_35, %swap3A_36] : memref<1x256xf32, #tpu.memory_space<vmem>>, vector<1x256xf32>
    tpu.vector_store %arg7[%swap3A_35, %swap3A_36], %add3A_34 {strides = array<i32>} : memref<1x256xf32, #tpu.memory_space<vmem>>, vector<1x256xf32>,
    return
  }
  func.func @transform_0(%arg0: i32) -> (i32, i32) {
    %c0_i32 = arith.constant 0 : i32
    %c0_i32_0 = arith.constant 0 : i32
    return %arg0, %c0_i32 : i32, i32
  }
  func.func @transform_1(%arg0: i32) -> (i32, i32) {
    %c0_i32 = arith.constant 0 : i32
    %c0_i32_0 = arith.constant 0 : i32
    return %arg0, %c0_i32 : i32, i32
  }
  func.func @transform_2(%arg0: i32) -> (i32, i32) {
    %c0_i32 = arith.constant 0 : i32
    %c0_i32_0 = arith.constant 0 : i32
    return %arg0, %c0_i32 : i32, i32
  }
  func.func @transform_3(%arg0: i32) -> (i32, i32) {
    %c0_i32 = arith.constant 0 : i32
    %c0_i32_0 = arith.constant 0 : i32
    %c0_i32_1 = arith.constant 0 : i32
    return %c0_i32, %c0_i32_0 : i32, i32
  }
  func.func @transform_4(%arg0: i32) -> (i32, i32) {
    %c0_i32 = arith.constant 0 : i32
    %c0_i32_0 = arith.constant 0 : i32
    %c0_i32_1 = arith.constant 0 : i32
    return %c0_i32, %c0_i32_0 : i32, i32
  }
  func.func @transform_5(%arg0: i32) -> (i32, i32) {
    %c0_i32 = arith.constant 0 : i32
    %c0_i32_0 = arith.constant 0 : i32
    return %arg0, %c0_i32 : i32, i32
  }
  func.func @transform_6(%arg0: i32) -> (i32, i32) {
    %c0_i32 = arith.constant 0 : i32
    %c0_i32_0 = arith.constant 0 : i32
    %c0_i32_1 = arith.constant 0 : i32
    return %c0_i32, %c0_i32_0 : i32, i32
  }
}

module attributes {stable_mosaic.version = 14 : i64} {
  func.func @_bn1_body(%arg0: i32, %arg1: memref<512x256xf32, #tpu.memory_space<vmem>>, %arg2: memref<1x256xf32, #tpu.memory_space<vmem>>, %arg3: memref<1x256xf32, #tpu.memory_space<vmem>>, %arg4: memref<1x256xf32, #tpu.memory_space<vmem>>, %arg5: memref<512x128xf32, #tpu.memory_space<vmem>>, %arg6: memref<512x128xf32, #tpu.memory_space<vmem>>, %arg7: memref<512x128xf32, #tpu.memory_space<vmem>>, %arg8: memref<1x256xf32, #tpu.memory_space<vmem>>) attributes {dimension_semantics = [#tpu.dimension_semantics<arbitrary>], iteration_bounds = array<i64: 40>, scalar_prefetch = 0 : i64, scratch_operands = 1 : i64, tpu.core_type = #tpu.core_type<tc>, window_params = [{transform_indices = @transform_0, window_bounds = array<i64: 512, 256>}, {pipeline_mode = #tpu.pipeline_mode<synchronous>, transform_indices = @transform_1, window_bounds = array<i64: 1, 256>}, {pipeline_mode = #tpu.pipeline_mode<synchronous>, transform_indices = @transform_2, window_bounds = array<i64: 1, 256>}, {pipeline_mode = #tpu.pipeline_mode<synchronous>, transform_indices = @transform_3, window_bounds = array<i64: 1, 256>}, {transform_indices = @transform_4, window_bounds = array<i64: 512, 128>}, {transform_indices = @transform_5, window_bounds = array<i64: 512, 128>}, {transform_indices = @transform_6, window_bounds = array<i64: 512, 128>}]} {
    %get3A = arith.constant 0 : index
    %get3A_0 = arith.constant 0 : index
    %get3A_1 = vector.load %arg2[%get3A, %get3A_0] : memref<1x256xf32, #tpu.memory_space<vmem>>, vector<1x256xf32>
    %div3A = arith.constant 1.000000e+04 : f32
    %div3A_2 = vector.broadcast %div3A : f32 to vector<1x256xf32>
    %div3A_3 = arith.divf %get3A_1, %div3A_2 : vector<1x256xf32>
    %get3A_4 = arith.constant 0 : index
    %get3A_5 = arith.constant 0 : index
    %get3A_6 = vector.load %arg1[%get3A_4, %get3A_5] : memref<512x256xf32, #tpu.memory_space<vmem>>, vector<512x256xf32>
    %jit3A = arith.constant 20 : i32
    %eq3A = arith.constant 0 : i32
    %eq3A_7 = arith.cmpi eq, %jit3A, %eq3A : i32
    %jit3A_8 = arith.constant 1 : i32
    %select_n3A = arith.select %eq3A_7, %jit3A_8, %jit3A : i32
    %rem3A = arith.remsi %arg0, %select_n3A : i32
    %ne3A = arith.constant 0 : i32
    %ne3A_9 = arith.cmpi ne, %rem3A, %ne3A : i32
    %lt3A = arith.constant 0 : i32
    %lt3A_10 = arith.cmpi slt, %rem3A, %lt3A : i32
    %lt3A_11 = arith.constant 0 : i32
    %lt3A_12 = arith.cmpi slt, %select_n3A, %lt3A_11 : i32
    %ne3A_13 = arith.xori %lt3A_10, %lt3A_12 : i1
    %and3A = arith.andi %ne3A_13, %ne3A_9 : i1
    %add3A = arith.addi %rem3A, %select_n3A : i32
    %select_n3A_14 = arith.select %and3A, %add3A, %rem3A : i32
    %mul3A = arith.constant 512 : i32
    %mul3A_15 = arith.muli %select_n3A_14, %mul3A : i32
    %iota3A = tpu.iota {dimensions = array<i32: 0>} : vector<512x1xi32>
    %add3A_16 = vector.broadcast %mul3A_15 : i32 to vector<512x1xi32>
    %add3A_17 = arith.addi %add3A_16, %iota3A : vector<512x1xi32>
    %eq3A_18 = arith.constant 0 : i32
    %eq3A_19 = arith.cmpi eq, %arg0, %eq3A_18 : i32
    %convert_element_type3A = arith.extui %eq3A_19 : i1 to i32
    %cond3A = arith.constant 0 : i32
    %cond3A_20 = arith.cmpi ne, %convert_element_type3A, %cond3A : i32
    scf.if %cond3A_20 {
      %broadcast_in_dim3A = arith.constant 0.000000e+00 : f32
      %broadcast_in_dim3A_30 = vector.broadcast %broadcast_in_dim3A : f32 to vector<1x256xf32>
      %swap3A = arith.constant 0 : index
      %swap3A_31 = arith.constant 0 : index
      %swap3A_32 = vector.load %arg8[%swap3A, %swap3A_31] : memref<1x256xf32, #tpu.memory_space<vmem>>, vector<1x256xf32>
      tpu.vector_store %arg8[%swap3A, %swap3A_31], %broadcast_in_dim3A_30 {strides = array<i32>} : memref<1x256xf32, #tpu.memory_space<vmem>>, vector<1x256xf32>,
    } else {
    }
    %lt3A_21 = arith.constant 20 : i32
    %lt3A_22 = arith.cmpi slt, %arg0, %lt3A_21 : i32
    %convert_element_type3A_23 = arith.extui %lt3A_22 : i1 to i32
    %cond3A_24 = arith.constant 0 : i32
    %cond3A_25 = arith.cmpi ne, %convert_element_type3A_23, %cond3A_24 : i32
    scf.if %cond3A_25 {
      %lt3A_30 = arith.constant 10000 : i32
      %lt3A_31 = vector.broadcast %lt3A_30 : i32 to vector<512x1xi32>
      %lt3A_32 = arith.cmpi slt, %add3A_17, %lt3A_31 : vector<512x1xi32>
      %sub3A = vector.broadcast %div3A_3 : vector<1x256xf32> to vector<512x256xf32>
      %sub3A_33 = arith.subf %get3A_6, %sub3A : vector<512x256xf32>
      %jit3A_34 = arith.constant 0.000000e+00 : f32
      %broadcast_in_dim3A = vector.shape_cast %lt3A_32 : vector<512x1xi1> to vector<512x1xi1>
      %broadcast_in_dim3A_35 = vector.broadcast %broadcast_in_dim3A : vector<512x1xi1> to vector<512x256xi1>
      %broadcast_in_dim3A_36 = vector.broadcast %jit3A_34 : f32 to vector<512x256xf32>
      %select_n3A_37 = arith.select %broadcast_in_dim3A_35, %sub3A_33, %broadcast_in_dim3A_36 : vector<512x256xi1>, vector<512x256xf32>
      %get3A_38 = arith.constant 0 : index
      %get3A_39 = arith.constant 0 : index
      %get3A_40 = vector.load %arg8[%get3A_38, %get3A_39] : memref<1x256xf32, #tpu.memory_space<vmem>>, vector<1x256xf32>
      %mul3A_41 = arith.mulf %select_n3A_37, %select_n3A_37 : vector<512x256xf32>
      %reduce_sum3A = arith.constant dense<0.000000e+00> : vector<256xf32>
      %reduce_sum3A_42 = vector.multi_reduction <add>, %mul3A_41, %reduce_sum3A [0] : vector<512x256xf32> to vector<256xf32>
      %broadcast_in_dim3A_43 = vector.shape_cast %reduce_sum3A_42 : vector<256xf32> to vector<1x256xf32>
      %add3A_44 = arith.addf %get3A_40, %broadcast_in_dim3A_43 : vector<1x256xf32>
      %swap3A = arith.constant 0 : index
      %swap3A_45 = arith.constant 0 : index
      %swap3A_46 = vector.load %arg8[%swap3A, %swap3A_45] : memref<1x256xf32, #tpu.memory_space<vmem>>, vector<1x256xf32>
      tpu.vector_store %arg8[%swap3A, %swap3A_45], %add3A_44 {strides = array<i32>} : memref<1x256xf32, #tpu.memory_space<vmem>>, vector<1x256xf32>,
    } else {
    }
    %ge3A = arith.constant 20 : i32
    %ge3A_26 = arith.cmpi sge, %arg0, %ge3A : i32
    %convert_element_type3A_27 = arith.extui %ge3A_26 : i1 to i32
    %cond3A_28 = arith.constant 0 : i32
    %cond3A_29 = arith.cmpi ne, %convert_element_type3A_27, %cond3A_28 : i32
    scf.if %cond3A_29 {
      %get3A_30 = arith.constant 0 : index
      %get3A_31 = arith.constant 0 : index
      %get3A_32 = vector.load %arg8[%get3A_30, %get3A_31] : memref<1x256xf32, #tpu.memory_space<vmem>>, vector<1x256xf32>
      %div3A_33 = arith.constant 1.000000e+04 : f32
      %div3A_34 = vector.broadcast %div3A_33 : f32 to vector<1x256xf32>
      %div3A_35 = arith.divf %get3A_32, %div3A_34 : vector<1x256xf32>
      %get3A_36 = arith.constant 0 : index
      %get3A_37 = arith.constant 0 : index
      %get3A_38 = vector.load %arg3[%get3A_36, %get3A_37] : memref<1x256xf32, #tpu.memory_space<vmem>>, vector<1x256xf32>
      %add3A_39 = arith.constant 9.99999974E-6 : f32
      %add3A_40 = vector.broadcast %add3A_39 : f32 to vector<1x256xf32>
      %add3A_41 = arith.addf %div3A_35, %add3A_40 : vector<1x256xf32>
      %sqrt3A = math.sqrt %add3A_41 : vector<1x256xf32>
      %div3A_42 = arith.divf %get3A_38, %sqrt3A : vector<1x256xf32>
      %sub3A = vector.broadcast %div3A_3 : vector<1x256xf32> to vector<512x256xf32>
      %sub3A_43 = arith.subf %get3A_6, %sub3A : vector<512x256xf32>
      %mul3A_44 = vector.broadcast %div3A_42 : vector<1x256xf32> to vector<512x256xf32>
      %mul3A_45 = arith.mulf %sub3A_43, %mul3A_44 : vector<512x256xf32>
      %get3A_46 = arith.constant 0 : index
      %get3A_47 = arith.constant 0 : index
      %get3A_48 = vector.load %arg4[%get3A_46, %get3A_47] : memref<1x256xf32, #tpu.memory_space<vmem>>, vector<1x256xf32>
      %add3A_49 = vector.broadcast %get3A_48 : vector<1x256xf32> to vector<512x256xf32>
      %add3A_50 = arith.addf %mul3A_45, %add3A_49 : vector<512x256xf32>
      %max3A = arith.constant 0.000000e+00 : f32
      %max3A_51 = vector.broadcast %max3A : f32 to vector<512x256xf32>
      %max3A_52 = arith.maximumf %add3A_50, %max3A_51 : vector<512x256xf32>
      %get3A_53 = arith.constant 0 : index
      %get3A_54 = arith.constant 0 : index
      %get3A_55 = vector.load %arg5[%get3A_53, %get3A_54] : memref<512x128xf32, #tpu.memory_space<vmem>>, vector<512x128xf32>
      %slice3A = vector.extract_strided_slice %max3A_52 {offsets = [0, 0], sizes = [512, 128], strides = [1, 1]} : vector<512x256xf32> to vector<512x128xf32>
      %mul3A_56 = arith.mulf %slice3A, %get3A_55 : vector<512x128xf32>
      %swap3A = arith.constant 0 : index
      %swap3A_57 = arith.constant 0 : index
      %swap3A_58 = vector.load %arg6[%swap3A, %swap3A_57] : memref<512x128xf32, #tpu.memory_space<vmem>>, vector<512x128xf32>
      tpu.vector_store %arg6[%swap3A, %swap3A_57], %mul3A_56 {strides = array<i32>} : memref<512x128xf32, #tpu.memory_space<vmem>>, vector<512x128xf32>,
      %slice3A_59 = vector.extract_strided_slice %max3A_52 {offsets = [0, 128], sizes = [512, 128], strides = [1, 1]} : vector<512x256xf32> to vector<512x128xf32>
      %mul3A_60 = arith.mulf %slice3A_59, %get3A_55 : vector<512x128xf32>
      %swap3A_61 = arith.constant 0 : index
      %swap3A_62 = arith.constant 0 : index
      %swap3A_63 = vector.load %arg7[%swap3A_61, %swap3A_62] : memref<512x128xf32, #tpu.memory_space<vmem>>, vector<512x128xf32>
      tpu.vector_store %arg7[%swap3A_61, %swap3A_62], %mul3A_60 {strides = array<i32>} : memref<512x128xf32, #tpu.memory_space<vmem>>, vector<512x128xf32>,
    } else {
    }
    return
  }
  func.func @transform_0(%arg0: i32) -> (i32, i32) {
    %jit3A = arith.constant 20 : i32
    %eq3A = arith.constant 0 : i32
    %eq3A_0 = arith.cmpi eq, %jit3A, %eq3A : i32
    %jit3A_1 = arith.constant 1 : i32
    %select_n3A = arith.select %eq3A_0, %jit3A_1, %jit3A : i32
    %rem3A = arith.remsi %arg0, %select_n3A : i32
    %ne3A = arith.constant 0 : i32
    %ne3A_2 = arith.cmpi ne, %rem3A, %ne3A : i32
    %lt3A = arith.constant 0 : i32
    %lt3A_3 = arith.cmpi slt, %rem3A, %lt3A : i32
    %lt3A_4 = arith.constant 0 : i32
    %lt3A_5 = arith.cmpi slt, %select_n3A, %lt3A_4 : i32
    %ne3A_6 = arith.xori %lt3A_3, %lt3A_5 : i1
    %and3A = arith.andi %ne3A_6, %ne3A_2 : i1
    %add3A = arith.addi %rem3A, %select_n3A : i32
    %select_n3A_7 = arith.select %and3A, %add3A, %rem3A : i32
    %c0_i32 = arith.constant 0 : i32
    %c0_i32_8 = arith.constant 0 : i32
    return %select_n3A_7, %c0_i32 : i32, i32
  }
  func.func @transform_1(%arg0: i32) -> (i32, i32) {
    %c0_i32 = arith.constant 0 : i32
    %c0_i32_0 = arith.constant 0 : i32
    %c0_i32_1 = arith.constant 0 : i32
    return %c0_i32, %c0_i32_0 : i32, i32
  }
  func.func @transform_2(%arg0: i32) -> (i32, i32) {
    %c0_i32 = arith.constant 0 : i32
    %c0_i32_0 = arith.constant 0 : i32
    %c0_i32_1 = arith.constant 0 : i32
    return %c0_i32, %c0_i32_0 : i32, i32
  }
  func.func @transform_3(%arg0: i32) -> (i32, i32) {
    %c0_i32 = arith.constant 0 : i32
    %c0_i32_0 = arith.constant 0 : i32
    %c0_i32_1 = arith.constant 0 : i32
    return %c0_i32, %c0_i32_0 : i32, i32
  }
  func.func @transform_4(%arg0: i32) -> (i32, i32) {
    %jit3A = arith.constant 20 : i32
    %eq3A = arith.constant 0 : i32
    %eq3A_0 = arith.cmpi eq, %jit3A, %eq3A : i32
    %jit3A_1 = arith.constant 1 : i32
    %select_n3A = arith.select %eq3A_0, %jit3A_1, %jit3A : i32
    %rem3A = arith.remsi %arg0, %select_n3A : i32
    %ne3A = arith.constant 0 : i32
    %ne3A_2 = arith.cmpi ne, %rem3A, %ne3A : i32
    %lt3A = arith.constant 0 : i32
    %lt3A_3 = arith.cmpi slt, %rem3A, %lt3A : i32
    %lt3A_4 = arith.constant 0 : i32
    %lt3A_5 = arith.cmpi slt, %select_n3A, %lt3A_4 : i32
    %ne3A_6 = arith.xori %lt3A_3, %lt3A_5 : i1
    %and3A = arith.andi %ne3A_6, %ne3A_2 : i1
    %add3A = arith.addi %rem3A, %select_n3A : i32
    %select_n3A_7 = arith.select %and3A, %add3A, %rem3A : i32
    %c0_i32 = arith.constant 0 : i32
    %c0_i32_8 = arith.constant 0 : i32
    return %select_n3A_7, %c0_i32 : i32, i32
  }
  func.func @transform_5(%arg0: i32) -> (i32, i32) {
    %jit3A = arith.constant 20 : i32
    %eq3A = arith.constant 0 : i32
    %eq3A_0 = arith.cmpi eq, %jit3A, %eq3A : i32
    %jit3A_1 = arith.constant 1 : i32
    %select_n3A = arith.select %eq3A_0, %jit3A_1, %jit3A : i32
    %rem3A = arith.remsi %arg0, %select_n3A : i32
    %ne3A = arith.constant 0 : i32
    %ne3A_2 = arith.cmpi ne, %rem3A, %ne3A : i32
    %lt3A = arith.constant 0 : i32
    %lt3A_3 = arith.cmpi slt, %rem3A, %lt3A : i32
    %lt3A_4 = arith.constant 0 : i32
    %lt3A_5 = arith.cmpi slt, %select_n3A, %lt3A_4 : i32
    %ne3A_6 = arith.xori %lt3A_3, %lt3A_5 : i1
    %and3A = arith.andi %ne3A_6, %ne3A_2 : i1
    %add3A = arith.addi %rem3A, %select_n3A : i32
    %select_n3A_7 = arith.select %and3A, %add3A, %rem3A : i32
    %c0_i32 = arith.constant 0 : i32
    %c0_i32_8 = arith.constant 0 : i32
    return %select_n3A_7, %c0_i32 : i32, i32
  }
  func.func @transform_6(%arg0: i32) -> (i32, i32) {
    %jit3A = arith.constant 20 : i32
    %eq3A = arith.constant 0 : i32
    %eq3A_0 = arith.cmpi eq, %jit3A, %eq3A : i32
    %jit3A_1 = arith.constant 1 : i32
    %select_n3A = arith.select %eq3A_0, %jit3A_1, %jit3A : i32
    %rem3A = arith.remsi %arg0, %select_n3A : i32
    %ne3A = arith.constant 0 : i32
    %ne3A_2 = arith.cmpi ne, %rem3A, %ne3A : i32
    %lt3A = arith.constant 0 : i32
    %lt3A_3 = arith.cmpi slt, %rem3A, %lt3A : i32
    %lt3A_4 = arith.constant 0 : i32
    %lt3A_5 = arith.cmpi slt, %select_n3A, %lt3A_4 : i32
    %ne3A_6 = arith.xori %lt3A_3, %lt3A_5 : i1
    %and3A = arith.andi %ne3A_6, %ne3A_2 : i1
    %add3A = arith.addi %rem3A, %select_n3A : i32
    %select_n3A_7 = arith.select %and3A, %add3A, %rem3A : i32
    %c0_i32 = arith.constant 0 : i32
    %c0_i32_8 = arith.constant 0 : i32
    return %select_n3A_7, %c0_i32 : i32, i32
  }
}

module attributes {stable_mosaic.version = 14 : i64} {
  func.func @_mm2_body(%arg0: i32, %arg1: memref<512x128xf32, #tpu.memory_space<vmem>>, %arg2: memref<512x128xf32, #tpu.memory_space<vmem>>, %arg3: memref<512x128xf32, #tpu.memory_space<vmem>>, %arg4: memref<512x128xf32, #tpu.memory_space<vmem>>, %arg5: memref<512x128xf32, #tpu.memory_space<vmem>>, %arg6: memref<256x256xf32, #tpu.memory_space<vmem>>, %arg7: memref<1x256xf32, #tpu.memory_space<vmem>>, %arg8: memref<512x256xf32, #tpu.memory_space<vmem>>, %arg9: memref<1x256xf32, #tpu.memory_space<vmem>>) attributes {dimension_semantics = [#tpu.dimension_semantics<arbitrary>], iteration_bounds = array<i64: 20>, scalar_prefetch = 0 : i64, scratch_operands = 0 : i64, tpu.core_type = #tpu.core_type<tc>, window_params = [{transform_indices = @transform_0, window_bounds = array<i64: 512, 128>}, {transform_indices = @transform_1, window_bounds = array<i64: 512, 128>}, {transform_indices = @transform_2, window_bounds = array<i64: 512, 128>}, {transform_indices = @transform_3, window_bounds = array<i64: 512, 128>}, {transform_indices = @transform_4, window_bounds = array<i64: 512, 128>}, {pipeline_mode = #tpu.pipeline_mode<synchronous>, transform_indices = @transform_5, window_bounds = array<i64: 256, 256>}, {pipeline_mode = #tpu.pipeline_mode<synchronous>, transform_indices = @transform_6, window_bounds = array<i64: 1, 256>}, {transform_indices = @transform_7, window_bounds = array<i64: 512, 256>}, {pipeline_mode = #tpu.pipeline_mode<synchronous>, transform_indices = @transform_8, window_bounds = array<i64: 1, 256>}]} {
    %get3A = arith.constant 0 : index
    %get3A_0 = arith.constant 0 : index
    %get3A_1 = vector.load %arg5[%get3A, %get3A_0] : memref<512x128xf32, #tpu.memory_space<vmem>>, vector<512x128xf32>
    %get3A_2 = arith.constant 0 : index
    %get3A_3 = arith.constant 0 : index
    %get3A_4 = vector.load %arg1[%get3A_2, %get3A_3] : memref<512x128xf32, #tpu.memory_space<vmem>>, vector<512x128xf32>
    %get3A_5 = arith.constant 0 : index
    %get3A_6 = arith.constant 0 : index
    %get3A_7 = vector.load %arg3[%get3A_5, %get3A_6] : memref<512x128xf32, #tpu.memory_space<vmem>>, vector<512x128xf32>
    %add3A = arith.addf %get3A_4, %get3A_7 : vector<512x128xf32>
    %mul3A = arith.mulf %get3A_1, %add3A : vector<512x128xf32>
    %get3A_8 = arith.constant 0 : index
    %get3A_9 = arith.constant 0 : index
    %get3A_10 = vector.load %arg2[%get3A_8, %get3A_9] : memref<512x128xf32, #tpu.memory_space<vmem>>, vector<512x128xf32>
    %get3A_11 = arith.constant 0 : index
    %get3A_12 = arith.constant 0 : index
    %get3A_13 = vector.load %arg4[%get3A_11, %get3A_12] : memref<512x128xf32, #tpu.memory_space<vmem>>, vector<512x128xf32>
    %add3A_14 = arith.addf %get3A_10, %get3A_13 : vector<512x128xf32>
    %mul3A_15 = arith.mulf %get3A_1, %add3A_14 : vector<512x128xf32>
    %get3A_16 = arith.constant 0 : index
    %get3A_17 = arith.constant 0 : index
    %get3A_18 = vector.load %arg6[%get3A_16, %get3A_17] : memref<256x256xf32, #tpu.memory_space<vmem>>, vector<128x256xf32>
    %dot_general3A = arith.constant dense<0.000000e+00> : vector<512x256xf32>
    %dot_general3A_19 = tpu.matmul %mul3A, %get3A_18, %dot_general3A {dimension_numbers = #tpu.dot_dimension_numbers<[1], [0], [0], [1], [0, 0, 1, 1], [], []>, precision = #tpu.contract_precision<fp32>, transpose_lhs_hint = false} : vector<512x128xf32>, vector<128x256xf32>, vector<512x256xf32> -> vector<512x256xf32>
    %get3A_20 = arith.constant 128 : index
    %get3A_21 = arith.constant 0 : index
    %get3A_22 = vector.load %arg6[%get3A_20, %get3A_21] : memref<256x256xf32, #tpu.memory_space<vmem>>, vector<128x256xf32>
    %dot_general3A_23 = arith.constant dense<0.000000e+00> : vector<512x256xf32>
    %dot_general3A_24 = tpu.matmul %mul3A_15, %get3A_22, %dot_general3A_23 {dimension_numbers = #tpu.dot_dimension_numbers<[1], [0], [0], [1], [0, 0, 1, 1], [], []>, precision = #tpu.contract_precision<fp32>, transpose_lhs_hint = false} : vector<512x128xf32>, vector<128x256xf32>, vector<512x256xf32> -> vector<512x256xf32>
    %add3A_25 = arith.addf %dot_general3A_19, %dot_general3A_24 : vector<512x256xf32>
    %get3A_26 = arith.constant 0 : index
    %get3A_27 = arith.constant 0 : index
    %get3A_28 = vector.load %arg7[%get3A_26, %get3A_27] : memref<1x256xf32, #tpu.memory_space<vmem>>, vector<1x256xf32>
    %add3A_29 = vector.broadcast %get3A_28 : vector<1x256xf32> to vector<512x256xf32>
    %add3A_30 = arith.addf %add3A_25, %add3A_29 : vector<512x256xf32>
    %swap3A = arith.constant 0 : index
    %swap3A_31 = arith.constant 0 : index
    %swap3A_32 = vector.load %arg8[%swap3A, %swap3A_31] : memref<512x256xf32, #tpu.memory_space<vmem>>, vector<512x256xf32>
    tpu.vector_store %arg8[%swap3A, %swap3A_31], %add3A_30 {strides = array<i32>} : memref<512x256xf32, #tpu.memory_space<vmem>>, vector<512x256xf32>,
    %mul3A_33 = arith.constant 512 : i32
    %mul3A_34 = arith.muli %arg0, %mul3A_33 : i32
    %iota3A = tpu.iota {dimensions = array<i32: 0>} : vector<512x1xi32>
    %add3A_35 = vector.broadcast %mul3A_34 : i32 to vector<512x1xi32>
    %add3A_36 = arith.addi %add3A_35, %iota3A : vector<512x1xi32>
    %lt3A = arith.constant 10000 : i32
    %lt3A_37 = vector.broadcast %lt3A : i32 to vector<512x1xi32>
    %lt3A_38 = arith.cmpi slt, %add3A_36, %lt3A_37 : vector<512x1xi32>
    %jit3A = arith.constant 0.000000e+00 : f32
    %broadcast_in_dim3A = vector.shape_cast %lt3A_38 : vector<512x1xi1> to vector<512x1xi1>
    %broadcast_in_dim3A_39 = vector.broadcast %broadcast_in_dim3A : vector<512x1xi1> to vector<512x256xi1>
    %broadcast_in_dim3A_40 = vector.broadcast %jit3A : f32 to vector<512x256xf32>
    %select_n3A = arith.select %broadcast_in_dim3A_39, %add3A_30, %broadcast_in_dim3A_40 : vector<512x256xi1>, vector<512x256xf32>
    %eq3A = arith.constant 0 : i32
    %eq3A_41 = arith.cmpi eq, %arg0, %eq3A : i32
    %convert_element_type3A = arith.extui %eq3A_41 : i1 to i32
    %cond3A = arith.constant 0 : i32
    %cond3A_42 = arith.cmpi ne, %convert_element_type3A, %cond3A : i32
    scf.if %cond3A_42 {
      %broadcast_in_dim3A_52 = arith.constant 0.000000e+00 : f32
      %broadcast_in_dim3A_53 = vector.broadcast %broadcast_in_dim3A_52 : f32 to vector<1x256xf32>
      %swap3A_54 = arith.constant 0 : index
      %swap3A_55 = arith.constant 0 : index
      %swap3A_56 = vector.load %arg9[%swap3A_54, %swap3A_55] : memref<1x256xf32, #tpu.memory_space<vmem>>, vector<1x256xf32>
      tpu.vector_store %arg9[%swap3A_54, %swap3A_55], %broadcast_in_dim3A_53 {strides = array<i32>} : memref<1x256xf32, #tpu.memory_space<vmem>>, vector<1x256xf32>,
    } else {
    }
    %get3A_43 = arith.constant 0 : index
    %get3A_44 = arith.constant 0 : index
    %get3A_45 = vector.load %arg9[%get3A_43, %get3A_44] : memref<1x256xf32, #tpu.memory_space<vmem>>, vector<1x256xf32>
    %reduce_sum3A = arith.constant dense<0.000000e+00> : vector<256xf32>
    %reduce_sum3A_46 = vector.multi_reduction <add>, %select_n3A, %reduce_sum3A [0] : vector<512x256xf32> to vector<256xf32>
    %broadcast_in_dim3A_47 = vector.shape_cast %reduce_sum3A_46 : vector<256xf32> to vector<1x256xf32>
    %add3A_48 = arith.addf %get3A_45, %broadcast_in_dim3A_47 : vector<1x256xf32>
    %swap3A_49 = arith.constant 0 : index
    %swap3A_50 = arith.constant 0 : index
    %swap3A_51 = vector.load %arg9[%swap3A_49, %swap3A_50] : memref<1x256xf32, #tpu.memory_space<vmem>>, vector<1x256xf32>
    tpu.vector_store %arg9[%swap3A_49, %swap3A_50], %add3A_48 {strides = array<i32>} : memref<1x256xf32, #tpu.memory_space<vmem>>, vector<1x256xf32>,
    return
  }
  func.func @transform_0(%arg0: i32) -> (i32, i32) {
    %c0_i32 = arith.constant 0 : i32
    %c0_i32_0 = arith.constant 0 : i32
    return %arg0, %c0_i32 : i32, i32
  }
  func.func @transform_1(%arg0: i32) -> (i32, i32) {
    %c0_i32 = arith.constant 0 : i32
    %c0_i32_0 = arith.constant 0 : i32
    return %arg0, %c0_i32 : i32, i32
  }
  func.func @transform_2(%arg0: i32) -> (i32, i32) {
    %c0_i32 = arith.constant 0 : i32
    %c0_i32_0 = arith.constant 0 : i32
    return %arg0, %c0_i32 : i32, i32
  }
  func.func @transform_3(%arg0: i32) -> (i32, i32) {
    %c0_i32 = arith.constant 0 : i32
    %c0_i32_0 = arith.constant 0 : i32
    return %arg0, %c0_i32 : i32, i32
  }
  func.func @transform_4(%arg0: i32) -> (i32, i32) {
    %c0_i32 = arith.constant 0 : i32
    %c0_i32_0 = arith.constant 0 : i32
    return %arg0, %c0_i32 : i32, i32
  }
  func.func @transform_5(%arg0: i32) -> (i32, i32) {
    %c0_i32 = arith.constant 0 : i32
    %c0_i32_0 = arith.constant 0 : i32
    %c0_i32_1 = arith.constant 0 : i32
    return %c0_i32, %c0_i32_0 : i32, i32
  }
  func.func @transform_6(%arg0: i32) -> (i32, i32) {
    %c0_i32 = arith.constant 0 : i32
    %c0_i32_0 = arith.constant 0 : i32
    %c0_i32_1 = arith.constant 0 : i32
    return %c0_i32, %c0_i32_0 : i32, i32
  }
  func.func @transform_7(%arg0: i32) -> (i32, i32) {
    %c0_i32 = arith.constant 0 : i32
    %c0_i32_0 = arith.constant 0 : i32
    return %arg0, %c0_i32 : i32, i32
  }
  func.func @transform_8(%arg0: i32) -> (i32, i32) {
    %c0_i32 = arith.constant 0 : i32
    %c0_i32_0 = arith.constant 0 : i32
    %c0_i32_1 = arith.constant 0 : i32
    return %c0_i32, %c0_i32_0 : i32, i32
  }
}

module attributes {stable_mosaic.version = 14 : i64} {
  func.func @_head_body(%arg0: i32, %arg1: memref<512x256xf32, #tpu.memory_space<vmem>>, %arg2: memref<1x256xf32, #tpu.memory_space<vmem>>, %arg3: memref<1x256xf32, #tpu.memory_space<vmem>>, %arg4: memref<1x256xf32, #tpu.memory_space<vmem>>, %arg5: memref<256x256xf32, #tpu.memory_space<vmem>>, %arg6: memref<1x256xf32, #tpu.memory_space<vmem>>, %arg7: memref<256x128xf32, #tpu.memory_space<vmem>>, %arg8: memref<1x128xf32, #tpu.memory_space<vmem>>, %arg9: memref<1x256xf32, #tpu.memory_space<vmem>>, %arg10: memref<1x128xf32, #tpu.memory_space<vmem>>, %arg11: memref<1x256xf32, #tpu.memory_space<vmem>>) attributes {dimension_semantics = [#tpu.dimension_semantics<arbitrary>], iteration_bounds = array<i64: 40>, scalar_prefetch = 0 : i64, scratch_operands = 1 : i64, tpu.core_type = #tpu.core_type<tc>, window_params = [{transform_indices = @transform_0, window_bounds = array<i64: 512, 256>}, {pipeline_mode = #tpu.pipeline_mode<synchronous>, transform_indices = @transform_1, window_bounds = array<i64: 1, 256>}, {pipeline_mode = #tpu.pipeline_mode<synchronous>, transform_indices = @transform_2, window_bounds = array<i64: 1, 256>}, {pipeline_mode = #tpu.pipeline_mode<synchronous>, transform_indices = @transform_3, window_bounds = array<i64: 1, 256>}, {pipeline_mode = #tpu.pipeline_mode<synchronous>, transform_indices = @transform_4, window_bounds = array<i64: 256, 256>}, {pipeline_mode = #tpu.pipeline_mode<synchronous>, transform_indices = @transform_5, window_bounds = array<i64: 1, 256>}, {pipeline_mode = #tpu.pipeline_mode<synchronous>, transform_indices = @transform_6, window_bounds = array<i64: 256, 128>}, {pipeline_mode = #tpu.pipeline_mode<synchronous>, transform_indices = @transform_7, window_bounds = array<i64: 1, 128>}, {pipeline_mode = #tpu.pipeline_mode<synchronous>, transform_indices = @transform_8, window_bounds = array<i64: 1, 256>}, {pipeline_mode = #tpu.pipeline_mode<synchronous>, transform_indices = @transform_9, window_bounds = array<i64: 1, 128>}]} {
    %get3A = arith.constant 0 : index
    %get3A_0 = arith.constant 0 : index
    %get3A_1 = vector.load %arg2[%get3A, %get3A_0] : memref<1x256xf32, #tpu.memory_space<vmem>>, vector<1x256xf32>
    %div3A = arith.constant 1.000000e+04 : f32
    %div3A_2 = vector.broadcast %div3A : f32 to vector<1x256xf32>
    %div3A_3 = arith.divf %get3A_1, %div3A_2 : vector<1x256xf32>
    %get3A_4 = arith.constant 0 : index
    %get3A_5 = arith.constant 0 : index
    %get3A_6 = vector.load %arg1[%get3A_4, %get3A_5] : memref<512x256xf32, #tpu.memory_space<vmem>>, vector<512x256xf32>
    %jit3A = arith.constant 20 : i32
    %eq3A = arith.constant 0 : i32
    %eq3A_7 = arith.cmpi eq, %jit3A, %eq3A : i32
    %jit3A_8 = arith.constant 1 : i32
    %select_n3A = arith.select %eq3A_7, %jit3A_8, %jit3A : i32
    %rem3A = arith.remsi %arg0, %select_n3A : i32
    %ne3A = arith.constant 0 : i32
    %ne3A_9 = arith.cmpi ne, %rem3A, %ne3A : i32
    %lt3A = arith.constant 0 : i32
    %lt3A_10 = arith.cmpi slt, %rem3A, %lt3A : i32
    %lt3A_11 = arith.constant 0 : i32
    %lt3A_12 = arith.cmpi slt, %select_n3A, %lt3A_11 : i32
    %ne3A_13 = arith.xori %lt3A_10, %lt3A_12 : i1
    %and3A = arith.andi %ne3A_13, %ne3A_9 : i1
    %add3A = arith.addi %rem3A, %select_n3A : i32
    %select_n3A_14 = arith.select %and3A, %add3A, %rem3A : i32
    %mul3A = arith.constant 512 : i32
    %mul3A_15 = arith.muli %select_n3A_14, %mul3A : i32
    %iota3A = tpu.iota {dimensions = array<i32: 0>} : vector<512x1xi32>
    %add3A_16 = vector.broadcast %mul3A_15 : i32 to vector<512x1xi32>
    %add3A_17 = arith.addi %add3A_16, %iota3A : vector<512x1xi32>
    %eq3A_18 = arith.constant 0 : i32
    %eq3A_19 = arith.cmpi eq, %arg0, %eq3A_18 : i32
    %convert_element_type3A = arith.extui %eq3A_19 : i1 to i32
    %cond3A = arith.constant 0 : i32
    %cond3A_20 = arith.cmpi ne, %convert_element_type3A, %cond3A : i32
    scf.if %cond3A_20 {
      %broadcast_in_dim3A = arith.constant 0.000000e+00 : f32
      %broadcast_in_dim3A_35 = vector.broadcast %broadcast_in_dim3A : f32 to vector<1x256xf32>
      %swap3A = arith.constant 0 : index
      %swap3A_36 = arith.constant 0 : index
      %swap3A_37 = vector.load %arg11[%swap3A, %swap3A_36] : memref<1x256xf32, #tpu.memory_space<vmem>>, vector<1x256xf32>
      tpu.vector_store %arg11[%swap3A, %swap3A_36], %broadcast_in_dim3A_35 {strides = array<i32>} : memref<1x256xf32, #tpu.memory_space<vmem>>, vector<1x256xf32>,
      %broadcast_in_dim3A_38 = arith.constant 0.000000e+00 : f32
      %broadcast_in_dim3A_39 = vector.broadcast %broadcast_in_dim3A_38 : f32 to vector<1x256xf32>
      %swap3A_40 = arith.constant 0 : index
      %swap3A_41 = arith.constant 0 : index
      %swap3A_42 = vector.load %arg9[%swap3A_40, %swap3A_41] : memref<1x256xf32, #tpu.memory_space<vmem>>, vector<1x256xf32>
      tpu.vector_store %arg9[%swap3A_40, %swap3A_41], %broadcast_in_dim3A_39 {strides = array<i32>} : memref<1x256xf32, #tpu.memory_space<vmem>>, vector<1x256xf32>,
    } else {
    }
    %lt3A_21 = arith.constant 20 : i32
    %lt3A_22 = arith.cmpi slt, %arg0, %lt3A_21 : i32
    %convert_element_type3A_23 = arith.extui %lt3A_22 : i1 to i32
    %cond3A_24 = arith.constant 0 : i32
    %cond3A_25 = arith.cmpi ne, %convert_element_type3A_23, %cond3A_24 : i32
    scf.if %cond3A_25 {
      %lt3A_35 = arith.constant 10000 : i32
      %lt3A_36 = vector.broadcast %lt3A_35 : i32 to vector<512x1xi32>
      %lt3A_37 = arith.cmpi slt, %add3A_17, %lt3A_36 : vector<512x1xi32>
      %sub3A = vector.broadcast %div3A_3 : vector<1x256xf32> to vector<512x256xf32>
      %sub3A_38 = arith.subf %get3A_6, %sub3A : vector<512x256xf32>
      %jit3A_39 = arith.constant 0.000000e+00 : f32
      %broadcast_in_dim3A = vector.shape_cast %lt3A_37 : vector<512x1xi1> to vector<512x1xi1>
      %broadcast_in_dim3A_40 = vector.broadcast %broadcast_in_dim3A : vector<512x1xi1> to vector<512x256xi1>
      %broadcast_in_dim3A_41 = vector.broadcast %jit3A_39 : f32 to vector<512x256xf32>
      %select_n3A_42 = arith.select %broadcast_in_dim3A_40, %sub3A_38, %broadcast_in_dim3A_41 : vector<512x256xi1>, vector<512x256xf32>
      %get3A_43 = arith.constant 0 : index
      %get3A_44 = arith.constant 0 : index
      %get3A_45 = vector.load %arg11[%get3A_43, %get3A_44] : memref<1x256xf32, #tpu.memory_space<vmem>>, vector<1x256xf32>
      %mul3A_46 = arith.mulf %select_n3A_42, %select_n3A_42 : vector<512x256xf32>
      %reduce_sum3A = arith.constant dense<0.000000e+00> : vector<256xf32>
      %reduce_sum3A_47 = vector.multi_reduction <add>, %mul3A_46, %reduce_sum3A [0] : vector<512x256xf32> to vector<256xf32>
      %broadcast_in_dim3A_48 = vector.shape_cast %reduce_sum3A_47 : vector<256xf32> to vector<1x256xf32>
      %add3A_49 = arith.addf %get3A_45, %broadcast_in_dim3A_48 : vector<1x256xf32>
      %swap3A = arith.constant 0 : index
      %swap3A_50 = arith.constant 0 : index
      %swap3A_51 = vector.load %arg11[%swap3A, %swap3A_50] : memref<1x256xf32, #tpu.memory_space<vmem>>, vector<1x256xf32>
      tpu.vector_store %arg11[%swap3A, %swap3A_50], %add3A_49 {strides = array<i32>} : memref<1x256xf32, #tpu.memory_space<vmem>>, vector<1x256xf32>,
    } else {
    }
    %ge3A = arith.constant 20 : i32
    %ge3A_26 = arith.cmpi sge, %arg0, %ge3A : i32
    %convert_element_type3A_27 = arith.extui %ge3A_26 : i1 to i32
    %cond3A_28 = arith.constant 0 : i32
    %cond3A_29 = arith.cmpi ne, %convert_element_type3A_27, %cond3A_28 : i32
    scf.if %cond3A_29 {
      %get3A_35 = arith.constant 0 : index
      %get3A_36 = arith.constant 0 : index
      %get3A_37 = vector.load %arg11[%get3A_35, %get3A_36] : memref<1x256xf32, #tpu.memory_space<vmem>>, vector<1x256xf32>
      %div3A_38 = arith.constant 1.000000e+04 : f32
      %div3A_39 = vector.broadcast %div3A_38 : f32 to vector<1x256xf32>
      %div3A_40 = arith.divf %get3A_37, %div3A_39 : vector<1x256xf32>
      %get3A_41 = arith.constant 0 : index
      %get3A_42 = arith.constant 0 : index
      %get3A_43 = vector.load %arg3[%get3A_41, %get3A_42] : memref<1x256xf32, #tpu.memory_space<vmem>>, vector<1x256xf32>
      %add3A_44 = arith.constant 9.99999974E-6 : f32
      %add3A_45 = vector.broadcast %add3A_44 : f32 to vector<1x256xf32>
      %add3A_46 = arith.addf %div3A_40, %add3A_45 : vector<1x256xf32>
      %sqrt3A = math.sqrt %add3A_46 : vector<1x256xf32>
      %div3A_47 = arith.divf %get3A_43, %sqrt3A : vector<1x256xf32>
      %sub3A = vector.broadcast %div3A_3 : vector<1x256xf32> to vector<512x256xf32>
      %sub3A_48 = arith.subf %get3A_6, %sub3A : vector<512x256xf32>
      %mul3A_49 = vector.broadcast %div3A_47 : vector<1x256xf32> to vector<512x256xf32>
      %mul3A_50 = arith.mulf %sub3A_48, %mul3A_49 : vector<512x256xf32>
      %get3A_51 = arith.constant 0 : index
      %get3A_52 = arith.constant 0 : index
      %get3A_53 = vector.load %arg4[%get3A_51, %get3A_52] : memref<1x256xf32, #tpu.memory_space<vmem>>, vector<1x256xf32>
      %add3A_54 = vector.broadcast %get3A_53 : vector<1x256xf32> to vector<512x256xf32>
      %add3A_55 = arith.addf %mul3A_50, %add3A_54 : vector<512x256xf32>
      %max3A = arith.constant 0.000000e+00 : f32
      %max3A_56 = vector.broadcast %max3A : f32 to vector<512x256xf32>
      %max3A_57 = arith.maximumf %add3A_55, %max3A_56 : vector<512x256xf32>
      %lt3A_58 = arith.constant 10000 : i32
      %lt3A_59 = vector.broadcast %lt3A_58 : i32 to vector<512x1xi32>
      %lt3A_60 = arith.cmpi slt, %add3A_17, %lt3A_59 : vector<512x1xi32>
      %jit3A_61 = arith.constant 0.000000e+00 : f32
      %broadcast_in_dim3A = vector.shape_cast %lt3A_60 : vector<512x1xi1> to vector<512x1xi1>
      %broadcast_in_dim3A_62 = vector.broadcast %broadcast_in_dim3A : vector<512x1xi1> to vector<512x256xi1>
      %broadcast_in_dim3A_63 = vector.broadcast %jit3A_61 : f32 to vector<512x256xf32>
      %select_n3A_64 = arith.select %broadcast_in_dim3A_62, %max3A_57, %broadcast_in_dim3A_63 : vector<512x256xi1>, vector<512x256xf32>
      %get3A_65 = arith.constant 0 : index
      %get3A_66 = arith.constant 0 : index
      %get3A_67 = vector.load %arg9[%get3A_65, %get3A_66] : memref<1x256xf32, #tpu.memory_space<vmem>>, vector<1x256xf32>
      %reduce_sum3A = arith.constant dense<0.000000e+00> : vector<256xf32>
      %reduce_sum3A_68 = vector.multi_reduction <add>, %select_n3A_64, %reduce_sum3A [0] : vector<512x256xf32> to vector<256xf32>
      %broadcast_in_dim3A_69 = vector.shape_cast %reduce_sum3A_68 : vector<256xf32> to vector<1x256xf32>
      %add3A_70 = arith.addf %get3A_67, %broadcast_in_dim3A_69 : vector<1x256xf32>
      %swap3A = arith.constant 0 : index
      %swap3A_71 = arith.constant 0 : index
      %swap3A_72 = vector.load %arg9[%swap3A, %swap3A_71] : memref<1x256xf32, #tpu.memory_space<vmem>>, vector<1x256xf32>
      tpu.vector_store %arg9[%swap3A, %swap3A_71], %add3A_70 {strides = array<i32>} : memref<1x256xf32, #tpu.memory_space<vmem>>, vector<1x256xf32>,
    } else {
    }
    %eq3A_30 = arith.constant 39 : i32
    %eq3A_31 = arith.cmpi eq, %arg0, %eq3A_30 : i32
    %convert_element_type3A_32 = arith.extui %eq3A_31 : i1 to i32
    %cond3A_33 = arith.constant 0 : i32
    %cond3A_34 = arith.cmpi ne, %convert_element_type3A_32, %cond3A_33 : i32
    scf.if %cond3A_34 {
      %get3A_35 = arith.constant 0 : index
      %get3A_36 = arith.constant 0 : index
      %get3A_37 = vector.load %arg9[%get3A_35, %get3A_36] : memref<1x256xf32, #tpu.memory_space<vmem>>, vector<1x256xf32>
      %div3A_38 = arith.constant 1.000000e+04 : f32
      %div3A_39 = vector.broadcast %div3A_38 : f32 to vector<1x256xf32>
      %div3A_40 = arith.divf %get3A_37, %div3A_39 : vector<1x256xf32>
      %get3A_41 = arith.constant 0 : index
      %get3A_42 = arith.constant 0 : index
      %get3A_43 = vector.load %arg5[%get3A_41, %get3A_42] : memref<256x256xf32, #tpu.memory_space<vmem>>, vector<256x256xf32>
      %dot_general3A = arith.constant dense<0.000000e+00> : vector<1x256xf32>
      %dot_general3A_44 = tpu.matmul %div3A_40, %get3A_43, %dot_general3A {dimension_numbers = #tpu.dot_dimension_numbers<[1], [0], [0], [1], [0, 0, 1, 1], [], []>, precision = #tpu.contract_precision<fp32>, transpose_lhs_hint = false} : vector<1x256xf32>, vector<256x256xf32>, vector<1x256xf32> -> vector<1x256xf32>
      %get3A_45 = arith.constant 0 : index
      %get3A_46 = arith.constant 0 : index
      %get3A_47 = vector.load %arg6[%get3A_45, %get3A_46] : memref<1x256xf32, #tpu.memory_space<vmem>>, vector<1x256xf32>
      %add3A_48 = arith.addf %dot_general3A_44, %get3A_47 : vector<1x256xf32>
      %max3A = arith.constant 0.000000e+00 : f32
      %max3A_49 = vector.broadcast %max3A : f32 to vector<1x256xf32>
      %max3A_50 = arith.maximumf %add3A_48, %max3A_49 : vector<1x256xf32>
      %get3A_51 = arith.constant 0 : index
      %get3A_52 = arith.constant 0 : index
      %get3A_53 = vector.load %arg7[%get3A_51, %get3A_52] : memref<256x128xf32, #tpu.memory_space<vmem>>, vector<256x128xf32>
      %dot_general3A_54 = arith.constant dense<0.000000e+00> : vector<1x128xf32>
      %dot_general3A_55 = tpu.matmul %max3A_50, %get3A_53, %dot_general3A_54 {dimension_numbers = #tpu.dot_dimension_numbers<[1], [0], [0], [1], [0, 0, 1, 1], [], []>, precision = #tpu.contract_precision<fp32>, transpose_lhs_hint = false} : vector<1x256xf32>, vector<256x128xf32>, vector<1x128xf32> -> vector<1x128xf32>
      %get3A_56 = arith.constant 0 : index
      %get3A_57 = arith.constant 0 : index
      %get3A_58 = vector.load %arg8[%get3A_56, %get3A_57] : memref<1x128xf32, #tpu.memory_space<vmem>>, vector<1x128xf32>
      %add3A_59 = arith.addf %dot_general3A_55, %get3A_58 : vector<1x128xf32>
      %swap3A = arith.constant 0 : index
      %swap3A_60 = arith.constant 0 : index
      %swap3A_61 = vector.load %arg10[%swap3A, %swap3A_60] : memref<1x128xf32, #tpu.memory_space<vmem>>, vector<1x128xf32>
      tpu.vector_store %arg10[%swap3A, %swap3A_60], %add3A_59 {strides = array<i32>} : memref<1x128xf32, #tpu.memory_space<vmem>>, vector<1x128xf32>,
    } else {
    }
    return
  }
  func.func @transform_0(%arg0: i32) -> (i32, i32) {
    %jit3A = arith.constant 20 : i32
    %eq3A = arith.constant 0 : i32
    %eq3A_0 = arith.cmpi eq, %jit3A, %eq3A : i32
    %jit3A_1 = arith.constant 1 : i32
    %select_n3A = arith.select %eq3A_0, %jit3A_1, %jit3A : i32
    %rem3A = arith.remsi %arg0, %select_n3A : i32
    %ne3A = arith.constant 0 : i32
    %ne3A_2 = arith.cmpi ne, %rem3A, %ne3A : i32
    %lt3A = arith.constant 0 : i32
    %lt3A_3 = arith.cmpi slt, %rem3A, %lt3A : i32
    %lt3A_4 = arith.constant 0 : i32
    %lt3A_5 = arith.cmpi slt, %select_n3A, %lt3A_4 : i32
    %ne3A_6 = arith.xori %lt3A_3, %lt3A_5 : i1
    %and3A = arith.andi %ne3A_6, %ne3A_2 : i1
    %add3A = arith.addi %rem3A, %select_n3A : i32
    %select_n3A_7 = arith.select %and3A, %add3A, %rem3A : i32
    %c0_i32 = arith.constant 0 : i32
    %c0_i32_8 = arith.constant 0 : i32
    return %select_n3A_7, %c0_i32 : i32, i32
  }
  func.func @transform_1(%arg0: i32) -> (i32, i32) {
    %c0_i32 = arith.constant 0 : i32
    %c0_i32_0 = arith.constant 0 : i32
    %c0_i32_1 = arith.constant 0 : i32
    return %c0_i32, %c0_i32_0 : i32, i32
  }
  func.func @transform_2(%arg0: i32) -> (i32, i32) {
    %c0_i32 = arith.constant 0 : i32
    %c0_i32_0 = arith.constant 0 : i32
    %c0_i32_1 = arith.constant 0 : i32
    return %c0_i32, %c0_i32_0 : i32, i32
  }
  func.func @transform_3(%arg0: i32) -> (i32, i32) {
    %c0_i32 = arith.constant 0 : i32
    %c0_i32_0 = arith.constant 0 : i32
    %c0_i32_1 = arith.constant 0 : i32
    return %c0_i32, %c0_i32_0 : i32, i32
  }
  func.func @transform_4(%arg0: i32) -> (i32, i32) {
    %c0_i32 = arith.constant 0 : i32
    %c0_i32_0 = arith.constant 0 : i32
    %c0_i32_1 = arith.constant 0 : i32
    return %c0_i32, %c0_i32_0 : i32, i32
  }
  func.func @transform_5(%arg0: i32) -> (i32, i32) {
    %c0_i32 = arith.constant 0 : i32
    %c0_i32_0 = arith.constant 0 : i32
    %c0_i32_1 = arith.constant 0 : i32
    return %c0_i32, %c0_i32_0 : i32, i32
  }
  func.func @transform_6(%arg0: i32) -> (i32, i32) {
    %c0_i32 = arith.constant 0 : i32
    %c0_i32_0 = arith.constant 0 : i32
    %c0_i32_1 = arith.constant 0 : i32
    return %c0_i32, %c0_i32_0 : i32, i32
  }
  func.func @transform_7(%arg0: i32) -> (i32, i32) {
    %c0_i32 = arith.constant 0 : i32
    %c0_i32_0 = arith.constant 0 : i32
    %c0_i32_1 = arith.constant 0 : i32
    return %c0_i32, %c0_i32_0 : i32, i32
  }
  func.func @transform_8(%arg0: i32) -> (i32, i32) {
    %c0_i32 = arith.constant 0 : i32
    %c0_i32_0 = arith.constant 0 : i32
    %c0_i32_1 = arith.constant 0 : i32
    return %c0_i32, %c0_i32_0 : i32, i32
  }
  func.func @transform_9(%arg0: i32) -> (i32, i32) {
    %c0_i32 = arith.constant 0 : i32
    %c0_i32_0 = arith.constant 0 : i32
    %c0_i32_1 = arith.constant 0 : i32
    return %c0_i32, %c0_i32_0 : i32, i32
  }
}

</mosaic_0001>

<sc_bundles>
// kernel: kernel.11.cloned.1.call-start
scs
__scs_entry_jumppad:
0x0: {  	(pc) =	sbr.rel $0x88, $3  }
0x1: {  	(tag) =	ssettag $0x0;
	lr =	simm.s32 $0x1  }
0x2: {  	[smem:$0x3F93] =	sst lr;
	_ =	strace $0xD0000000  }
0x3: {  	_ = 	snop  }
0x4: {  	_ = 	snop  }
0x5: {  	_ = 	snop  }
0x6: {  	_ = 	snop  }
0x7: {  	_ = 	snop  }
__scs_overlays_trampoline_lowered:
0x8: {  	[smem:$0x3FA2] =	sst s0  }
0x9: {  	[smem:$0x3FA3] =	sst s1  }
0xa: {  	[smem:$0x3FA4] =	sst s2  }
0xb: {  	[smem:$0x3FA5] =	sst s3  }
0xc: {  	[smem:$0x3FA6] =	sst s4  }
0xd: {  	[smem:$0x3FA7] =	sst s5  }
0xe: {  	[smem:$0x3FA8] =	sst s6  }
0xf: {  	[smem:$0x3FA9] =	sst s7  }
0x10: {  	[smem:$0x3FAA] =	sst s8  }
0x11: {  	[smem:$0x3FAB] =	sst s9;
	s0 =	simm.s32 @!p0 $0x0  }
0x12: {  	s1 =	sld [smem:$0x3F91];
	s0 =	simm.s32 @p0 $0x1  }
0x13: {  	[smem:$0x3FAC] =	sst s0;
	s0 =	simm.s32 @!p1 $0x0  }
0x14: {  	s2 =	sld [smem:$0x3F90];
	s0 =	simm.s32 @p1 $0x1  }
0x15: {  	[smem:$0x3FAD] =	sst s0;
	s0 =	simm.s32 @!p2 $0x0  }
0x16: {  	s3 =	sld [smem:$0x3FDB];
	s0 =	simm.s32 @p2 $0x1  }
0x17: {  	s4 =	simm.s32 $0x1BF5;
	[smem:$0x3FAF] =	sst s0  }
0x18: {  	s0 =	sld [smem:$0x3F92];
	_ =	swait.ge [sflag:s4], $0x0  }
0x19: {  	s7 =	sld [smem:$0x3F93]  }
0x1a: {  	s8 =	sadd.s32 $0xFFFFE003, lr  }
0x1b: {  	s9 =	sadd.s32 $0xFFFFFEF7, lr;
	s5 =	simm.s32 $0xFFFFFFFF;
	p2 =	slt.u32 s8, $0xFFFFF086  }
0x1c: {  	p1 =	slt.u32 s9, $0xF7A;
	s5 =	simm.s32 @!p2 $0x0  }
0x1d: {  	s5 =	simm.s32 @p1 $0x1;
	p0 =	seq.s32 s7, s2  }
0x1e: {  	s7 =	smul.u32 @!p0 $0xF7A, s2;
	p2 =	seq.s32 @!p0 s5, $0x0  }
0x1f: {  	s9 =	smul.u32 $0xF7A, s1;
	s8 =	simm.s32 @!p0 $0x1BF5;
	p2 =	por !p2, p0  }
0x20: {  	[sflag:s8] =	ssyncset.s32 @!p0 $0xFFFFF086;
	s6 =	sadd.s32 @!p0 s3, s7;
	s7 =	simm.s32 @!p0 $0x108  }
0x21: {  	s3 =	sadd.s32 s3, s9;
	s6 =	sadd.s32 @!p0 $0x88, s6;
	s7 =	simm.s32 @p2 $0x1082  }
0x22: {  	[simem:s7], [sflag:s8] =	dma.local @!p0 [hbm:s6], $0xF7A  }
0x23: {  	s9 =	sor.u32 $0xD0000000, s2;
	s6 =	simm.s32 $0x108;
	_ =	swait.ge @!p0 [sflag:s8], $0x0  }
0x24: {  	s3 =	sadd.s32 $0x88, s3;
	s6 =	simm.s32 @!p1 $0x1082;
	[sflag:s4] =	ssyncset.s32 $0xFFFFF086  }
0x25: {  	[simem:s6], [sflag:s4] =	dma.local [hbm:s3], $0xF7A  }
0x26: {  	[smem:$0x3F93] =	sst s1;
	(tag) =	ssettag s2;
	_ =	strace s9  }
0x27: {  	s1 =	sld [smem:$0x3FA3]  }
0x28: {  	s2 =	sld [smem:$0x3FA4]  }
0x29: {  	s4 =	sld [smem:$0x3FA6]  }
0x2a: {  	p0 =	seq.s32 s5, $0x0;
	s5 =	sld [smem:$0x3FA7]  }
0x2b: {  	s6 =	sld [smem:$0x3FA8]  }
0x2c: {  	s7 =	sld [smem:$0x3FA9]  }
0x2d: {  	s3 =	simm.s32 $0x108;
	s8 =	sld [smem:$0x3FAA]  }
0x2e: {  	s3 =	simm.s32 @!p0 $0x1082;
	s9 =	sld [smem:$0x3FAB]  }
0x2f: {  	lr =	sadd.s32 s0, s3;
	s0 =	sld [smem:$0x3FA2]  }
0x30: {  	s3 =	sld [smem:$0x3FA5]  }
0x31: {  	[smem:$0x3FAE] =	sst s10  }
0x32: {  	s10 =	sld [smem:$0x3FAC];
	_ =	sdelay $0x3  }
0x33: {  	p0 =	seq.s32 s10, $0x1;
	s10 =	sld [smem:$0x3FAE];
	_ =	sdelay $0x3  }
0x34: {  	[smem:$0x3FAE] =	sst s10  }
0x35: {  	s10 =	sld [smem:$0x3FAD];
	_ =	sdelay $0x3  }
0x36: {  	p1 =	seq.s32 s10, $0x1;
	s10 =	sld [smem:$0x3FAE];
	_ =	sdelay $0x3  }
0x37: {  	[smem:$0x3FAE] =	sst s10  }
0x38: {  	s10 =	sld [smem:$0x3FAF]  }
0x39: {  	_ = 	snop;
	(pc) =	sbr.ind lr, $3  }
0x3a: {  	_ = 	snop  }
0x3b: {  	_ = 	snop  }
0x3c: {  	p2 =	seq.s32 s10, $0x1;
	s10 =	sld [smem:$0x3FAE]  }
0x3d: {  	_ =	shalt  }
0x3e: {  	_ =	shalt  }
0x3f: {  	_ =	shalt  }
0x40: {  	_ =	shalt  }
0x41: {  	_ =	shalt  }
0x42: {  	_ =	shalt  }
0x43: {  	_ =	shalt  }
0x44: {  	_ =	shalt  }
0x45: {  	_ =	shalt  }
0x46: {  	_ =	shalt  }
0x47: {  	_ =	shalt  }
0x48: {  	_ =	shalt  }
0x49: {  	_ =	shalt  }
0x4a: {  	_ =	shalt  }
0x4b: {  	_ =	shalt  }
0x4c: {  	_ =	shalt  }
0x4d: {  	_ =	shalt  }
0x4e: {  	_ =	shalt  }
0x4f: {  	_ =	shalt  }
0x50: {  	_ =	shalt  }
0x51: {  	_ =	shalt  }
0x52: {  	_ =	shalt  }
0x53: {  	_ =	shalt  }
0x54: {  	_ =	shalt  }
0x55: {  	_ =	shalt  }
0x56: {  	_ =	shalt  }
0x57: {  	_ =	shalt  }
0x58: {  	_ =	shalt  }
0x59: {  	_ =	shalt  }
0x5a: {  	_ =	shalt  }
0x5b: {  	_ =	shalt  }
0x5c: {  	_ =	shalt  }
0x5d: {  	_ =	shalt  }
0x5e: {  	_ =	shalt  }
0x5f: {  	_ =	shalt  }
0x60: {  	_ =	shalt  }
0x61: {  	_ =	shalt  }
0x62: {  	_ =	shalt  }
0x63: {  	_ =	shalt  }
0x64: {  	_ =	shalt  }
0x65: {  	_ =	shalt  }
0x66: {  	_ =	shalt  }
0x67: {  	_ =	shalt  }
0x68: {  	_ =	shalt  }
0x69: {  	_ =	shalt  }
0x6a: {  	_ =	shalt  }
0x6b: {  	_ =	shalt  }
0x6c: {  	_ =	shalt  }
0x6d: {  	_ =	shalt  }
0x6e: {  	_ =	shalt  }
0x6f: {  	_ =	shalt  }
0x70: {  	_ =	shalt  }
0x71: {  	_ =	shalt  }
0x72: {  	_ =	shalt  }
0x73: {  	_ =	shalt  }
0x74: {  	_ =	shalt  }
0x75: {  	_ =	shalt  }
0x76: {  	_ =	shalt  }
0x77: {  	_ =	shalt  }
0x78: {  	_ =	shalt  }
0x79: {  	_ =	shalt  }
0x7a: {  	_ =	shalt  }
0x7b: {  	_ =	shalt  }
0x7c: {  	_ =	shalt  }
0x7d: {  	_ =	shalt  }
0x7e: {  	_ =	shalt  }
0x7f: {  	_ =	shalt  }
0x80: {  	_ =	shalt  }
0x81: {  	_ =	shalt  }
0x82: {  	_ =	shalt  }
0x83: {  	_ =	shalt  }
0x84: {  	_ =	shalt  }
0x85: {  	_ =	shalt  }
0x86: {  	_ =	shalt  }
0x87: {  	_ =	shalt  }
.Lfunc_end0:
.L_simem_size_0:
called_computation_lowered:
.L_overlay_start_0:
0x88: {  	s2 =	sld [smem:$0x3FD9]  }
0x89: {  	s3 =	sld [smem:$0x3FFE];
	_ =	sdelay $0x1  }
0x8a: {  	s1 =	srdreg.scid  }
0x8b: {  	s0 =	sand.u32 $0x1, s1  }
0x8c: {  	s16 =	sshll.u32 s0, $0xA;
	s2 =	sadd.s32 s3, s2  }
0x8d: {  	s2 =	sadd.s32 s2, s16  }
0x8e: {  	[smem:$0x3FBA] =	sst s2  }
0x8f: {  	_ = 	snop  }
0x90: {  	(tm) =	ssettm $0x1  }
0x91: {  	s17 =	sld [smem:$0x3FFB];
	_ =	sdelay $0x3  }
0x92: {  	_ =	strace s17  }
0x93: {  	s2 =	sld [smem:$0x3FFC];
	_ =	sdelay $0x3  }
0x94: {  	_ =	strace s2  }
0x95: {  	s2 =	sld [smem:$0x3FFD];
	_ =	sdelay $0x3  }
0x96: {  	_ =	strace s2  }
0x97: {  	_ =	strace $0x8FFFFFFF  }
0x98: {  	s18 =	sld [smem:$0x3FDB];
	_ =	sdelay $0x1  }
0x99: {  	s19 =	simm.s32 $_scs_section_size  }
0x9a: {  	s4 =	simm.s32 $_size__tile_overlayer_lowered;
	s5 =	simm.s32 $_tile_overlayer_lowered  }
0x9b: {  	s22 =	simm.s32 $0x1BFF;
	s21 =	sshll.u32 s5, $0x1;
	s2 =	sadd.s32 s19, s18  }
0x9c: {  	s6 =	simm.s32 $0x0;
	s20 =	sshll.u32 s4, $0x1;
	s4 =	sadd.s32 s21, s2  }
0x9d: {  	[timem:s6], [sflag:s22] =	dma.local [hbm:s4], s20  }
0x9e: {  	_ =	swait.ge [sflag:s22], s20  }
0x9f: {  	s3 =	ssub.s32 $0x0, s20;
	[sflag:s22] =	ssyncset.done $0x0  }
0xa0: {  	[sflag:s22] =	ssyncadd.s32 s3;
	_ =	sdelay $0x1  }
0xa1: {  	s23 =	simm.s32 $0x1B8B  }
0xa2: {  	_ =	swait.ge [sflag:s23], $0x1  }
0xa3: {  	[sflag:s23] =	ssyncset.done $0x0  }
0xa4: {  	s25 =	simm.s32 $0x1B8E;
	s24 =	sld [smem:$0x3FFE];
	[sflag:s23] =	ssyncadd.s32 $0xFFFFFFFF  }
0xa5: {  	s26 =	simm.s32 $execute0_lowered;
	[smem:$0x3FD2] =	sst s25  }
0xa6: {  	s4 =	sshll.u32 s26, $0x1;
	_ =	strace $0x80000046;
	[dreg:$0x1] =	wrdreg $0xFFFFFFFF  }
0xa7: {  	s28 =	simm.s32 $_size_execute0_lowered;
	s2 =	sadd.s32 s2, s4;
	[dreg:$0x0] =	wrdreg $0x0  }
0xa8: {  	s4 =	sshll.u32 s28, $0x1;
	[dreg:$0x2] =	wrdreg s2  }
0xa9: {  	[dreg:$0x3] =	wrdreg s4  }
0xaa: {  	[dreg:$0x4] =	wrdreg $0xC0  }
0xab: {  	_ =	task [dreg:s6], $0x5FFFF  }
0xac: {  	[dreg:$0x1] =	wrdreg $0xFFFFFFFF  }
0xad: {  	[dreg:$0x0] =	wrdreg $0x60  }
0xae: {  	[dreg:$0x2] =	wrdreg s24  }
0xaf: {  	[dreg:$0x3] =	wrdreg $0x94000  }
0xb0: {  	[dreg:$0x4] =	wrdreg $0x9  }
0xb1: {  	_ =	task.clear_ibuf [dreg:s6], $0x5FFFF;
	_ =	strace $0x90000046  }
0xb2: {  	s29 =	simm.s32 $0x9;
	_ =	strace $0x80000048  }
0xb3: {  	_ =	swait.ge [sflag:s29], $0x1  }
0xb4: {  	[sflag:s29] =	ssyncadd.s32 $0xFFFFFFFF  }
0xb5: {  	_ =	strace $0x90000048  }
0xb6: {  	_ =	sfence  }
0xb7: {  	s30 =	sld [smem:$0x0];
	_ =	sdelay $0x2  }
0xb8: {  	s31 =	sshll.u32 s1, $0xD;
	s1 =	sshrl.u32 s1, $0x2  }
0xb9: {  	s3 =	sand.u32 $0x4000, s31;
	s1 =	sadd.s32 s1, s30  }
0xba: {  	s0 =	sor.u32 s3, s0;
	s1 =	sshll.u32 s1, $0x11  }
0xbb: {  	s0 =	sor.u32 s1, s0  }
0xbc: {  	s0 =	sadd.s32 $0x8F2B, s0  }
0xbd: {  	[sflag:s0] =	ssyncadd.remote.s32 $0x1  }
0xbe: {  	_ =	sfence.sel $0xFFFF  }
0xbf: {  	[dreg:$0x0] =	wrdreg $0xFFFFFFFF;
	(pc) =	sbr.abs _section_cstart, $3  }
0xc0: {  	[dreg:$0x1] =	wrdreg $0xFFFFFFFF  }
0xc1: {  	_ =	task.clear_ibuf [dreg:s6], $0x2FFFF;
	_ =	strace $0x9FFFFFFF  }
0xc2: {  	(tm) =	ssettm $0x7FFFFFFF  }
0xc3: {  	_ =	shalt  }
tec
execute0_lowered:
.L_overlay_start_1:
0x0: {  	(tag) =	ssettag $0x1  }
0x1: {  	s0 =	srdreg.scid;
	s5 =	rddreg [dreg:$0x0]  }
0x2: {  	s17 =	stileid.u32;
	s1 =	rddreg [dreg:$0x1];
	s2 =	simm.s32 $0x0  }
0x3: {  	s11 =	simm.s32 $0x5400;
	s12 =	simm.s32 $0x80;
	s13 =	simm.s32 $0x1  }
0x4: {  	s14 =	simm.s32 $0x2;
	s15 =	simm.s32 $0x3;
	s16 =	simm.s32 $0x4  }
0x5: {  	s18 =	simm.s32 $0x5080;
	s20 =	simm.s32 $0x0;
	s4 =	sand.u32 $0x1, s0  }
0x6: {  	[smem:$0x7FF] =	sst s2;
	s9 =	smul.u32 $0x28000, s17;
	s31 =	sshll.u32 s17, $0x6  }
0x7: {  	p0 =	sne.s32 s17, $0x0;
	s0 =	sshll.u32 s4, $0x4;
	s7 =	smul.u32 $0x13900, s4  }
0x8: {  	s8 =	ssub.s32 $0x2, s4;
	s4 =	sadd.s32 $0x1A800, s5;
	s19 =	sshrl.u32 @!p0 s1, $0x3  }
0x9: {  	s3 =	sor.u32 s17, s0;
	s0 =	rddreg [dreg:$0x2];
	_ =	strace $0x80000047  }
0xa: {  	s29 =	sshrl.u32 s8, $0x1;
	s30 =	sshrl.u32 s9, $0x2;
	s17 =	simm.s32 $0x5000  }
0xb: {  	s3 =	smul.u32 $0xA80, s3;
	s7 =	sadd.s32 s7, s5;
	s8 =	ssub.s32 s8, s29  }
0xc: {  	s10 =	sadd.s32 s30, s1;
	s7 =	sadd.s32 $0x1C400, s7;
	s8 =	smax.u32 s8, $0x1  }
0xd: {  	s9 =	sshrl.u32 s10, $0x3;
	s10 =	simm.s32 $0x5;
	s6 =	sadd.s32 s3, s5  }
0xe: {  	s3 =	sadd.s32 $0x1BC00, s5;
	s5 =	sor.u32 $0x1C05, s31;
	s6 =	sadd.s32 $0x5800, s6  }
.LBB2_1:
0xf: {  	[spmem:s9], [sflag:s5] =	dma.local [hbm:s4], $0x1400  }
0x10: {  	_ =	swait.ge [sflag:s10], $0x1400  }
0x11: {  	[sflag:s10] =	ssyncset.done $0x0  }
0x12: {  	[sflag:s10] =	ssyncadd.s32 $0xFFFFEC00  }
0x13: {  	[tilespmem:s2], [sflag:$0x5] =	stream.linear.gather [hbm4b:s6+s2], $0x5100, $0x38;
	[tilespmem:$0x13400] =	vst v63  }
0x14: {  	_ =	swait.ge [sflag:s10], $0x5100  }
0x15: {  	[sflag:s10] =	ssyncset.done $0x0  }
0x16: {  	[sflag:s10] =	ssyncadd.s32 $0xFFFFAF00  }
0x17: {  	[tilespmem:s11], [sflag:$0x5] =	stream.linear.gather [hbm4b:s3+s2], $0x4000, $0x38;
	[tilespmem:$0x13400] =	vst v63  }
0x18: {  	_ =	swait.ge [sflag:s10], $0x4000  }
0x19: {  	[sflag:s10] =	ssyncset.done $0x0  }
0x1a: {  	[sflag:s10] =	ssyncadd.s32 $0xFFFFC000  }
0x1b: {  	s21 =	simm.s32 $0x0;
	[bflag:$0x0] =	sbarrier.arrive $0xFFFF  }
0x1c: {  	[spmem:s1] =	stream.indirect.scatter.add.f32 [tilespmem:s11], [sflag:$0x1], $0x80, s21, s12, $0xb8;
	[tilespmem:$0x13400] =	vst v63  }
0x1d: {  	s29 =	simm.s32 $0x80  }
0x1e: {  	[spmem:s1] =	stream.indirect.scatter.add.f32 [tilespmem:s11], [sflag:$0x2], $0x80, s29, s12, $0xb8;
	[tilespmem:$0x13400] =	vst v63  }
0x1f: {  	s30 =	simm.s32 $0x100  }
0x20: {  	[spmem:s1] =	stream.indirect.scatter.add.f32 [tilespmem:s11], [sflag:$0x3], $0x80, s30, s12, $0xb8;
	[tilespmem:$0x13400] =	vst v63  }
0x21: {  	s31 =	simm.s32 $0x180  }
0x22: {  	[spmem:s1] =	stream.indirect.scatter.add.f32 [tilespmem:s11], [sflag:$0x4], $0x80, s31, s12, $0xb8;
	[tilespmem:$0x13400] =	vst v63  }
0x23: {  	_ =	swait.ge [sflag:s13], $0x4000  }
0x24: {  	[sflag:s13] =	ssyncset.done $0x0  }
0x25: {  	[sflag:s13] =	ssyncadd.s32 $0xFFFFC000  }
0x26: {  	_ =	swait.ge [sflag:s14], $0x4000  }
0x27: {  	[sflag:s14] =	ssyncset.done $0x0  }
0x28: {  	[sflag:s14] =	ssyncadd.s32 $0xFFFFC000  }
0x29: {  	_ =	swait.ge [sflag:s15], $0x4000  }
0x2a: {  	[sflag:s15] =	ssyncset.done $0x0  }
0x2b: {  	[sflag:s15] =	ssyncadd.s32 $0xFFFFC000  }
0x2c: {  	_ =	swait.ge [sflag:s16], $0x4000  }
0x2d: {  	s22 =	simm.s32 $0x1000;
	s21 =	simm.s32 $0x800;
	[sflag:s16] =	ssyncset.done $0x0  }
.LBB2_2:
0x2e: {  	s23 =	sshra.s32 s21, $0x2  }
0x2f: {  	[sflag:s16] =	ssyncadd.s32 $0xFFFFC000;
	s21 =	smov.u32 s22;
	s24 =	sadd.s32 $0x800, s22  }
0x30: {  	[spmem:s1] =	stream.indirect.scatter.add.f32 [tilespmem:s11], [sflag:$0x1], $0x80, s23, s12, $0xb8;
	[tilespmem:$0x13400] =	vst v63  }
0x31: {  	p1 =	sne.s32 s22, $0x13800;
	s22 =	sadd.s32 $0x80, s23  }
0x32: {  	[spmem:s1] =	stream.indirect.scatter.add.f32 [tilespmem:s11], [sflag:$0x2], $0x80, s22, s12, $0xb8;
	[tilespmem:$0x13400] =	vst v63  }
0x33: {  	s22 =	sadd.s32 $0x100, s23  }
0x34: {  	[spmem:s1] =	stream.indirect.scatter.add.f32 [tilespmem:s11], [sflag:$0x3], $0x80, s22, s12, $0xb8;
	[tilespmem:$0x13400] =	vst v63  }
0x35: {  	s22 =	sadd.s32 $0x180, s23  }
0x36: {  	[spmem:s1] =	stream.indirect.scatter.add.f32 [tilespmem:s11], [sflag:$0x4], $0x80, s22, s12, $0xb8;
	[tilespmem:$0x13400] =	vst v63  }
0x37: {  	_ =	swait.ge [sflag:s13], $0x4000  }
0x38: {  	[sflag:s13] =	ssyncset.done $0x0  }
0x39: {  	[sflag:s13] =	ssyncadd.s32 $0xFFFFC000  }
0x3a: {  	_ =	swait.ge [sflag:s14], $0x4000  }
0x3b: {  	[sflag:s14] =	ssyncset.done $0x0  }
0x3c: {  	[sflag:s14] =	ssyncadd.s32 $0xFFFFC000  }
.Ltmp0:
0x3d: {  	_ =	swait.ge [sflag:s15], $0x4000;
	(pc) =	sbr.rel @p1 .LBB2_2-.Ltmp0, $4  }
0x3e: {  	[sflag:s15] =	ssyncset.done $0x0  }
0x3f: {  	[sflag:s15] =	ssyncadd.s32 $0xFFFFC000  }
0x40: {  	_ =	swait.ge [sflag:s16], $0x4000  }
0x41: {  	s22 =	smov.u32 s24;
	[sflag:s16] =	ssyncset.done $0x0  }
0x42: {  	s21 =	sshra.s32 s21, $0x2;
	[sflag:s16] =	ssyncadd.s32 $0xFFFFC000  }
0x43: {  	[spmem:s1] =	stream.indirect.scatter.add.f32 [tilespmem:s11], [sflag:$0x1], $0x80, s21, s12, $0xb8;
	[tilespmem:$0x13400] =	vst v63  }
0x44: {  	s22 =	sadd.s32 $0x80, s21  }
0x45: {  	[spmem:s1] =	stream.indirect.scatter.add.f32 [tilespmem:s11], [sflag:$0x2], $0x80, s22, s12, $0xb8;
	[tilespmem:$0x13400] =	vst v63  }
0x46: {  	s31 =	sadd.s32 $0x100, s21  }
0x47: {  	[spmem:s1] =	stream.indirect.scatter.add.f32 [tilespmem:s11], [sflag:$0x3], $0x80, s31, s12, $0xb8;
	[tilespmem:$0x13400] =	vst v63  }
0x48: {  	s21 =	sadd.s32 $0x180, s21  }
0x49: {  	[spmem:s1] =	stream.indirect.scatter.add.f32 [tilespmem:s11], [sflag:$0x4], $0x80, s21, s12, $0xb8;
	[tilespmem:$0x13400] =	vst v63  }
0x4a: {  	_ =	swait.ge [sflag:s13], $0x4000  }
0x4b: {  	[sflag:s13] =	ssyncset.done $0x0  }
0x4c: {  	[sflag:s13] =	ssyncadd.s32 $0xFFFFC000  }
0x4d: {  	_ =	swait.ge [sflag:s14], $0x4000  }
0x4e: {  	[sflag:s14] =	ssyncset.done $0x0  }
0x4f: {  	[sflag:s14] =	ssyncadd.s32 $0xFFFFC000  }
0x50: {  	_ =	swait.ge [sflag:s15], $0x4000  }
0x51: {  	[sflag:s15] =	ssyncset.done $0x0  }
0x52: {  	[sflag:s15] =	ssyncadd.s32 $0xFFFFC000  }
0x53: {  	_ =	swait.ge [sflag:s16], $0x4000  }
0x54: {  	[sflag:s16] =	ssyncset.done $0x0  }
0x55: {  	[sflag:s16] =	ssyncadd.s32 $0xFFFFC000  }
0x56: {  	[spmem:s1] =	stream.indirect.scatter.add.f32 [tilespmem:s11], [sflag:$0x5], $0x80, s17, s12, $0xb8;
	[tilespmem:$0x13400] =	vst v63  }
0x57: {  	_ =	swait.ge [sflag:s10], $0x4000  }
0x58: {  	[sflag:s10] =	ssyncset.done $0x0  }
0x59: {  	[sflag:s10] =	ssyncadd.s32 $0xFFFFC000  }
0x5a: {  	[spmem:s1] =	stream.indirect.scatter.add.f32 [tilespmem:s11], [sflag:$0x5], $0x80, s18, s12, $0xb8;
	[tilespmem:$0x13400] =	vst v63  }
0x5b: {  	_ =	swait.ge [sflag:s10], $0x4000  }
0x5c: {  	s20 =	sadd.s32 $0x1, s20;
	[sflag:s10] =	ssyncset.done $0x0  }
0x5d: {  	p1 =	sne.s32 s20, s8;
	[sflag:s10] =	ssyncadd.s32 $0xFFFFC000  }
.Ltmp1:
0x5e: {  	s21 =	simm.s32 @!p0 $0x5;
	[bflag:$0x0] =	sbarrier.arrive $0xFFFF;
	(pc) =	sbr.rel @p1 .LBB2_1-.Ltmp1, $4  }
0x5f: {  	[hbm:s7], [sflag:s5] =	dma.local @!p0 [spmem:s19], $0x13900  }
0x60: {  	_ =	swait.ge @!p0 [sflag:s21], $0x13900  }
0x61: {  	[sflag:s21] =	ssyncset.done @!p0 $0x0  }
0x62: {  	[sflag:s21] =	ssyncadd.s32 @!p0 $0xFFFEC700  }
0x63: {  	_ =	sfence.sel $0x180000  }
0x64: {  	[bflag:$0x0] =	sbarrier.arrive $0xFFFF  }
0x65: {  	_ =	strace $0x90000047  }
0x66: {  	s0 =	sadd.s32 @!p0 $0x100000, s0;
	[bflag:$0x2] =	sbarrier.arrive $0xFFFF  }
0x67: {  	[sflag:s0] =	ssyncadd.tile.s32 @!p0 $0x1;
	_ =	shalt  }
.Lfunc_end2:
_tile_overlayer_lowered:
.L_overlay_start_2:
0x68: {  	(tag) =	ssettag $0x2  }
0x69: {  	s0 =	rddreg [dreg:$0x0];
	s2 =	stileid.u32  }
0x6a: {  	s1 =	rddreg [dreg:$0x1];
	p0 =	sne.s32 s2, $0x0  }
0x6b: {  	s3 =	rddreg [dreg:$0x2];
	[bflag:$0x3] =	sbarrier.arrive $0xFFFF;
	s2 =	simm.s32 @!p0 $0x1C05  }
0x6c: {  	[timem:s3], [sflag:s2] =	dma.local @!p0 [hbm:s0], s1  }
0x6d: {  	s0 =	simm.s32 @!p0 $0x5  }
0x6e: {  	_ =	swait.ge @!p0 [sflag:s0], s1  }
0x6f: {  	s1 =	ssub.s32 @!p0 $0x0, s1;
	[sflag:s0] =	ssyncset.done @!p0 $0x0  }
0x70: {  	[sflag:s0] =	ssyncadd.s32 @!p0 s1  }
0x71: {  	[bflag:$0x3] =	sbarrier.arrive $0xFFFF  }
0x72: {  	_ =	shalt  }

// kernel: kernel.14.cloned.1.call-start
scs
__scs_entry_jumppad:
0x0: {  	(pc) =	sbr.rel $0x88, $3  }
0x1: {  	(tag) =	ssettag $0x0;
	lr =	simm.s32 $0x1  }
0x2: {  	[smem:$0x3F93] =	sst lr;
	_ =	strace $0xD0000000  }
0x3: {  	_ = 	snop  }
0x4: {  	_ = 	snop  }
0x5: {  	_ = 	snop  }
0x6: {  	_ = 	snop  }
0x7: {  	_ = 	snop  }
__scs_overlays_trampoline_lowered:
0x8: {  	[smem:$0x3FA2] =	sst s0  }
0x9: {  	[smem:$0x3FA3] =	sst s1  }
0xa: {  	[smem:$0x3FA4] =	sst s2  }
0xb: {  	[smem:$0x3FA5] =	sst s3  }
0xc: {  	[smem:$0x3FA6] =	sst s4  }
0xd: {  	[smem:$0x3FA7] =	sst s5  }
0xe: {  	[smem:$0x3FA8] =	sst s6  }
0xf: {  	[smem:$0x3FA9] =	sst s7  }
0x10: {  	[smem:$0x3FAA] =	sst s8  }
0x11: {  	[smem:$0x3FAB] =	sst s9;
	s0 =	simm.s32 @!p0 $0x0  }
0x12: {  	s1 =	sld [smem:$0x3F91];
	s0 =	simm.s32 @p0 $0x1  }
0x13: {  	[smem:$0x3FAC] =	sst s0;
	s0 =	simm.s32 @!p1 $0x0  }
0x14: {  	s2 =	sld [smem:$0x3F90];
	s0 =	simm.s32 @p1 $0x1  }
0x15: {  	[smem:$0x3FAD] =	sst s0;
	s0 =	simm.s32 @!p2 $0x0  }
0x16: {  	s3 =	sld [smem:$0x3FDB];
	s0 =	simm.s32 @p2 $0x1  }
0x17: {  	s4 =	simm.s32 $0x1BF5;
	[smem:$0x3FAF] =	sst s0  }
0x18: {  	s0 =	sld [smem:$0x3F92];
	_ =	swait.ge [sflag:s4], $0x0  }
0x19: {  	s7 =	sld [smem:$0x3F93]  }
0x1a: {  	s8 =	sadd.s32 $0xFFFFE003, lr  }
0x1b: {  	s9 =	sadd.s32 $0xFFFFFEF7, lr;
	s5 =	simm.s32 $0xFFFFFFFF;
	p2 =	slt.u32 s8, $0xFFFFF086  }
0x1c: {  	p1 =	slt.u32 s9, $0xF7A;
	s5 =	simm.s32 @!p2 $0x0  }
0x1d: {  	s5 =	simm.s32 @p1 $0x1;
	p0 =	seq.s32 s7, s2  }
0x1e: {  	s7 =	smul.u32 @!p0 $0xF7A, s2;
	p2 =	seq.s32 @!p0 s5, $0x0  }
0x1f: {  	s9 =	smul.u32 $0xF7A, s1;
	s8 =	simm.s32 @!p0 $0x1BF5;
	p2 =	por !p2, p0  }
0x20: {  	[sflag:s8] =	ssyncset.s32 @!p0 $0xFFFFF086;
	s6 =	sadd.s32 @!p0 s3, s7;
	s7 =	simm.s32 @!p0 $0x108  }
0x21: {  	s3 =	sadd.s32 s3, s9;
	s6 =	sadd.s32 @!p0 $0x88, s6;
	s7 =	simm.s32 @p2 $0x1082  }
0x22: {  	[simem:s7], [sflag:s8] =	dma.local @!p0 [hbm:s6], $0xF7A  }
0x23: {  	s9 =	sor.u32 $0xD0000000, s2;
	s6 =	simm.s32 $0x108;
	_ =	swait.ge @!p0 [sflag:s8], $0x0  }
0x24: {  	s3 =	sadd.s32 $0x88, s3;
	s6 =	simm.s32 @!p1 $0x1082;
	[sflag:s4] =	ssyncset.s32 $0xFFFFF086  }
0x25: {  	[simem:s6], [sflag:s4] =	dma.local [hbm:s3], $0xF7A  }
0x26: {  	[smem:$0x3F93] =	sst s1;
	(tag) =	ssettag s2;
	_ =	strace s9  }
0x27: {  	s1 =	sld [smem:$0x3FA3]  }
0x28: {  	s2 =	sld [smem:$0x3FA4]  }
0x29: {  	s4 =	sld [smem:$0x3FA6]  }
0x2a: {  	p0 =	seq.s32 s5, $0x0;
	s5 =	sld [smem:$0x3FA7]  }
0x2b: {  	s6 =	sld [smem:$0x3FA8]  }
0x2c: {  	s7 =	sld [smem:$0x3FA9]  }
0x2d: {  	s3 =	simm.s32 $0x108;
	s8 =	sld [smem:$0x3FAA]  }
0x2e: {  	s3 =	simm.s32 @!p0 $0x1082;
	s9 =	sld [smem:$0x3FAB]  }
0x2f: {  	lr =	sadd.s32 s0, s3;
	s0 =	sld [smem:$0x3FA2]  }
0x30: {  	s3 =	sld [smem:$0x3FA5]  }
0x31: {  	[smem:$0x3FAE] =	sst s10  }
0x32: {  	s10 =	sld [smem:$0x3FAC];
	_ =	sdelay $0x3  }
0x33: {  	p0 =	seq.s32 s10, $0x1;
	s10 =	sld [smem:$0x3FAE];
	_ =	sdelay $0x3  }
0x34: {  	[smem:$0x3FAE] =	sst s10  }
0x35: {  	s10 =	sld [smem:$0x3FAD];
	_ =	sdelay $0x3  }
0x36: {  	p1 =	seq.s32 s10, $0x1;
	s10 =	sld [smem:$0x3FAE];
	_ =	sdelay $0x3  }
0x37: {  	[smem:$0x3FAE] =	sst s10  }
0x38: {  	s10 =	sld [smem:$0x3FAF]  }
0x39: {  	_ = 	snop;
	(pc) =	sbr.ind lr, $3  }
0x3a: {  	_ = 	snop  }
0x3b: {  	_ = 	snop  }
0x3c: {  	p2 =	seq.s32 s10, $0x1;
	s10 =	sld [smem:$0x3FAE]  }
0x3d: {  	_ =	shalt  }
0x3e: {  	_ =	shalt  }
0x3f: {  	_ =	shalt  }
0x40: {  	_ =	shalt  }
0x41: {  	_ =	shalt  }
0x42: {  	_ =	shalt  }
0x43: {  	_ =	shalt  }
0x44: {  	_ =	shalt  }
0x45: {  	_ =	shalt  }
0x46: {  	_ =	shalt  }
0x47: {  	_ =	shalt  }
0x48: {  	_ =	shalt  }
0x49: {  	_ =	shalt  }
0x4a: {  	_ =	shalt  }
0x4b: {  	_ =	shalt  }
0x4c: {  	_ =	shalt  }
0x4d: {  	_ =	shalt  }
0x4e: {  	_ =	shalt  }
0x4f: {  	_ =	shalt  }
0x50: {  	_ =	shalt  }
0x51: {  	_ =	shalt  }
0x52: {  	_ =	shalt  }
0x53: {  	_ =	shalt  }
0x54: {  	_ =	shalt  }
0x55: {  	_ =	shalt  }
0x56: {  	_ =	shalt  }
0x57: {  	_ =	shalt  }
0x58: {  	_ =	shalt  }
0x59: {  	_ =	shalt  }
0x5a: {  	_ =	shalt  }
0x5b: {  	_ =	shalt  }
0x5c: {  	_ =	shalt  }
0x5d: {  	_ =	shalt  }
0x5e: {  	_ =	shalt  }
0x5f: {  	_ =	shalt  }
0x60: {  	_ =	shalt  }
0x61: {  	_ =	shalt  }
0x62: {  	_ =	shalt  }
0x63: {  	_ =	shalt  }
0x64: {  	_ =	shalt  }
0x65: {  	_ =	shalt  }
0x66: {  	_ =	shalt  }
0x67: {  	_ =	shalt  }
0x68: {  	_ =	shalt  }
0x69: {  	_ =	shalt  }
0x6a: {  	_ =	shalt  }
0x6b: {  	_ =	shalt  }
0x6c: {  	_ =	shalt  }
0x6d: {  	_ =	shalt  }
0x6e: {  	_ =	shalt  }
0x6f: {  	_ =	shalt  }
0x70: {  	_ =	shalt  }
0x71: {  	_ =	shalt  }
0x72: {  	_ =	shalt  }
0x73: {  	_ =	shalt  }
0x74: {  	_ =	shalt  }
0x75: {  	_ =	shalt  }
0x76: {  	_ =	shalt  }
0x77: {  	_ =	shalt  }
0x78: {  	_ =	shalt  }
0x79: {  	_ =	shalt  }
0x7a: {  	_ =	shalt  }
0x7b: {  	_ =	shalt  }
0x7c: {  	_ =	shalt  }
0x7d: {  	_ =	shalt  }
0x7e: {  	_ =	shalt  }
0x7f: {  	_ =	shalt  }
0x80: {  	_ =	shalt  }
0x81: {  	_ =	shalt  }
0x82: {  	_ =	shalt  }
0x83: {  	_ =	shalt  }
0x84: {  	_ =	shalt  }
0x85: {  	_ =	shalt  }
0x86: {  	_ =	shalt  }
0x87: {  	_ =	shalt  }
.Lfunc_end0:
.L_simem_size_0:
called_computation.1_lowered:
.L_overlay_start_0:
0x88: {  	s2 =	sld [smem:$0x3FD9]  }
0x89: {  	s3 =	sld [smem:$0x3FFE];
	_ =	sdelay $0x1  }
0x8a: {  	s1 =	srdreg.scid  }
0x8b: {  	s0 =	sand.u32 $0x1, s1  }
0x8c: {  	s16 =	sshll.u32 s0, $0xA;
	s2 =	sadd.s32 s3, s2  }
0x8d: {  	s2 =	sadd.s32 s2, s16  }
0x8e: {  	[smem:$0x3FBA] =	sst s2  }
0x8f: {  	_ = 	snop  }
0x90: {  	(tm) =	ssettm $0x1  }
0x91: {  	s17 =	sld [smem:$0x3FFB];
	_ =	sdelay $0x3  }
0x92: {  	_ =	strace s17  }
0x93: {  	s2 =	sld [smem:$0x3FFC];
	_ =	sdelay $0x3  }
0x94: {  	_ =	strace s2  }
0x95: {  	s2 =	sld [smem:$0x3FFD];
	_ =	sdelay $0x3  }
0x96: {  	_ =	strace s2  }
0x97: {  	_ =	strace $0x8FFFFFFF  }
0x98: {  	s18 =	sld [smem:$0x3FDB];
	_ =	sdelay $0x1  }
0x99: {  	s19 =	simm.s32 $_scs_section_size  }
0x9a: {  	s4 =	simm.s32 $_size__tile_overlayer_lowered;
	s5 =	simm.s32 $_tile_overlayer_lowered  }
0x9b: {  	s22 =	simm.s32 $0x1BFF;
	s21 =	sshll.u32 s5, $0x1;
	s2 =	sadd.s32 s19, s18  }
0x9c: {  	s6 =	simm.s32 $0x0;
	s20 =	sshll.u32 s4, $0x1;
	s4 =	sadd.s32 s21, s2  }
0x9d: {  	[timem:s6], [sflag:s22] =	dma.local [hbm:s4], s20  }
0x9e: {  	_ =	swait.ge [sflag:s22], s20  }
0x9f: {  	s3 =	ssub.s32 $0x0, s20;
	[sflag:s22] =	ssyncset.done $0x0  }
0xa0: {  	[sflag:s22] =	ssyncadd.s32 s3;
	_ =	sdelay $0x1  }
0xa1: {  	s23 =	simm.s32 $0x1B8B  }
0xa2: {  	_ =	swait.ge [sflag:s23], $0x1  }
0xa3: {  	[sflag:s23] =	ssyncset.done $0x0  }
0xa4: {  	s25 =	simm.s32 $0x1B8E;
	s24 =	sld [smem:$0x3FFE];
	[sflag:s23] =	ssyncadd.s32 $0xFFFFFFFF  }
0xa5: {  	s26 =	simm.s32 $execute0_lowered;
	[smem:$0x3FD2] =	sst s25  }
0xa6: {  	s4 =	sshll.u32 s26, $0x1;
	_ =	strace $0x80000049;
	[dreg:$0x1] =	wrdreg $0xFFFFFFFF  }
0xa7: {  	s28 =	simm.s32 $_size_execute0_lowered;
	s2 =	sadd.s32 s2, s4;
	[dreg:$0x0] =	wrdreg $0x0  }
0xa8: {  	s4 =	sshll.u32 s28, $0x1;
	[dreg:$0x2] =	wrdreg s2  }
0xa9: {  	[dreg:$0x3] =	wrdreg s4  }
0xaa: {  	[dreg:$0x4] =	wrdreg $0xC0  }
0xab: {  	_ =	task [dreg:s6], $0x5FFFF  }
0xac: {  	[dreg:$0x1] =	wrdreg $0xFFFFFFFF  }
0xad: {  	[dreg:$0x0] =	wrdreg $0x60  }
0xae: {  	[dreg:$0x2] =	wrdreg s24  }
0xaf: {  	[dreg:$0x3] =	wrdreg $0x128000  }
0xb0: {  	[dreg:$0x4] =	wrdreg $0x9  }
0xb1: {  	_ =	task.clear_ibuf [dreg:s6], $0x5FFFF;
	_ =	strace $0x90000049  }
0xb2: {  	s29 =	simm.s32 $0x9;
	_ =	strace $0x8000004B  }
0xb3: {  	_ =	swait.ge [sflag:s29], $0x1  }
0xb4: {  	[sflag:s29] =	ssyncadd.s32 $0xFFFFFFFF  }
0xb5: {  	_ =	strace $0x9000004B  }
0xb6: {  	_ =	sfence  }
0xb7: {  	s30 =	sld [smem:$0x0];
	_ =	sdelay $0x2  }
0xb8: {  	s31 =	sshll.u32 s1, $0xD;
	s1 =	sshrl.u32 s1, $0x2  }
0xb9: {  	s3 =	sand.u32 $0x4000, s31;
	s1 =	sadd.s32 s1, s30  }
0xba: {  	s0 =	sor.u32 s3, s0;
	s1 =	sshll.u32 s1, $0x11  }
0xbb: {  	s0 =	sor.u32 s1, s0  }
0xbc: {  	s0 =	sadd.s32 $0x8F2B, s0  }
0xbd: {  	[sflag:s0] =	ssyncadd.remote.s32 $0x1  }
0xbe: {  	_ =	sfence.sel $0xFFFF  }
0xbf: {  	[dreg:$0x0] =	wrdreg $0xFFFFFFFF;
	(pc) =	sbr.abs _section_cstart, $3  }
0xc0: {  	[dreg:$0x1] =	wrdreg $0xFFFFFFFF  }
0xc1: {  	_ =	task.clear_ibuf [dreg:s6], $0x2FFFF;
	_ =	strace $0x9FFFFFFF  }
0xc2: {  	(tm) =	ssettm $0x7FFFFFFF  }
0xc3: {  	_ =	shalt  }
tec
execute0_lowered:
.L_overlay_start_1:
0x0: {  	(tag) =	ssettag $0x1  }
0x1: {  	s5 =	rddreg [dreg:$0x0]  }
0x2: {  	s0 =	srdreg.scid;
	s1 =	rddreg [dreg:$0x1]  }
0x3: {  	s18 =	stileid.u32;
	s2 =	simm.s32 $0x0;
	s13 =	simm.s32 $0x80  }
0x4: {  	s14 =	simm.s32 $0xA800;
	s15 =	simm.s32 $0xE800;
	s16 =	simm.s32 $0x1  }
0x5: {  	s17 =	simm.s32 $0x2;
	s19 =	simm.s32 $0xA400;
	s20 =	simm.s32 $0xA480  }
0x6: {  	s6 =	sand.u32 $0x1, s0;
	s0 =	rddreg [dreg:$0x2];
	s4 =	smul.u32 $0xA80, s18  }
0x7: {  	s22 =	simm.s32 $0x0;
	[smem:$0x7FF] =	sst s2;
	s10 =	smul.u32 $0x28000, s18  }
0x8: {  	s11 =	sshll.u32 s18, $0x6;
	p0 =	sne.s32 s18, $0x0;
	s3 =	sshll.u32 s6, $0x4  }
0x9: {  	_ =	strace $0x8000004A;
	s8 =	smul.u32 $0x13900, s6;
	s31 =	ssub.s32 $0x2, s6  }
0xa: {  	s21 =	sshrl.u32 @!p0 s1, $0x3;
	s3 =	sor.u32 s18, s3;
	s9 =	sadd.s32 s4, s5  }
0xb: {  	s4 =	sadd.s32 $0x1A800, s5;
	s6 =	sshrl.u32 s31, $0x1;
	s10 =	sshrl.u32 s10, $0x2  }
0xc: {  	s18 =	simm.s32 $0x5080;
	s7 =	smul.u32 $0xA80, s3;
	s3 =	sadd.s32 $0x1BC00, s5  }
0xd: {  	s8 =	sadd.s32 s8, s5;
	s12 =	ssub.s32 s31, s6;
	s10 =	sadd.s32 s10, s1  }
0xe: {  	s6 =	sadd.s32 $0x44400, s9;
	s8 =	sadd.s32 $0x76C00, s8;
	s9 =	smax.u32 s12, $0x1  }
0xf: {  	s10 =	sshrl.u32 s10, $0x3;
	s12 =	simm.s32 $0x5400;
	s7 =	sadd.s32 s7, s5  }
0x10: {  	s5 =	sor.u32 $0x1C03, s11;
	s11 =	simm.s32 $0x3;
	s7 =	sadd.s32 $0x5800, s7  }
.LBB2_1:
0x11: {  	[spmem:s10], [sflag:s5] =	dma.local [hbm:s4], $0x1400  }
0x12: {  	_ =	swait.ge [sflag:s11], $0x1400  }
0x13: {  	[sflag:s11] =	ssyncset.done $0x0  }
0x14: {  	[sflag:s11] =	ssyncadd.s32 $0xFFFFEC00  }
0x15: {  	[tilespmem:s2], [sflag:$0x3] =	stream.linear.gather [hbm4b:s6+s2], $0x5100, $0x38;
	[tilespmem:$0x1C800] =	vst v63  }
0x16: {  	_ =	swait.ge [sflag:s11], $0x5100  }
0x17: {  	[sflag:s11] =	ssyncset.done $0x0  }
0x18: {  	[sflag:s11] =	ssyncadd.s32 $0xFFFFAF00  }
0x19: {  	[tilespmem:s12], [sflag:$0x3] =	stream.linear.gather [hbm4b:s7+s2], $0x5100, $0x38;
	[tilespmem:$0x1C800] =	vst v63  }
0x1a: {  	_ =	swait.ge [sflag:s11], $0x5100  }
0x1b: {  	[sflag:s11] =	ssyncset.done $0x0  }
0x1c: {  	[sflag:s11] =	ssyncadd.s32 $0xFFFFAF00  }
0x1d: {  	[bflag:$0x0] =	sbarrier.arrive $0xFFFF  }
0x1e: {  	[tilespmem:s14], [sflag:$0x1] =	stream.indirect.gather [hbm4b:s3+s13], $0x80, s2, s13, $0xb8;
	[tilespmem:$0x1C800] =	vst v63  }
0x1f: {  	s23 =	simm.s32 $0x80  }
0x20: {  	[tilespmem:s15], [sflag:$0x2] =	stream.indirect.gather [hbm4b:s3+s13], $0x80, s23, s13, $0xb8;
	[tilespmem:$0x1C800] =	vst v63  }
0x21: {  	_ =	swait.ge [sflag:s16], $0x4000  }
0x22: {  	[sflag:s16] =	ssyncset.done $0x0  }
0x23: {  	s29 =	simm.s32 $0x5400;
	[sflag:s16] =	ssyncadd.s32 $0xFFFFC000  }
0x24: {  	[spmem:s1] =	stream.indirect.scatter.add.f32 [tilespmem:s14], [sflag:$0x3], $0x80, s29, s13, $0xb8;
	[tilespmem:$0x1C800] =	vst v63  }
0x25: {  	_ =	swait.ge [sflag:s11], $0x4000  }
0x26: {  	[sflag:s11] =	ssyncset.done $0x0  }
0x27: {  	s30 =	simm.s32 $0x100;
	[sflag:s11] =	ssyncadd.s32 $0xFFFFC000  }
0x28: {  	[tilespmem:s14], [sflag:$0x1] =	stream.indirect.gather [hbm4b:s3+s13], $0x80, s30, s13, $0xb8;
	[tilespmem:$0x1C800] =	vst v63  }
0x29: {  	_ =	swait.ge [sflag:s17], $0x4000  }
0x2a: {  	[sflag:s17] =	ssyncset.done $0x0  }
0x2b: {  	s31 =	simm.s32 $0x5480;
	[sflag:s17] =	ssyncadd.s32 $0xFFFFC000  }
0x2c: {  	[spmem:s1] =	stream.indirect.scatter.add.f32 [tilespmem:s15], [sflag:$0x3], $0x80, s31, s13, $0xb8;
	[tilespmem:$0x1C800] =	vst v63  }
0x2d: {  	_ =	swait.ge [sflag:s11], $0x4000  }
0x2e: {  	s24 =	simm.s32 $0x800;
	s23 =	simm.s32 $0x100;
	[sflag:s11] =	ssyncset.done $0x0  }
.LBB2_2:
0x2f: {  	s25 =	sadd.s32 $0x80, s23  }
0x30: {  	[sflag:s11] =	ssyncadd.s32 $0xFFFFC000;
	s26 =	smov.u32 s24;
	s28 =	sadd.s32 $0x400, s24  }
0x31: {  	[tilespmem:s15], [sflag:$0x2] =	stream.indirect.gather [hbm4b:s3+s13], $0x80, s25, s13, $0xb8;
	[tilespmem:$0x1C800] =	vst v63  }
0x32: {  	p1 =	sne.s32 s24, $0x13C00;
	_ =	swait.ge [sflag:s16], $0x4000  }
0x33: {  	[sflag:s16] =	ssyncset.done $0x0  }
0x34: {  	s24 =	sadd.s32 $0x5400, s23;
	[sflag:s16] =	ssyncadd.s32 $0xFFFFC000  }
0x35: {  	[spmem:s1] =	stream.indirect.scatter.add.f32 [tilespmem:s14], [sflag:$0x3], $0x80, s24, s13, $0xb8;
	[tilespmem:$0x1C800] =	vst v63  }
0x36: {  	_ =	swait.ge [sflag:s11], $0x4000  }
0x37: {  	[sflag:s11] =	ssyncset.done $0x0  }
0x38: {  	s24 =	sadd.s32 $0x100, s23;
	[sflag:s11] =	ssyncadd.s32 $0xFFFFC000  }
0x39: {  	[tilespmem:s14], [sflag:$0x1] =	stream.indirect.gather [hbm4b:s3+s13], $0x80, s24, s13, $0xb8;
	[tilespmem:$0x1C800] =	vst v63  }
0x3a: {  	_ =	swait.ge [sflag:s17], $0x4000  }
.Ltmp0:
0x3b: {  	[sflag:s17] =	ssyncset.done $0x0;
	(pc) =	sbr.rel @p1 .LBB2_2-.Ltmp0, $4  }
0x3c: {  	s23 =	sadd.s32 $0x5480, s23;
	[sflag:s17] =	ssyncadd.s32 $0xFFFFC000  }
0x3d: {  	[spmem:s1] =	stream.indirect.scatter.add.f32 [tilespmem:s15], [sflag:$0x3], $0x80, s23, s13, $0xb8;
	[tilespmem:$0x1C800] =	vst v63  }
0x3e: {  	_ =	swait.ge [sflag:s11], $0x4000  }
0x3f: {  	s24 =	smov.u32 s28;
	s23 =	sshra.s32 s26, $0x2;
	[sflag:s11] =	ssyncset.done $0x0  }
0x40: {  	s24 =	sadd.s32 $0x80, s23;
	[sflag:s11] =	ssyncadd.s32 $0xFFFFC000  }
0x41: {  	[tilespmem:s15], [sflag:$0x2] =	stream.indirect.gather [hbm4b:s3+s13], $0x80, s24, s13, $0xb8;
	[tilespmem:$0x1C800] =	vst v63  }
0x42: {  	_ =	swait.ge [sflag:s16], $0x4000  }
0x43: {  	[sflag:s16] =	ssyncset.done $0x0  }
0x44: {  	s29 =	sadd.s32 $0x5400, s23;
	[sflag:s16] =	ssyncadd.s32 $0xFFFFC000  }
0x45: {  	[spmem:s1] =	stream.indirect.scatter.add.f32 [tilespmem:s14], [sflag:$0x3], $0x80, s29, s13, $0xb8;
	[tilespmem:$0x1C800] =	vst v63  }
0x46: {  	_ =	swait.ge [sflag:s11], $0x4000  }
0x47: {  	[sflag:s11] =	ssyncset.done $0x0  }
0x48: {  	s30 =	sadd.s32 $0x100, s23;
	[sflag:s11] =	ssyncadd.s32 $0xFFFFC000  }
0x49: {  	[tilespmem:s14], [sflag:$0x1] =	stream.indirect.gather [hbm4b:s3+s13], $0x80, s30, s13, $0xb8;
	[tilespmem:$0x1C800] =	vst v63  }
0x4a: {  	_ =	swait.ge [sflag:s17], $0x4000  }
0x4b: {  	[sflag:s17] =	ssyncset.done $0x0  }
0x4c: {  	s31 =	sadd.s32 $0x5480, s23;
	[sflag:s17] =	ssyncadd.s32 $0xFFFFC000  }
0x4d: {  	[spmem:s1] =	stream.indirect.scatter.add.f32 [tilespmem:s15], [sflag:$0x3], $0x80, s31, s13, $0xb8;
	[tilespmem:$0x1C800] =	vst v63  }
0x4e: {  	_ =	swait.ge [sflag:s11], $0x4000  }
0x4f: {  	[sflag:s11] =	ssyncset.done $0x0  }
0x50: {  	[sflag:s11] =	ssyncadd.s32 $0xFFFFC000  }
0x51: {  	[tilespmem:s15], [sflag:$0x2] =	stream.indirect.gather [hbm4b:s3+s13], $0x80, s18, s13, $0xb8;
	[tilespmem:$0x1C800] =	vst v63  }
0x52: {  	_ =	swait.ge [sflag:s16], $0x4000  }
0x53: {  	[sflag:s16] =	ssyncset.done $0x0  }
0x54: {  	[sflag:s16] =	ssyncadd.s32 $0xFFFFC000  }
0x55: {  	[spmem:s1] =	stream.indirect.scatter.add.f32 [tilespmem:s14], [sflag:$0x3], $0x80, s19, s13, $0xb8;
	[tilespmem:$0x1C800] =	vst v63  }
0x56: {  	_ =	swait.ge [sflag:s11], $0x4000  }
0x57: {  	[sflag:s11] =	ssyncset.done $0x0  }
0x58: {  	[sflag:s11] =	ssyncadd.s32 $0xFFFFC000  }
0x59: {  	_ =	swait.ge [sflag:s17], $0x4000  }
0x5a: {  	[sflag:s17] =	ssyncset.done $0x0  }
0x5b: {  	[sflag:s17] =	ssyncadd.s32 $0xFFFFC000  }
0x5c: {  	[spmem:s1] =	stream.indirect.scatter.add.f32 [tilespmem:s15], [sflag:$0x3], $0x80, s20, s13, $0xb8;
	[tilespmem:$0x1C800] =	vst v63  }
0x5d: {  	_ =	swait.ge [sflag:s11], $0x4000  }
0x5e: {  	s22 =	sadd.s32 $0x1, s22;
	[sflag:s11] =	ssyncset.done $0x0  }
0x5f: {  	p1 =	sne.s32 s22, s9;
	[sflag:s11] =	ssyncadd.s32 $0xFFFFC000  }
.Ltmp1:
0x60: {  	s23 =	simm.s32 @!p0 $0x3;
	[bflag:$0x0] =	sbarrier.arrive $0xFFFF;
	(pc) =	sbr.rel @p1 .LBB2_1-.Ltmp1, $4  }
0x61: {  	[hbm:s8], [sflag:s5] =	dma.local @!p0 [spmem:s21], $0x13900  }
0x62: {  	_ =	swait.ge @!p0 [sflag:s23], $0x13900  }
0x63: {  	[sflag:s23] =	ssyncset.done @!p0 $0x0  }
0x64: {  	[sflag:s23] =	ssyncadd.s32 @!p0 $0xFFFEC700  }
0x65: {  	_ =	sfence.sel $0x180000  }
0x66: {  	[bflag:$0x0] =	sbarrier.arrive $0xFFFF  }
0x67: {  	_ =	strace $0x9000004A  }
0x68: {  	s0 =	sadd.s32 @!p0 $0x100000, s0;
	[bflag:$0x2] =	sbarrier.arrive $0xFFFF  }
0x69: {  	[sflag:s0] =	ssyncadd.tile.s32 @!p0 $0x1;
	_ =	shalt  }
.Lfunc_end2:
_tile_overlayer_lowered:
.L_overlay_start_2:
0x6a: {  	(tag) =	ssettag $0x2  }
0x6b: {  	s0 =	rddreg [dreg:$0x0];
	s2 =	stileid.u32  }
0x6c: {  	s1 =	rddreg [dreg:$0x1];
	p0 =	sne.s32 s2, $0x0  }
0x6d: {  	s3 =	rddreg [dreg:$0x2];
	[bflag:$0x3] =	sbarrier.arrive $0xFFFF;
	s2 =	simm.s32 @!p0 $0x1C03  }
0x6e: {  	[timem:s3], [sflag:s2] =	dma.local @!p0 [hbm:s0], s1  }
0x6f: {  	s0 =	simm.s32 @!p0 $0x3  }
0x70: {  	_ =	swait.ge @!p0 [sflag:s0], s1  }
0x71: {  	s1 =	ssub.s32 @!p0 $0x0, s1;
	[sflag:s0] =	ssyncset.done @!p0 $0x0  }
0x72: {  	[sflag:s0] =	ssyncadd.s32 @!p0 s1  }
0x73: {  	[bflag:$0x3] =	sbarrier.arrive $0xFFFF  }
0x74: {  	_ =	shalt  }

// kernel: kernel.17.cloned.1.call-start
scs
__scs_entry_jumppad:
0x0: {  	(pc) =	sbr.rel $0x88, $3  }
0x1: {  	(tag) =	ssettag $0x0;
	lr =	simm.s32 $0x1  }
0x2: {  	[smem:$0x3F93] =	sst lr;
	_ =	strace $0xD0000000  }
0x3: {  	_ = 	snop  }
0x4: {  	_ = 	snop  }
0x5: {  	_ = 	snop  }
0x6: {  	_ = 	snop  }
0x7: {  	_ = 	snop  }
__scs_overlays_trampoline_lowered:
0x8: {  	[smem:$0x3FA2] =	sst s0  }
0x9: {  	[smem:$0x3FA3] =	sst s1  }
0xa: {  	[smem:$0x3FA4] =	sst s2  }
0xb: {  	[smem:$0x3FA5] =	sst s3  }
0xc: {  	[smem:$0x3FA6] =	sst s4  }
0xd: {  	[smem:$0x3FA7] =	sst s5  }
0xe: {  	[smem:$0x3FA8] =	sst s6  }
0xf: {  	[smem:$0x3FA9] =	sst s7  }
0x10: {  	[smem:$0x3FAA] =	sst s8  }
0x11: {  	[smem:$0x3FAB] =	sst s9;
	s0 =	simm.s32 @!p0 $0x0  }
0x12: {  	s1 =	sld [smem:$0x3F91];
	s0 =	simm.s32 @p0 $0x1  }
0x13: {  	[smem:$0x3FAC] =	sst s0;
	s0 =	simm.s32 @!p1 $0x0  }
0x14: {  	s2 =	sld [smem:$0x3F90];
	s0 =	simm.s32 @p1 $0x1  }
0x15: {  	[smem:$0x3FAD] =	sst s0;
	s0 =	simm.s32 @!p2 $0x0  }
0x16: {  	s3 =	sld [smem:$0x3FDB];
	s0 =	simm.s32 @p2 $0x1  }
0x17: {  	s4 =	simm.s32 $0x1BF5;
	[smem:$0x3FAF] =	sst s0  }
0x18: {  	s0 =	sld [smem:$0x3F92];
	_ =	swait.ge [sflag:s4], $0x0  }
0x19: {  	s7 =	sld [smem:$0x3F93]  }
0x1a: {  	s8 =	sadd.s32 $0xFFFFE003, lr  }
0x1b: {  	s9 =	sadd.s32 $0xFFFFFEF7, lr;
	s5 =	simm.s32 $0xFFFFFFFF;
	p2 =	slt.u32 s8, $0xFFFFF086  }
0x1c: {  	p1 =	slt.u32 s9, $0xF7A;
	s5 =	simm.s32 @!p2 $0x0  }
0x1d: {  	s5 =	simm.s32 @p1 $0x1;
	p0 =	seq.s32 s7, s2  }
0x1e: {  	s7 =	smul.u32 @!p0 $0xF7A, s2;
	p2 =	seq.s32 @!p0 s5, $0x0  }
0x1f: {  	s9 =	smul.u32 $0xF7A, s1;
	s8 =	simm.s32 @!p0 $0x1BF5;
	p2 =	por !p2, p0  }
0x20: {  	[sflag:s8] =	ssyncset.s32 @!p0 $0xFFFFF086;
	s6 =	sadd.s32 @!p0 s3, s7;
	s7 =	simm.s32 @!p0 $0x108  }
0x21: {  	s3 =	sadd.s32 s3, s9;
	s6 =	sadd.s32 @!p0 $0x88, s6;
	s7 =	simm.s32 @p2 $0x1082  }
0x22: {  	[simem:s7], [sflag:s8] =	dma.local @!p0 [hbm:s6], $0xF7A  }
0x23: {  	s9 =	sor.u32 $0xD0000000, s2;
	s6 =	simm.s32 $0x108;
	_ =	swait.ge @!p0 [sflag:s8], $0x0  }
0x24: {  	s3 =	sadd.s32 $0x88, s3;
	s6 =	simm.s32 @!p1 $0x1082;
	[sflag:s4] =	ssyncset.s32 $0xFFFFF086  }
0x25: {  	[simem:s6], [sflag:s4] =	dma.local [hbm:s3], $0xF7A  }
0x26: {  	[smem:$0x3F93] =	sst s1;
	(tag) =	ssettag s2;
	_ =	strace s9  }
0x27: {  	s1 =	sld [smem:$0x3FA3]  }
0x28: {  	s2 =	sld [smem:$0x3FA4]  }
0x29: {  	s4 =	sld [smem:$0x3FA6]  }
0x2a: {  	p0 =	seq.s32 s5, $0x0;
	s5 =	sld [smem:$0x3FA7]  }
0x2b: {  	s6 =	sld [smem:$0x3FA8]  }
0x2c: {  	s7 =	sld [smem:$0x3FA9]  }
0x2d: {  	s3 =	simm.s32 $0x108;
	s8 =	sld [smem:$0x3FAA]  }
0x2e: {  	s3 =	simm.s32 @!p0 $0x1082;
	s9 =	sld [smem:$0x3FAB]  }
0x2f: {  	lr =	sadd.s32 s0, s3;
	s0 =	sld [smem:$0x3FA2]  }
0x30: {  	s3 =	sld [smem:$0x3FA5]  }
0x31: {  	[smem:$0x3FAE] =	sst s10  }
0x32: {  	s10 =	sld [smem:$0x3FAC];
	_ =	sdelay $0x3  }
0x33: {  	p0 =	seq.s32 s10, $0x1;
	s10 =	sld [smem:$0x3FAE];
	_ =	sdelay $0x3  }
0x34: {  	[smem:$0x3FAE] =	sst s10  }
0x35: {  	s10 =	sld [smem:$0x3FAD];
	_ =	sdelay $0x3  }
0x36: {  	p1 =	seq.s32 s10, $0x1;
	s10 =	sld [smem:$0x3FAE];
	_ =	sdelay $0x3  }
0x37: {  	[smem:$0x3FAE] =	sst s10  }
0x38: {  	s10 =	sld [smem:$0x3FAF]  }
0x39: {  	_ = 	snop;
	(pc) =	sbr.ind lr, $3  }
0x3a: {  	_ = 	snop  }
0x3b: {  	_ = 	snop  }
0x3c: {  	p2 =	seq.s32 s10, $0x1;
	s10 =	sld [smem:$0x3FAE]  }
0x3d: {  	_ =	shalt  }
0x3e: {  	_ =	shalt  }
0x3f: {  	_ =	shalt  }
0x40: {  	_ =	shalt  }
0x41: {  	_ =	shalt  }
0x42: {  	_ =	shalt  }
0x43: {  	_ =	shalt  }
0x44: {  	_ =	shalt  }
0x45: {  	_ =	shalt  }
0x46: {  	_ =	shalt  }
0x47: {  	_ =	shalt  }
0x48: {  	_ =	shalt  }
0x49: {  	_ =	shalt  }
0x4a: {  	_ =	shalt  }
0x4b: {  	_ =	shalt  }
0x4c: {  	_ =	shalt  }
0x4d: {  	_ =	shalt  }
0x4e: {  	_ =	shalt  }
0x4f: {  	_ =	shalt  }
0x50: {  	_ =	shalt  }
0x51: {  	_ =	shalt  }
0x52: {  	_ =	shalt  }
0x53: {  	_ =	shalt  }
0x54: {  	_ =	shalt  }
0x55: {  	_ =	shalt  }
0x56: {  	_ =	shalt  }
0x57: {  	_ =	shalt  }
0x58: {  	_ =	shalt  }
0x59: {  	_ =	shalt  }
0x5a: {  	_ =	shalt  }
0x5b: {  	_ =	shalt  }
0x5c: {  	_ =	shalt  }
0x5d: {  	_ =	shalt  }
0x5e: {  	_ =	shalt  }
0x5f: {  	_ =	shalt  }
0x60: {  	_ =	shalt  }
0x61: {  	_ =	shalt  }
0x62: {  	_ =	shalt  }
0x63: {  	_ =	shalt  }
0x64: {  	_ =	shalt  }
0x65: {  	_ =	shalt  }
0x66: {  	_ =	shalt  }
0x67: {  	_ =	shalt  }
0x68: {  	_ =	shalt  }
0x69: {  	_ =	shalt  }
0x6a: {  	_ =	shalt  }
0x6b: {  	_ =	shalt  }
0x6c: {  	_ =	shalt  }
0x6d: {  	_ =	shalt  }
0x6e: {  	_ =	shalt  }
0x6f: {  	_ =	shalt  }
0x70: {  	_ =	shalt  }
0x71: {  	_ =	shalt  }
0x72: {  	_ =	shalt  }
0x73: {  	_ =	shalt  }
0x74: {  	_ =	shalt  }
0x75: {  	_ =	shalt  }
0x76: {  	_ =	shalt  }
0x77: {  	_ =	shalt  }
0x78: {  	_ =	shalt  }
0x79: {  	_ =	shalt  }
0x7a: {  	_ =	shalt  }
0x7b: {  	_ =	shalt  }
0x7c: {  	_ =	shalt  }
0x7d: {  	_ =	shalt  }
0x7e: {  	_ =	shalt  }
0x7f: {  	_ =	shalt  }
0x80: {  	_ =	shalt  }
0x81: {  	_ =	shalt  }
0x82: {  	_ =	shalt  }
0x83: {  	_ =	shalt  }
0x84: {  	_ =	shalt  }
0x85: {  	_ =	shalt  }
0x86: {  	_ =	shalt  }
0x87: {  	_ =	shalt  }
.Lfunc_end0:
.L_simem_size_0:
called_computation.2_lowered:
.L_overlay_start_0:
0x88: {  	s2 =	sld [smem:$0x3FD9]  }
0x89: {  	s3 =	sld [smem:$0x3FFE];
	_ =	sdelay $0x1  }
0x8a: {  	s1 =	srdreg.scid  }
0x8b: {  	s0 =	sand.u32 $0x1, s1  }
0x8c: {  	s16 =	sshll.u32 s0, $0xA;
	s2 =	sadd.s32 s3, s2  }
0x8d: {  	s2 =	sadd.s32 s2, s16  }
0x8e: {  	[smem:$0x3FBA] =	sst s2  }
0x8f: {  	_ = 	snop  }
0x90: {  	(tm) =	ssettm $0x1  }
0x91: {  	s17 =	sld [smem:$0x3FFB];
	_ =	sdelay $0x3  }
0x92: {  	_ =	strace s17  }
0x93: {  	s2 =	sld [smem:$0x3FFC];
	_ =	sdelay $0x3  }
0x94: {  	_ =	strace s2  }
0x95: {  	s2 =	sld [smem:$0x3FFD];
	_ =	sdelay $0x3  }
0x96: {  	_ =	strace s2  }
0x97: {  	_ =	strace $0x8FFFFFFF  }
0x98: {  	s18 =	sld [smem:$0x3FDB];
	_ =	sdelay $0x1  }
0x99: {  	s19 =	simm.s32 $_scs_section_size  }
0x9a: {  	s4 =	simm.s32 $_size__tile_overlayer_lowered;
	s5 =	simm.s32 $_tile_overlayer_lowered  }
0x9b: {  	s22 =	simm.s32 $0x1BFF;
	s21 =	sshll.u32 s5, $0x1;
	s2 =	sadd.s32 s19, s18  }
0x9c: {  	s6 =	simm.s32 $0x0;
	s20 =	sshll.u32 s4, $0x1;
	s4 =	sadd.s32 s21, s2  }
0x9d: {  	[timem:s6], [sflag:s22] =	dma.local [hbm:s4], s20  }
0x9e: {  	_ =	swait.ge [sflag:s22], s20  }
0x9f: {  	s3 =	ssub.s32 $0x0, s20;
	[sflag:s22] =	ssyncset.done $0x0  }
0xa0: {  	[sflag:s22] =	ssyncadd.s32 s3;
	_ =	sdelay $0x1  }
0xa1: {  	s23 =	simm.s32 $0x1B8B  }
0xa2: {  	_ =	swait.ge [sflag:s23], $0x1  }
0xa3: {  	[sflag:s23] =	ssyncset.done $0x0  }
0xa4: {  	s25 =	simm.s32 $0x1B8E;
	s24 =	sld [smem:$0x3FFE];
	[sflag:s23] =	ssyncadd.s32 $0xFFFFFFFF  }
0xa5: {  	s26 =	simm.s32 $execute0_lowered;
	[smem:$0x3FD2] =	sst s25  }
0xa6: {  	s4 =	sshll.u32 s26, $0x1;
	_ =	strace $0x8000004C;
	[dreg:$0x1] =	wrdreg $0xFFFFFFFF  }
0xa7: {  	s28 =	simm.s32 $_size_execute0_lowered;
	s2 =	sadd.s32 s2, s4;
	[dreg:$0x0] =	wrdreg $0x0  }
0xa8: {  	s4 =	sshll.u32 s28, $0x1;
	[dreg:$0x2] =	wrdreg s2  }
0xa9: {  	[dreg:$0x3] =	wrdreg s4  }
0xaa: {  	[dreg:$0x4] =	wrdreg $0xC0  }
0xab: {  	_ =	task [dreg:s6], $0x5FFFF  }
0xac: {  	[dreg:$0x1] =	wrdreg $0xFFFFFFFF  }
0xad: {  	[dreg:$0x0] =	wrdreg $0x60  }
0xae: {  	[dreg:$0x2] =	wrdreg s24  }
0xaf: {  	[dreg:$0x3] =	wrdreg $0x128000  }
0xb0: {  	[dreg:$0x4] =	wrdreg $0x9  }
0xb1: {  	_ =	task.clear_ibuf [dreg:s6], $0x5FFFF;
	_ =	strace $0x9000004C  }
0xb2: {  	s29 =	simm.s32 $0x9;
	_ =	strace $0x8000004E  }
0xb3: {  	_ =	swait.ge [sflag:s29], $0x1  }
0xb4: {  	[sflag:s29] =	ssyncadd.s32 $0xFFFFFFFF  }
0xb5: {  	_ =	strace $0x9000004E  }
0xb6: {  	_ =	sfence  }
0xb7: {  	s30 =	sld [smem:$0x0];
	_ =	sdelay $0x2  }
0xb8: {  	s31 =	sshll.u32 s1, $0xD;
	s1 =	sshrl.u32 s1, $0x2  }
0xb9: {  	s3 =	sand.u32 $0x4000, s31;
	s1 =	sadd.s32 s1, s30  }
0xba: {  	s0 =	sor.u32 s3, s0;
	s1 =	sshll.u32 s1, $0x11  }
0xbb: {  	s0 =	sor.u32 s1, s0  }
0xbc: {  	s0 =	sadd.s32 $0x8F2B, s0  }
0xbd: {  	[sflag:s0] =	ssyncadd.remote.s32 $0x1  }
0xbe: {  	_ =	sfence.sel $0xFFFF  }
0xbf: {  	[dreg:$0x0] =	wrdreg $0xFFFFFFFF;
	(pc) =	sbr.abs _section_cstart, $3  }
0xc0: {  	[dreg:$0x1] =	wrdreg $0xFFFFFFFF  }
0xc1: {  	_ =	task.clear_ibuf [dreg:s6], $0x2FFFF;
	_ =	strace $0x9FFFFFFF  }
0xc2: {  	(tm) =	ssettm $0x7FFFFFFF  }
0xc3: {  	_ =	shalt  }
tec
execute0_lowered:
.L_overlay_start_1:
0x0: {  	(tag) =	ssettag $0x1  }
0x1: {  	s6 =	rddreg [dreg:$0x0]  }
0x2: {  	s1 =	rddreg [dreg:$0x1];
	s2 =	srdreg.scid  }
0x3: {  	s0 =	rddreg [dreg:$0x2];
	s20 =	stileid.u32  }
0x4: {  	s12 =	simm.s32 $0x5400;
	s15 =	simm.s32 $0x80;
	s16 =	simm.s32 $0xA800  }
0x5: {  	s17 =	simm.s32 $0xE800;
	s18 =	simm.s32 $0x1;
	s19 =	simm.s32 $0x2  }
0x6: {  	s21 =	simm.s32 $0xA400;
	s22 =	simm.s32 $0xA480;
	s24 =	simm.s32 $0x0  }
0x7: {  	s5 =	sand.u32 $0x1, s2;
	s2 =	simm.s32 $0x0;
	s7 =	smul.u32 $0xA80, s20  }
0x8: {  	s11 =	smul.u32 $0x28000, s20;
	s13 =	sshll.u32 s20, $0x6;
	p0 =	sne.s32 s20, $0x0  }
0x9: {  	s3 =	sshll.u32 s5, $0x4;
	[smem:$0x7FF] =	sst s2;
	s9 =	smul.u32 $0x13900, s5  }
0xa: {  	s10 =	ssub.s32 $0x2, s5;
	s5 =	sadd.s32 $0x1A800, s6;
	s13 =	sor.u32 $0x1C03, s13  }
0xb: {  	s23 =	sshrl.u32 @!p0 s1, $0x3;
	s4 =	sor.u32 s20, s3;
	_ =	strace $0x8000004D  }
0xc: {  	s3 =	sadd.s32 $0x1BC00, s6;
	s7 =	sadd.s32 s7, s6;
	s31 =	sshrl.u32 s10, $0x1  }
0xd: {  	s11 =	sshrl.u32 s11, $0x2;
	s20 =	simm.s32 $0x5080;
	s8 =	smul.u32 $0xA80, s4  }
0xe: {  	s4 =	sadd.s32 $0x76C00, s6;
	s9 =	sadd.s32 s9, s6;
	s10 =	ssub.s32 s10, s31  }
0xf: {  	s14 =	sadd.s32 s11, s1;
	s11 =	simm.s32 $0x3;
	s10 =	smax.u32 s10, $0x1  }
0x10: {  	s14 =	sshrl.u32 s14, $0x3;
	s8 =	sadd.s32 s8, s6;
	s6 =	sadd.s32 $0x44400, s7  }
0x11: {  	s7 =	sadd.s32 $0x5800, s8;
	s8 =	sadd.s32 $0x9EC00, s9;
	s9 =	sadd.s32 $0xC6C00, s9  }
.LBB2_1:
0x12: {  	[tilespmem:s2], [sflag:$0x3] =	stream.linear.gather [hbm4b:s6+s2], $0x5100, $0x38;
	[tilespmem:$0x1C800] =	vst v63  }
0x13: {  	_ =	swait.ge [sflag:s11], $0x5100  }
0x14: {  	[sflag:s11] =	ssyncset.done $0x0  }
0x15: {  	[sflag:s11] =	ssyncadd.s32 $0xFFFFAF00  }
0x16: {  	[tilespmem:s12], [sflag:$0x3] =	stream.linear.gather [hbm4b:s7+s2], $0x5100, $0x38;
	[tilespmem:$0x1C800] =	vst v63  }
0x17: {  	_ =	swait.ge [sflag:s11], $0x5100  }
0x18: {  	[sflag:s11] =	ssyncset.done $0x0  }
0x19: {  	[sflag:s11] =	ssyncadd.s32 $0xFFFFAF00  }
0x1a: {  	[spmem:s14], [sflag:s13] =	dma.local [hbm:s5], $0x1400  }
0x1b: {  	_ =	swait.ge [sflag:s11], $0x1400  }
0x1c: {  	[sflag:s11] =	ssyncset.done $0x0  }
0x1d: {  	[sflag:s11] =	ssyncadd.s32 $0xFFFFEC00  }
0x1e: {  	[bflag:$0x0] =	sbarrier.arrive $0xFFFF  }
0x1f: {  	[tilespmem:s16], [sflag:$0x1] =	stream.indirect.gather [hbm4b:s3+s15], $0x80, s2, s15, $0xb8;
	[tilespmem:$0x1C800] =	vst v63  }
0x20: {  	s25 =	simm.s32 $0x80  }
0x21: {  	[tilespmem:s17], [sflag:$0x2] =	stream.indirect.gather [hbm4b:s3+s15], $0x80, s25, s15, $0xb8;
	[tilespmem:$0x1C800] =	vst v63  }
0x22: {  	_ =	swait.ge [sflag:s18], $0x4000  }
0x23: {  	[sflag:s18] =	ssyncset.done $0x0  }
0x24: {  	s29 =	simm.s32 $0x5400;
	[sflag:s18] =	ssyncadd.s32 $0xFFFFC000  }
0x25: {  	[spmem:s1] =	stream.indirect.scatter.add.f32 [tilespmem:s16], [sflag:$0x3], $0x80, s29, s15, $0xb8;
	[tilespmem:$0x1C800] =	vst v63  }
0x26: {  	_ =	swait.ge [sflag:s11], $0x4000  }
0x27: {  	[sflag:s11] =	ssyncset.done $0x0  }
0x28: {  	s30 =	simm.s32 $0x100;
	[sflag:s11] =	ssyncadd.s32 $0xFFFFC000  }
0x29: {  	[tilespmem:s16], [sflag:$0x1] =	stream.indirect.gather [hbm4b:s3+s15], $0x80, s30, s15, $0xb8;
	[tilespmem:$0x1C800] =	vst v63  }
0x2a: {  	_ =	swait.ge [sflag:s19], $0x4000  }
0x2b: {  	[sflag:s19] =	ssyncset.done $0x0  }
0x2c: {  	s31 =	simm.s32 $0x5480;
	[sflag:s19] =	ssyncadd.s32 $0xFFFFC000  }
0x2d: {  	[spmem:s1] =	stream.indirect.scatter.add.f32 [tilespmem:s17], [sflag:$0x3], $0x80, s31, s15, $0xb8;
	[tilespmem:$0x1C800] =	vst v63  }
0x2e: {  	_ =	swait.ge [sflag:s11], $0x4000  }
0x2f: {  	s26 =	simm.s32 $0x800;
	s25 =	simm.s32 $0x100;
	[sflag:s11] =	ssyncset.done $0x0  }
.LBB2_2:
0x30: {  	s28 =	sadd.s32 $0x80, s25  }
0x31: {  	[sflag:s11] =	ssyncadd.s32 $0xFFFFC000;
	s29 =	smov.u32 s26;
	s30 =	sadd.s32 $0x400, s26  }
0x32: {  	[tilespmem:s17], [sflag:$0x2] =	stream.indirect.gather [hbm4b:s3+s15], $0x80, s28, s15, $0xb8;
	[tilespmem:$0x1C800] =	vst v63  }
0x33: {  	p1 =	sne.s32 s26, $0x13C00;
	_ =	swait.ge [sflag:s18], $0x4000  }
0x34: {  	[sflag:s18] =	ssyncset.done $0x0  }
0x35: {  	s26 =	sadd.s32 $0x5400, s25;
	[sflag:s18] =	ssyncadd.s32 $0xFFFFC000  }
0x36: {  	[spmem:s1] =	stream.indirect.scatter.add.f32 [tilespmem:s16], [sflag:$0x3], $0x80, s26, s15, $0xb8;
	[tilespmem:$0x1C800] =	vst v63  }
0x37: {  	_ =	swait.ge [sflag:s11], $0x4000  }
0x38: {  	[sflag:s11] =	ssyncset.done $0x0  }
0x39: {  	s26 =	sadd.s32 $0x100, s25;
	[sflag:s11] =	ssyncadd.s32 $0xFFFFC000  }
0x3a: {  	[tilespmem:s16], [sflag:$0x1] =	stream.indirect.gather [hbm4b:s3+s15], $0x80, s26, s15, $0xb8;
	[tilespmem:$0x1C800] =	vst v63  }
0x3b: {  	_ =	swait.ge [sflag:s19], $0x4000  }
.Ltmp0:
0x3c: {  	[sflag:s19] =	ssyncset.done $0x0;
	(pc) =	sbr.rel @p1 .LBB2_2-.Ltmp0, $4  }
0x3d: {  	s25 =	sadd.s32 $0x5480, s25;
	[sflag:s19] =	ssyncadd.s32 $0xFFFFC000  }
0x3e: {  	[spmem:s1] =	stream.indirect.scatter.add.f32 [tilespmem:s17], [sflag:$0x3], $0x80, s25, s15, $0xb8;
	[tilespmem:$0x1C800] =	vst v63  }
0x3f: {  	_ =	swait.ge [sflag:s11], $0x4000  }
0x40: {  	s26 =	smov.u32 s30;
	s25 =	sshra.s32 s29, $0x2;
	[sflag:s11] =	ssyncset.done $0x0  }
0x41: {  	s26 =	sadd.s32 $0x80, s25;
	[sflag:s11] =	ssyncadd.s32 $0xFFFFC000  }
0x42: {  	[tilespmem:s17], [sflag:$0x2] =	stream.indirect.gather [hbm4b:s3+s15], $0x80, s26, s15, $0xb8;
	[tilespmem:$0x1C800] =	vst v63  }
0x43: {  	_ =	swait.ge [sflag:s18], $0x4000  }
0x44: {  	[sflag:s18] =	ssyncset.done $0x0  }
0x45: {  	s29 =	sadd.s32 $0x5400, s25;
	[sflag:s18] =	ssyncadd.s32 $0xFFFFC000  }
0x46: {  	[spmem:s1] =	stream.indirect.scatter.add.f32 [tilespmem:s16], [sflag:$0x3], $0x80, s29, s15, $0xb8;
	[tilespmem:$0x1C800] =	vst v63  }
0x47: {  	_ =	swait.ge [sflag:s11], $0x4000  }
0x48: {  	[sflag:s11] =	ssyncset.done $0x0  }
0x49: {  	s30 =	sadd.s32 $0x100, s25;
	[sflag:s11] =	ssyncadd.s32 $0xFFFFC000  }
0x4a: {  	[tilespmem:s16], [sflag:$0x1] =	stream.indirect.gather [hbm4b:s3+s15], $0x80, s30, s15, $0xb8;
	[tilespmem:$0x1C800] =	vst v63  }
0x4b: {  	_ =	swait.ge [sflag:s19], $0x4000  }
0x4c: {  	[sflag:s19] =	ssyncset.done $0x0  }
0x4d: {  	s31 =	sadd.s32 $0x5480, s25;
	[sflag:s19] =	ssyncadd.s32 $0xFFFFC000  }
0x4e: {  	[spmem:s1] =	stream.indirect.scatter.add.f32 [tilespmem:s17], [sflag:$0x3], $0x80, s31, s15, $0xb8;
	[tilespmem:$0x1C800] =	vst v63  }
0x4f: {  	_ =	swait.ge [sflag:s11], $0x4000  }
0x50: {  	[sflag:s11] =	ssyncset.done $0x0  }
0x51: {  	[sflag:s11] =	ssyncadd.s32 $0xFFFFC000  }
0x52: {  	[tilespmem:s17], [sflag:$0x2] =	stream.indirect.gather [hbm4b:s3+s15], $0x80, s20, s15, $0xb8;
	[tilespmem:$0x1C800] =	vst v63  }
0x53: {  	_ =	swait.ge [sflag:s18], $0x4000  }
0x54: {  	[sflag:s18] =	ssyncset.done $0x0  }
0x55: {  	[sflag:s18] =	ssyncadd.s32 $0xFFFFC000  }
0x56: {  	[spmem:s1] =	stream.indirect.scatter.add.f32 [tilespmem:s16], [sflag:$0x3], $0x80, s21, s15, $0xb8;
	[tilespmem:$0x1C800] =	vst v63  }
0x57: {  	_ =	swait.ge [sflag:s11], $0x4000  }
0x58: {  	[sflag:s11] =	ssyncset.done $0x0  }
0x59: {  	[sflag:s11] =	ssyncadd.s32 $0xFFFFC000  }
0x5a: {  	_ =	swait.ge [sflag:s19], $0x4000  }
0x5b: {  	[sflag:s19] =	ssyncset.done $0x0  }
0x5c: {  	[sflag:s19] =	ssyncadd.s32 $0xFFFFC000  }
0x5d: {  	[spmem:s1] =	stream.indirect.scatter.add.f32 [tilespmem:s17], [sflag:$0x3], $0x80, s22, s15, $0xb8;
	[tilespmem:$0x1C800] =	vst v63  }
0x5e: {  	_ =	swait.ge [sflag:s11], $0x4000  }
0x5f: {  	[sflag:s11] =	ssyncset.done $0x0  }
0x60: {  	[sflag:s11] =	ssyncadd.s32 $0xFFFFC000  }
0x61: {  	s25 =	simm.s32 @!p0 $0x3;
	[bflag:$0x0] =	sbarrier.arrive $0xFFFF  }
0x62: {  	[hbm:s8], [sflag:s13] =	dma.local @!p0 [spmem:s23], $0x13900  }
0x63: {  	_ =	swait.ge @!p0 [sflag:s25], $0x13900  }
0x64: {  	[sflag:s25] =	ssyncset.done @!p0 $0x0  }
0x65: {  	[sflag:s25] =	ssyncadd.s32 @!p0 $0xFFFEC700  }
0x66: {  	[bflag:$0x0] =	sbarrier.arrive $0xFFFF  }
0x67: {  	[spmem:s14], [sflag:s13] =	dma.local [hbm:s5], $0x1400  }
0x68: {  	_ =	swait.ge [sflag:s11], $0x1400  }
0x69: {  	[sflag:s11] =	ssyncset.done $0x0  }
0x6a: {  	[sflag:s11] =	ssyncadd.s32 $0xFFFFEC00  }
0x6b: {  	s26 =	simm.s32 $0x0;
	[bflag:$0x0] =	sbarrier.arrive $0xFFFF  }
0x6c: {  	[tilespmem:s16], [sflag:$0x1] =	stream.indirect.gather [hbm4b:s4+s15], $0x80, s26, s15, $0xb8;
	[tilespmem:$0x1C800] =	vst v63  }
0x6d: {  	s28 =	simm.s32 $0x80  }
0x6e: {  	[tilespmem:s17], [sflag:$0x2] =	stream.indirect.gather [hbm4b:s4+s15], $0x80, s28, s15, $0xb8;
	[tilespmem:$0x1C800] =	vst v63  }
0x6f: {  	_ =	swait.ge [sflag:s18], $0x4000  }
0x70: {  	[sflag:s18] =	ssyncset.done $0x0  }
0x71: {  	s29 =	simm.s32 $0x5400;
	[sflag:s18] =	ssyncadd.s32 $0xFFFFC000  }
0x72: {  	[spmem:s1] =	stream.indirect.scatter.add.f32 [tilespmem:s16], [sflag:$0x3], $0x80, s29, s15, $0xb8;
	[tilespmem:$0x1C800] =	vst v63  }
0x73: {  	_ =	swait.ge [sflag:s11], $0x4000  }
0x74: {  	[sflag:s11] =	ssyncset.done $0x0  }
0x75: {  	s30 =	simm.s32 $0x100;
	[sflag:s11] =	ssyncadd.s32 $0xFFFFC000  }
0x76: {  	[tilespmem:s16], [sflag:$0x1] =	stream.indirect.gather [hbm4b:s4+s15], $0x80, s30, s15, $0xb8;
	[tilespmem:$0x1C800] =	vst v63  }
0x77: {  	_ =	swait.ge [sflag:s19], $0x4000  }
0x78: {  	[sflag:s19] =	ssyncset.done $0x0  }
0x79: {  	s31 =	simm.s32 $0x5480;
	[sflag:s19] =	ssyncadd.s32 $0xFFFFC000  }
0x7a: {  	[spmem:s1] =	stream.indirect.scatter.add.f32 [tilespmem:s17], [sflag:$0x3], $0x80, s31, s15, $0xb8;
	[tilespmem:$0x1C800] =	vst v63  }
0x7b: {  	_ =	swait.ge [sflag:s11], $0x4000  }
0x7c: {  	s25 =	simm.s32 $0x100;
	s26 =	simm.s32 $0x800;
	[sflag:s11] =	ssyncset.done $0x0  }
.LBB2_4:
0x7d: {  	s28 =	sadd.s32 $0x80, s25  }
0x7e: {  	[sflag:s11] =	ssyncadd.s32 $0xFFFFC000;
	s29 =	smov.u32 s26;
	s30 =	sadd.s32 $0x400, s26  }
0x7f: {  	[tilespmem:s17], [sflag:$0x2] =	stream.indirect.gather [hbm4b:s4+s15], $0x80, s28, s15, $0xb8;
	[tilespmem:$0x1C800] =	vst v63  }
0x80: {  	p1 =	sne.s32 s26, $0x13C00;
	_ =	swait.ge [sflag:s18], $0x4000  }
0x81: {  	[sflag:s18] =	ssyncset.done $0x0  }
0x82: {  	s26 =	sadd.s32 $0x5400, s25;
	[sflag:s18] =	ssyncadd.s32 $0xFFFFC000  }
0x83: {  	[spmem:s1] =	stream.indirect.scatter.add.f32 [tilespmem:s16], [sflag:$0x3], $0x80, s26, s15, $0xb8;
	[tilespmem:$0x1C800] =	vst v63  }
0x84: {  	_ =	swait.ge [sflag:s11], $0x4000  }
0x85: {  	[sflag:s11] =	ssyncset.done $0x0  }
0x86: {  	s26 =	sadd.s32 $0x100, s25;
	[sflag:s11] =	ssyncadd.s32 $0xFFFFC000  }
0x87: {  	[tilespmem:s16], [sflag:$0x1] =	stream.indirect.gather [hbm4b:s4+s15], $0x80, s26, s15, $0xb8;
	[tilespmem:$0x1C800] =	vst v63  }
0x88: {  	_ =	swait.ge [sflag:s19], $0x4000  }
.Ltmp1:
0x89: {  	[sflag:s19] =	ssyncset.done $0x0;
	(pc) =	sbr.rel @p1 .LBB2_4-.Ltmp1, $4  }
0x8a: {  	s25 =	sadd.s32 $0x5480, s25;
	[sflag:s19] =	ssyncadd.s32 $0xFFFFC000  }
0x8b: {  	[spmem:s1] =	stream.indirect.scatter.add.f32 [tilespmem:s17], [sflag:$0x3], $0x80, s25, s15, $0xb8;
	[tilespmem:$0x1C800] =	vst v63  }
0x8c: {  	_ =	swait.ge [sflag:s11], $0x4000  }
0x8d: {  	s26 =	smov.u32 s30;
	s25 =	sshra.s32 s29, $0x2;
	[sflag:s11] =	ssyncset.done $0x0  }
0x8e: {  	s26 =	sadd.s32 $0x80, s25;
	[sflag:s11] =	ssyncadd.s32 $0xFFFFC000  }
0x8f: {  	[tilespmem:s17], [sflag:$0x2] =	stream.indirect.gather [hbm4b:s4+s15], $0x80, s26, s15, $0xb8;
	[tilespmem:$0x1C800] =	vst v63  }
0x90: {  	_ =	swait.ge [sflag:s18], $0x4000  }
0x91: {  	[sflag:s18] =	ssyncset.done $0x0  }
0x92: {  	s29 =	sadd.s32 $0x5400, s25;
	[sflag:s18] =	ssyncadd.s32 $0xFFFFC000  }
0x93: {  	[spmem:s1] =	stream.indirect.scatter.add.f32 [tilespmem:s16], [sflag:$0x3], $0x80, s29, s15, $0xb8;
	[tilespmem:$0x1C800] =	vst v63  }
0x94: {  	_ =	swait.ge [sflag:s11], $0x4000  }
0x95: {  	[sflag:s11] =	ssyncset.done $0x0  }
0x96: {  	s30 =	sadd.s32 $0x100, s25;
	[sflag:s11] =	ssyncadd.s32 $0xFFFFC000  }
0x97: {  	[tilespmem:s16], [sflag:$0x1] =	stream.indirect.gather [hbm4b:s4+s15], $0x80, s30, s15, $0xb8;
	[tilespmem:$0x1C800] =	vst v63  }
0x98: {  	_ =	swait.ge [sflag:s19], $0x4000  }
0x99: {  	[sflag:s19] =	ssyncset.done $0x0  }
0x9a: {  	s31 =	sadd.s32 $0x5480, s25;
	[sflag:s19] =	ssyncadd.s32 $0xFFFFC000  }
0x9b: {  	[spmem:s1] =	stream.indirect.scatter.add.f32 [tilespmem:s17], [sflag:$0x3], $0x80, s31, s15, $0xb8;
	[tilespmem:$0x1C800] =	vst v63  }
0x9c: {  	_ =	swait.ge [sflag:s11], $0x4000  }
0x9d: {  	[sflag:s11] =	ssyncset.done $0x0  }
0x9e: {  	[sflag:s11] =	ssyncadd.s32 $0xFFFFC000  }
0x9f: {  	[tilespmem:s17], [sflag:$0x2] =	stream.indirect.gather [hbm4b:s4+s15], $0x80, s20, s15, $0xb8;
	[tilespmem:$0x1C800] =	vst v63  }
0xa0: {  	_ =	swait.ge [sflag:s18], $0x4000  }
0xa1: {  	[sflag:s18] =	ssyncset.done $0x0  }
0xa2: {  	[sflag:s18] =	ssyncadd.s32 $0xFFFFC000  }
0xa3: {  	[spmem:s1] =	stream.indirect.scatter.add.f32 [tilespmem:s16], [sflag:$0x3], $0x80, s21, s15, $0xb8;
	[tilespmem:$0x1C800] =	vst v63  }
0xa4: {  	_ =	swait.ge [sflag:s11], $0x4000  }
0xa5: {  	[sflag:s11] =	ssyncset.done $0x0  }
0xa6: {  	[sflag:s11] =	ssyncadd.s32 $0xFFFFC000  }
0xa7: {  	_ =	swait.ge [sflag:s19], $0x4000  }
0xa8: {  	[sflag:s19] =	ssyncset.done $0x0  }
0xa9: {  	[sflag:s19] =	ssyncadd.s32 $0xFFFFC000  }
0xaa: {  	[spmem:s1] =	stream.indirect.scatter.add.f32 [tilespmem:s17], [sflag:$0x3], $0x80, s22, s15, $0xb8;
	[tilespmem:$0x1C800] =	vst v63  }
0xab: {  	_ =	swait.ge [sflag:s11], $0x4000  }
0xac: {  	[sflag:s11] =	ssyncset.done $0x0  }
0xad: {  	s24 =	sadd.s32 $0x1, s24;
	[sflag:s11] =	ssyncadd.s32 $0xFFFFC000  }
0xae: {  	s25 =	simm.s32 @!p0 $0x3;
	p1 =	sne.s32 s24, s10;
	[bflag:$0x0] =	sbarrier.arrive $0xFFFF  }
0xaf: {  	[hbm:s9], [sflag:s13] =	dma.local @!p0 [spmem:s23], $0x13900  }
.Ltmp2:
0xb0: {  	_ =	swait.ge @!p0 [sflag:s25], $0x13900;
	(pc) =	sbr.rel @p1 .LBB2_1-.Ltmp2, $3  }
0xb1: {  	[sflag:s25] =	ssyncset.done @!p0 $0x0  }
0xb2: {  	[sflag:s25] =	ssyncadd.s32 @!p0 $0xFFFEC700  }
0xb3: {  	[bflag:$0x0] =	sbarrier.arrive $0xFFFF;
	_ =	sdelay $0x1  }
0xb4: {  	_ =	sfence.sel $0x180000  }
0xb5: {  	[bflag:$0x0] =	sbarrier.arrive $0xFFFF  }
0xb6: {  	_ =	strace $0x9000004D  }
0xb7: {  	s0 =	sadd.s32 @!p0 $0x100000, s0;
	[bflag:$0x2] =	sbarrier.arrive $0xFFFF  }
0xb8: {  	[sflag:s0] =	ssyncadd.tile.s32 @!p0 $0x1;
	_ =	shalt  }
.Lfunc_end2:
_tile_overlayer_lowered:
.L_overlay_start_2:
0xb9: {  	(tag) =	ssettag $0x2  }
0xba: {  	s0 =	rddreg [dreg:$0x0];
	s2 =	stileid.u32  }
0xbb: {  	s1 =	rddreg [dreg:$0x1];
	p0 =	sne.s32 s2, $0x0  }
0xbc: {  	s3 =	rddreg [dreg:$0x2];
	[bflag:$0x3] =	sbarrier.arrive $0xFFFF;
	s2 =	simm.s32 @!p0 $0x1C03  }
0xbd: {  	[timem:s3], [sflag:s2] =	dma.local @!p0 [hbm:s0], s1  }
0xbe: {  	s0 =	simm.s32 @!p0 $0x3  }
0xbf: {  	_ =	swait.ge @!p0 [sflag:s0], s1  }
0xc0: {  	s1 =	ssub.s32 @!p0 $0x0, s1;
	[sflag:s0] =	ssyncset.done @!p0 $0x0  }
0xc1: {  	[sflag:s0] =	ssyncadd.s32 @!p0 s1  }
0xc2: {  	[bflag:$0x3] =	sbarrier.arrive $0xFFFF  }
0xc3: {  	_ =	shalt  }

</sc_bundles>
